<compile_context>
chip_gen: v7x
topology: tpu7x:2x2x1
jax: 0.10.2.dev20260603
libtpu: 0.0.44.dev20260713+nightly
codegen_flags: <defaults>
</compile_context>

<pallas_src>
import jax
import jax.numpy as jnp
from jax import lax
from jax.experimental import pallas as pl
from jax.experimental.pallas import tpu as pltpu
from jax.experimental.pallas import tpu_sc as plsc

_VOCAB = 1000000
_CTX = 200
_D = 64
_B = 1024
_S = 200

_NW = 32
_ROWS = _B * _S
_PER_W = _ROWS // _NW
_GCHUNK = 100
_CHUNK = 200
_NIDX = _PER_W // _GCHUNK
_NCH = _PER_W // _CHUNK
_NBUF = 8
_ROUNDS = _NCH // _NBUF
_LANES = 16


def _add_pos(rows_v, pos_v, b):
    def add_step(r, carry):
        for k in range(_D // _LANES):
            vec = pos_v[r, pl.ds(k * _LANES, _LANES)]
            plsc.addupdate(rows_v.at[b, r, pl.ds(k * _LANES, _LANES)], vec)
        return carry

    lax.fori_loop(0, _CHUNK, add_step, 0, unroll=2)


def _body(x_hbm, tok_hbm, pos_hbm, out_hbm, idx_v, pos_v, rows_v,
          g0, g1, g2, g3, g4, g5, g6, g7, osem):
    gsems = [g0, g1, g2, g3, g4, g5, g6, g7]
    wid = lax.axis_index("s") * 2 + lax.axis_index("c")
    base = wid * _PER_W

    pltpu.sync_copy(x_hbm.at[pl.ds(wid * _NIDX, _NIDX)], idx_v)
    pltpu.sync_copy(pos_hbm, pos_v)

    def round_step(g, carry):
        c0 = g * _NBUF

        descs = []
        for b in range(_NBUF):
            c = c0 + b
            d0 = pltpu.async_copy(tok_hbm.at[idx_v.at[2 * c]],
                                  rows_v.at[b, pl.ds(0, _GCHUNK)], gsems[b])
            d1 = pltpu.async_copy(tok_hbm.at[idx_v.at[2 * c + 1]],
                                  rows_v.at[b, pl.ds(_GCHUNK, _GCHUNK)],
                                  gsems[b])
            descs.append((d0, d1))

        sdescs = []
        for b in range(_NBUF):
            c = c0 + b
            descs[b][0].wait()
            descs[b][1].wait()
            _add_pos(rows_v, pos_v, b)
            sdescs.append(pltpu.async_copy(
                rows_v.at[b],
                out_hbm.at[pl.ds(base + c * _CHUNK, _CHUNK)], osem))

        for b in range(_NBUF):
            sdescs[b].wait()
        return carry

    lax.fori_loop(0, _ROUNDS, round_step, 0)


@jax.jit
def kernel(x, token_table, pos_table):
    x_flat = x.reshape(_NW * _NIDX, _GCHUNK).astype(jnp.int32)
    mesh = plsc.VectorSubcoreMesh(core_axis_name="c", subcore_axis_name="s")
    out = pl.kernel(
        _body,
        out_type=jax.ShapeDtypeStruct((_ROWS, _D), jnp.float32),
        mesh=mesh,
        compiler_params=pltpu.CompilerParams(use_tc_tiling_on_sc=False),
        scratch_types=[
            pltpu.VMEM((_NIDX, _GCHUNK), jnp.int32),
            pltpu.VMEM((_CTX, _D), jnp.float32),
            pltpu.VMEM((_NBUF, _CHUNK, _D), jnp.float32),
        ] + [pltpu.SemaphoreType.DMA] * (_NBUF + 1),
    )(x_flat, token_table, pos_table)
    return out.reshape(_B, _S, _D)

# --- scband reference (transcript-rebuilt; emitter-appended) ---
"""Pipeline reference for scband-token-position-embedding-18794776887982 (READ-ONLY COPY).

The authoritative reference and input builder live on the scoring server;
editing this copy changes nothing except your own understanding.
"""

import jax, jax.numpy as jnp
import numpy as np

VOCAB_SIZE = 1000000
CONTEXT_WINDOW = 200
EMBED_DIM = 64
BATCH = 1024
SEQ = 200


def setup_inputs(seed: int = 0) -> dict:
    key = jax.random.key(seed)
    k1, k2, k3 = jax.random.split(key, 3)
    x = jax.random.randint(k1, (BATCH, SEQ), 0, VOCAB_SIZE, dtype=jnp.int64 if jax.config.jax_enable_x64 else jnp.int32)
    token_table = jax.random.normal(k2, (VOCAB_SIZE, EMBED_DIM), dtype=jnp.float32) * 0.02
    pos_table = jax.random.normal(k3, (CONTEXT_WINDOW, EMBED_DIM), dtype=jnp.float32) * 0.02
    return {"x": x, "token_table": token_table, "pos_table": pos_table}


def reference(x, token_table, pos_table):
    # tex = token_embed(x)
    tex = jnp.take(token_table, x, axis=0)  # [B, S, D]
    # pex = pos_embed(arange(S).unsqueeze(0))
    pos_idx = jnp.arange(x.shape[-1])
    pex = jnp.take(pos_table, pos_idx, axis=0)[None, :, :]  # [1, S, D]
    return tex + pex

if __name__ == "__main__":
    import jax
    _d = setup_inputs()
    print(jax.jit(kernel)(*tuple(_d.values())))

</pallas_src>

<mosaic_0001>
#map = affine_map<(d0, d1) -> (0, 0)>
module attributes {stable_mosaic.version = 14 : i64} {
  func.func @_body(%arg0: i32, %arg1: i32, %arg2: memref<2048x100xi32, #tpu.memory_space<hbm>>, %arg3: memref<1000000x64xf32, #tpu.memory_space<hbm>>, %arg4: memref<200x64xf32, #tpu.memory_space<hbm>>, %arg5: memref<204800x64xf32, #tpu.memory_space<hbm>>, %arg6: memref<64x100xi32, #tpu.memory_space<vmem>>, %arg7: memref<200x64xf32, #tpu.memory_space<vmem>>, %arg8: memref<8x200x64xf32, #tpu.memory_space<vmem>>, %arg9: memref<!tpu.dma_semaphore, #tpu.memory_space<semaphore_mem>>, %arg10: memref<!tpu.dma_semaphore, #tpu.memory_space<semaphore_mem>>, %arg11: memref<!tpu.dma_semaphore, #tpu.memory_space<semaphore_mem>>, %arg12: memref<!tpu.dma_semaphore, #tpu.memory_space<semaphore_mem>>, %arg13: memref<!tpu.dma_semaphore, #tpu.memory_space<semaphore_mem>>, %arg14: memref<!tpu.dma_semaphore, #tpu.memory_space<semaphore_mem>>, %arg15: memref<!tpu.dma_semaphore, #tpu.memory_space<semaphore_mem>>, %arg16: memref<!tpu.dma_semaphore, #tpu.memory_space<semaphore_mem>>, %arg17: memref<!tpu.dma_semaphore, #tpu.memory_space<semaphore_mem>>) attributes {dimension_semantics = [#tpu.dimension_semantics<core_parallel>, #tpu.dimension_semantics<subcore_parallel>], iteration_bounds = array<i64: 2, 16>, scalar_prefetch = 0 : i64, scratch_operands = 12 : i64, tpu.core_type = #tpu.core_type<sc_vector_subcore>, window_params = [{transform_indices = #map}, {transform_indices = #map}, {transform_indices = #map}, {transform_indices = #map}]} {
    %mul3A = arith.constant 2 : i32
    %mul3A_0 = arith.muli %arg1, %mul3A : i32
    %add3A = arith.addi %mul3A_0, %arg0 : i32
    %mul3A_1 = arith.constant 6400 : i32
    %mul3A_2 = arith.muli %add3A, %mul3A_1 : i32
    %mul3A_3 = arith.constant 64 : i32
    %mul3A_4 = arith.muli %add3A, %mul3A_3 : i32
    "tpu.region"() ({
      %run_scoped3A = tpu.sem_alloc : memref<!tpu.dma_semaphore, #tpu.memory_space<semaphore_mem>>
      %dma_start3A = arith.constant 0 : i32
      %dma_start3A_10 = tpu.memref_slice %arg2[%mul3A_4, %dma_start3A] : memref<2048x100xi32, #tpu.memory_space<hbm>> -> memref<64x100xi32, #tpu.memory_space<hbm>>
      %dma_start3A_11 = arith.constant 0 : i32
      %dma_start3A_12 = tpu.memref_slice %arg2[%mul3A_4, %dma_start3A_11] : memref<2048x100xi32, #tpu.memory_space<hbm>> -> memref<64x100xi32, #tpu.memory_space<hbm>>
      tpu.enqueue_dma source(%dma_start3A_12 : memref<64x100xi32, #tpu.memory_space<hbm>>) target(%arg6 : memref<64x100xi32, #tpu.memory_space<vmem>>) target_semaphore(%run_scoped3A : memref<!tpu.dma_semaphore, #tpu.memory_space<semaphore_mem>>)
      %dma_wait3A = arith.constant 0 : i32
      %dma_wait3A_13 = tpu.memref_slice %arg2[%mul3A_4, %dma_wait3A] : memref<2048x100xi32, #tpu.memory_space<hbm>> -> memref<64x100xi32, #tpu.memory_space<hbm>>
      %dma_wait3A_14 = arith.constant 0 : i32
      %dma_wait3A_15 = tpu.memref_slice %arg2[%mul3A_4, %dma_wait3A_14] : memref<2048x100xi32, #tpu.memory_space<hbm>> -> memref<64x100xi32, #tpu.memory_space<hbm>>
      tpu.wait_dma2 semaphore(%run_scoped3A : memref<!tpu.dma_semaphore, #tpu.memory_space<semaphore_mem>>) src(%dma_wait3A_15 : memref<64x100xi32, #tpu.memory_space<hbm>>) dst(%arg6 : memref<64x100xi32, #tpu.memory_space<vmem>>)
      tpu.yield
    }) : () -> ()
    "tpu.region"() ({
      %run_scoped3A = tpu.sem_alloc : memref<!tpu.dma_semaphore, #tpu.memory_space<semaphore_mem>>
      tpu.enqueue_dma source(%arg4 : memref<200x64xf32, #tpu.memory_space<hbm>>) target(%arg7 : memref<200x64xf32, #tpu.memory_space<vmem>>) target_semaphore(%run_scoped3A : memref<!tpu.dma_semaphore, #tpu.memory_space<semaphore_mem>>)
      tpu.wait_dma2 semaphore(%run_scoped3A : memref<!tpu.dma_semaphore, #tpu.memory_space<semaphore_mem>>) src(%arg4 : memref<200x64xf32, #tpu.memory_space<hbm>>) dst(%arg7 : memref<200x64xf32, #tpu.memory_space<vmem>>)
      tpu.yield
    }) : () -> ()
    %scan3A = arith.constant 0 : i32
    %scan3A_5 = arith.constant 0 : i32
    %scan3A_6 = arith.constant 4 : i32
    %scan3A_7 = arith.addi %scan3A_5, %scan3A_6 : i32
    %scan3A_8 = arith.constant 1 : i32
    scf.for %scan3A_10 = %scan3A_5 to %scan3A_7 step %scan3A_8  : i32 {
      %mul3A_11 = arith.constant 8 : i32
      %mul3A_12 = arith.muli %scan3A_10, %mul3A_11 : i32
      %add3A_13 = arith.constant 0 : i32
      %add3A_14 = arith.addi %mul3A_12, %add3A_13 : i32
      %mul3A_15 = arith.constant 2 : i32
      %mul3A_16 = arith.muli %mul3A_15, %add3A_14 : i32
      %dma_start3A = arith.constant 0 : i32
      %dma_start3A_17 = arith.constant 0 : i32
      %dma_start3A_18 = arith.constant 0 : i32
      %dma_start3A_19 = tpu.memref_slice %arg8[%dma_start3A, %dma_start3A_17, %dma_start3A_18] : memref<8x200x64xf32, #tpu.memory_space<vmem>> -> memref<1x100x64xf32, #tpu.memory_space<vmem>>
      %dma_start3A_20 = tpu.memref_squeeze %dma_start3A_19 : memref<1x100x64xf32, #tpu.memory_space<vmem>> -> memref<100x64xf32, #tpu.memory_space<vmem>>
      %dma_start3A_21 = arith.constant 0 : i32
      %dma_start3A_22 = tpu.memref_slice %arg6[%mul3A_16, %dma_start3A_21] : memref<64x100xi32, #tpu.memory_space<vmem>> -> memref<1x100xi32, #tpu.memory_space<vmem>>
      %dma_start3A_23 = tpu.memref_squeeze %dma_start3A_22 : memref<1x100xi32, #tpu.memory_space<vmem>> -> memref<100xi32, #tpu.memory_space<vmem>>
      %dma_start3A_24 = arith.constant 0 : i32
      %dma_start3A_25 = arith.constant 0 : i32
      %dma_start3A_26 = tpu.memref_slice %arg3[%dma_start3A_24, %dma_start3A_25] : memref<1000000x64xf32, #tpu.memory_space<hbm>> -> memref<1000000x64xf32, #tpu.memory_space<hbm>>
      tpu.enqueue_indirect_dma source(%dma_start3A_26 : memref<1000000x64xf32, #tpu.memory_space<hbm>>) target(%dma_start3A_20 : memref<100x64xf32, #tpu.memory_space<vmem>>) offsets(%dma_start3A_23 : memref<100xi32, #tpu.memory_space<vmem>>) semaphore(%arg9 : memref<!tpu.dma_semaphore, #tpu.memory_space<semaphore_mem>>)
      %mul3A_27 = arith.constant 2 : i32
      %mul3A_28 = arith.muli %mul3A_27, %add3A_14 : i32
      %add3A_29 = arith.constant 1 : i32
      %add3A_30 = arith.addi %mul3A_28, %add3A_29 : i32
      %dma_start3A_31 = arith.constant 0 : i32
      %dma_start3A_32 = arith.constant 100 : i32
      %dma_start3A_33 = arith.constant 0 : i32
      %dma_start3A_34 = tpu.memref_slice %arg8[%dma_start3A_31, %dma_start3A_32, %dma_start3A_33] : memref<8x200x64xf32, #tpu.memory_space<vmem>> -> memref<1x100x64xf32, #tpu.memory_space<vmem>>
      %dma_start3A_35 = tpu.memref_squeeze %dma_start3A_34 : memref<1x100x64xf32, #tpu.memory_space<vmem>> -> memref<100x64xf32, #tpu.memory_space<vmem>>
      %dma_start3A_36 = arith.constant 0 : i32
      %dma_start3A_37 = tpu.memref_slice %arg6[%add3A_30, %dma_start3A_36] : memref<64x100xi32, #tpu.memory_space<vmem>> -> memref<1x100xi32, #tpu.memory_space<vmem>>
      %dma_start3A_38 = tpu.memref_squeeze %dma_start3A_37 : memref<1x100xi32, #tpu.memory_space<vmem>> -> memref<100xi32, #tpu.memory_space<vmem>>
      %dma_start3A_39 = arith.constant 0 : i32
      %dma_start3A_40 = arith.constant 0 : i32
      %dma_start3A_41 = tpu.memref_slice %arg3[%dma_start3A_39, %dma_start3A_40] : memref<1000000x64xf32, #tpu.memory_space<hbm>> -> memref<1000000x64xf32, #tpu.memory_space<hbm>>
      tpu.enqueue_indirect_dma source(%dma_start3A_41 : memref<1000000x64xf32, #tpu.memory_space<hbm>>) target(%dma_start3A_35 : memref<100x64xf32, #tpu.memory_space<vmem>>) offsets(%dma_start3A_38 : memref<100xi32, #tpu.memory_space<vmem>>) semaphore(%arg9 : memref<!tpu.dma_semaphore, #tpu.memory_space<semaphore_mem>>)
      %add3A_42 = arith.constant 1 : i32
      %add3A_43 = arith.addi %mul3A_12, %add3A_42 : i32
      %mul3A_44 = arith.constant 2 : i32
      %mul3A_45 = arith.muli %mul3A_44, %add3A_43 : i32
      %dma_start3A_46 = arith.constant 1 : i32
      %dma_start3A_47 = arith.constant 0 : i32
      %dma_start3A_48 = arith.constant 0 : i32
      %dma_start3A_49 = tpu.memref_slice %arg8[%dma_start3A_46, %dma_start3A_47, %dma_start3A_48] : memref<8x200x64xf32, #tpu.memory_space<vmem>> -> memref<1x100x64xf32, #tpu.memory_space<vmem>>
      %dma_start3A_50 = tpu.memref_squeeze %dma_start3A_49 : memref<1x100x64xf32, #tpu.memory_space<vmem>> -> memref<100x64xf32, #tpu.memory_space<vmem>>
      %dma_start3A_51 = arith.constant 0 : i32
      %dma_start3A_52 = tpu.memref_slice %arg6[%mul3A_45, %dma_start3A_51] : memref<64x100xi32, #tpu.memory_space<vmem>> -> memref<1x100xi32, #tpu.memory_space<vmem>>
      %dma_start3A_53 = tpu.memref_squeeze %dma_start3A_52 : memref<1x100xi32, #tpu.memory_space<vmem>> -> memref<100xi32, #tpu.memory_space<vmem>>
      %dma_start3A_54 = arith.constant 0 : i32
      %dma_start3A_55 = arith.constant 0 : i32
      %dma_start3A_56 = tpu.memref_slice %arg3[%dma_start3A_54, %dma_start3A_55] : memref<1000000x64xf32, #tpu.memory_space<hbm>> -> memref<1000000x64xf32, #tpu.memory_space<hbm>>
      tpu.enqueue_indirect_dma source(%dma_start3A_56 : memref<1000000x64xf32, #tpu.memory_space<hbm>>) target(%dma_start3A_50 : memref<100x64xf32, #tpu.memory_space<vmem>>) offsets(%dma_start3A_53 : memref<100xi32, #tpu.memory_space<vmem>>) semaphore(%arg10 : memref<!tpu.dma_semaphore, #tpu.memory_space<semaphore_mem>>)
      %mul3A_57 = arith.constant 2 : i32
      %mul3A_58 = arith.muli %mul3A_57, %add3A_43 : i32
      %add3A_59 = arith.constant 1 : i32
      %add3A_60 = arith.addi %mul3A_58, %add3A_59 : i32
      %dma_start3A_61 = arith.constant 1 : i32
      %dma_start3A_62 = arith.constant 100 : i32
      %dma_start3A_63 = arith.constant 0 : i32
      %dma_start3A_64 = tpu.memref_slice %arg8[%dma_start3A_61, %dma_start3A_62, %dma_start3A_63] : memref<8x200x64xf32, #tpu.memory_space<vmem>> -> memref<1x100x64xf32, #tpu.memory_space<vmem>>
      %dma_start3A_65 = tpu.memref_squeeze %dma_start3A_64 : memref<1x100x64xf32, #tpu.memory_space<vmem>> -> memref<100x64xf32, #tpu.memory_space<vmem>>
      %dma_start3A_66 = arith.constant 0 : i32
      %dma_start3A_67 = tpu.memref_slice %arg6[%add3A_60, %dma_start3A_66] : memref<64x100xi32, #tpu.memory_space<vmem>> -> memref<1x100xi32, #tpu.memory_space<vmem>>
      %dma_start3A_68 = tpu.memref_squeeze %dma_start3A_67 : memref<1x100xi32, #tpu.memory_space<vmem>> -> memref<100xi32, #tpu.memory_space<vmem>>
      %dma_start3A_69 = arith.constant 0 : i32
      %dma_start3A_70 = arith.constant 0 : i32
      %dma_start3A_71 = tpu.memref_slice %arg3[%dma_start3A_69, %dma_start3A_70] : memref<1000000x64xf32, #tpu.memory_space<hbm>> -> memref<1000000x64xf32, #tpu.memory_space<hbm>>
      tpu.enqueue_indirect_dma source(%dma_start3A_71 : memref<1000000x64xf32, #tpu.memory_space<hbm>>) target(%dma_start3A_65 : memref<100x64xf32, #tpu.memory_space<vmem>>) offsets(%dma_start3A_68 : memref<100xi32, #tpu.memory_space<vmem>>) semaphore(%arg10 : memref<!tpu.dma_semaphore, #tpu.memory_space<semaphore_mem>>)
      %add3A_72 = arith.constant 2 : i32
      %add3A_73 = arith.addi %mul3A_12, %add3A_72 : i32
      %mul3A_74 = arith.constant 2 : i32
      %mul3A_75 = arith.muli %mul3A_74, %add3A_73 : i32
      %dma_start3A_76 = arith.constant 2 : i32
      %dma_start3A_77 = arith.constant 0 : i32
      %dma_start3A_78 = arith.constant 0 : i32
      %dma_start3A_79 = tpu.memref_slice %arg8[%dma_start3A_76, %dma_start3A_77, %dma_start3A_78] : memref<8x200x64xf32, #tpu.memory_space<vmem>> -> memref<1x100x64xf32, #tpu.memory_space<vmem>>
      %dma_start3A_80 = tpu.memref_squeeze %dma_start3A_79 : memref<1x100x64xf32, #tpu.memory_space<vmem>> -> memref<100x64xf32, #tpu.memory_space<vmem>>
      %dma_start3A_81 = arith.constant 0 : i32
      %dma_start3A_82 = tpu.memref_slice %arg6[%mul3A_75, %dma_start3A_81] : memref<64x100xi32, #tpu.memory_space<vmem>> -> memref<1x100xi32, #tpu.memory_space<vmem>>
      %dma_start3A_83 = tpu.memref_squeeze %dma_start3A_82 : memref<1x100xi32, #tpu.memory_space<vmem>> -> memref<100xi32, #tpu.memory_space<vmem>>
      %dma_start3A_84 = arith.constant 0 : i32
      %dma_start3A_85 = arith.constant 0 : i32
      %dma_start3A_86 = tpu.memref_slice %arg3[%dma_start3A_84, %dma_start3A_85] : memref<1000000x64xf32, #tpu.memory_space<hbm>> -> memref<1000000x64xf32, #tpu.memory_space<hbm>>
      tpu.enqueue_indirect_dma source(%dma_start3A_86 : memref<1000000x64xf32, #tpu.memory_space<hbm>>) target(%dma_start3A_80 : memref<100x64xf32, #tpu.memory_space<vmem>>) offsets(%dma_start3A_83 : memref<100xi32, #tpu.memory_space<vmem>>) semaphore(%arg11 : memref<!tpu.dma_semaphore, #tpu.memory_space<semaphore_mem>>)
      %mul3A_87 = arith.constant 2 : i32
      %mul3A_88 = arith.muli %mul3A_87, %add3A_73 : i32
      %add3A_89 = arith.constant 1 : i32
      %add3A_90 = arith.addi %mul3A_88, %add3A_89 : i32
      %dma_start3A_91 = arith.constant 2 : i32
      %dma_start3A_92 = arith.constant 100 : i32
      %dma_start3A_93 = arith.constant 0 : i32
      %dma_start3A_94 = tpu.memref_slice %arg8[%dma_start3A_91, %dma_start3A_92, %dma_start3A_93] : memref<8x200x64xf32, #tpu.memory_space<vmem>> -> memref<1x100x64xf32, #tpu.memory_space<vmem>>
      %dma_start3A_95 = tpu.memref_squeeze %dma_start3A_94 : memref<1x100x64xf32, #tpu.memory_space<vmem>> -> memref<100x64xf32, #tpu.memory_space<vmem>>
      %dma_start3A_96 = arith.constant 0 : i32
      %dma_start3A_97 = tpu.memref_slice %arg6[%add3A_90, %dma_start3A_96] : memref<64x100xi32, #tpu.memory_space<vmem>> -> memref<1x100xi32, #tpu.memory_space<vmem>>
      %dma_start3A_98 = tpu.memref_squeeze %dma_start3A_97 : memref<1x100xi32, #tpu.memory_space<vmem>> -> memref<100xi32, #tpu.memory_space<vmem>>
      %dma_start3A_99 = arith.constant 0 : i32
      %dma_start3A_100 = arith.constant 0 : i32
      %dma_start3A_101 = tpu.memref_slice %arg3[%dma_start3A_99, %dma_start3A_100] : memref<1000000x64xf32, #tpu.memory_space<hbm>> -> memref<1000000x64xf32, #tpu.memory_space<hbm>>
      tpu.enqueue_indirect_dma source(%dma_start3A_101 : memref<1000000x64xf32, #tpu.memory_space<hbm>>) target(%dma_start3A_95 : memref<100x64xf32, #tpu.memory_space<vmem>>) offsets(%dma_start3A_98 : memref<100xi32, #tpu.memory_space<vmem>>) semaphore(%arg11 : memref<!tpu.dma_semaphore, #tpu.memory_space<semaphore_mem>>)
      %add3A_102 = arith.constant 3 : i32
      %add3A_103 = arith.addi %mul3A_12, %add3A_102 : i32
      %mul3A_104 = arith.constant 2 : i32
      %mul3A_105 = arith.muli %mul3A_104, %add3A_103 : i32
      %dma_start3A_106 = arith.constant 3 : i32
      %dma_start3A_107 = arith.constant 0 : i32
      %dma_start3A_108 = arith.constant 0 : i32
      %dma_start3A_109 = tpu.memref_slice %arg8[%dma_start3A_106, %dma_start3A_107, %dma_start3A_108] : memref<8x200x64xf32, #tpu.memory_space<vmem>> -> memref<1x100x64xf32, #tpu.memory_space<vmem>>
      %dma_start3A_110 = tpu.memref_squeeze %dma_start3A_109 : memref<1x100x64xf32, #tpu.memory_space<vmem>> -> memref<100x64xf32, #tpu.memory_space<vmem>>
      %dma_start3A_111 = arith.constant 0 : i32
      %dma_start3A_112 = tpu.memref_slice %arg6[%mul3A_105, %dma_start3A_111] : memref<64x100xi32, #tpu.memory_space<vmem>> -> memref<1x100xi32, #tpu.memory_space<vmem>>
      %dma_start3A_113 = tpu.memref_squeeze %dma_start3A_112 : memref<1x100xi32, #tpu.memory_space<vmem>> -> memref<100xi32, #tpu.memory_space<vmem>>
      %dma_start3A_114 = arith.constant 0 : i32
      %dma_start3A_115 = arith.constant 0 : i32
      %dma_start3A_116 = tpu.memref_slice %arg3[%dma_start3A_114, %dma_start3A_115] : memref<1000000x64xf32, #tpu.memory_space<hbm>> -> memref<1000000x64xf32, #tpu.memory_space<hbm>>
      tpu.enqueue_indirect_dma source(%dma_start3A_116 : memref<1000000x64xf32, #tpu.memory_space<hbm>>) target(%dma_start3A_110 : memref<100x64xf32, #tpu.memory_space<vmem>>) offsets(%dma_start3A_113 : memref<100xi32, #tpu.memory_space<vmem>>) semaphore(%arg12 : memref<!tpu.dma_semaphore, #tpu.memory_space<semaphore_mem>>)
      %mul3A_117 = arith.constant 2 : i32
      %mul3A_118 = arith.muli %mul3A_117, %add3A_103 : i32
      %add3A_119 = arith.constant 1 : i32
      %add3A_120 = arith.addi %mul3A_118, %add3A_119 : i32
      %dma_start3A_121 = arith.constant 3 : i32
      %dma_start3A_122 = arith.constant 100 : i32
      %dma_start3A_123 = arith.constant 0 : i32
      %dma_start3A_124 = tpu.memref_slice %arg8[%dma_start3A_121, %dma_start3A_122, %dma_start3A_123] : memref<8x200x64xf32, #tpu.memory_space<vmem>> -> memref<1x100x64xf32, #tpu.memory_space<vmem>>
      %dma_start3A_125 = tpu.memref_squeeze %dma_start3A_124 : memref<1x100x64xf32, #tpu.memory_space<vmem>> -> memref<100x64xf32, #tpu.memory_space<vmem>>
      %dma_start3A_126 = arith.constant 0 : i32
      %dma_start3A_127 = tpu.memref_slice %arg6[%add3A_120, %dma_start3A_126] : memref<64x100xi32, #tpu.memory_space<vmem>> -> memref<1x100xi32, #tpu.memory_space<vmem>>
      %dma_start3A_128 = tpu.memref_squeeze %dma_start3A_127 : memref<1x100xi32, #tpu.memory_space<vmem>> -> memref<100xi32, #tpu.memory_space<vmem>>
      %dma_start3A_129 = arith.constant 0 : i32
      %dma_start3A_130 = arith.constant 0 : i32
      %dma_start3A_131 = tpu.memref_slice %arg3[%dma_start3A_129, %dma_start3A_130] : memref<1000000x64xf32, #tpu.memory_space<hbm>> -> memref<1000000x64xf32, #tpu.memory_space<hbm>>
      tpu.enqueue_indirect_dma source(%dma_start3A_131 : memref<1000000x64xf32, #tpu.memory_space<hbm>>) target(%dma_start3A_125 : memref<100x64xf32, #tpu.memory_space<vmem>>) offsets(%dma_start3A_128 : memref<100xi32, #tpu.memory_space<vmem>>) semaphore(%arg12 : memref<!tpu.dma_semaphore, #tpu.memory_space<semaphore_mem>>)
      %add3A_132 = arith.constant 4 : i32
      %add3A_133 = arith.addi %mul3A_12, %add3A_132 : i32
      %mul3A_134 = arith.constant 2 : i32
      %mul3A_135 = arith.muli %mul3A_134, %add3A_133 : i32
      %dma_start3A_136 = arith.constant 4 : i32
      %dma_start3A_137 = arith.constant 0 : i32
      %dma_start3A_138 = arith.constant 0 : i32
      %dma_start3A_139 = tpu.memref_slice %arg8[%dma_start3A_136, %dma_start3A_137, %dma_start3A_138] : memref<8x200x64xf32, #tpu.memory_space<vmem>> -> memref<1x100x64xf32, #tpu.memory_space<vmem>>
      %dma_start3A_140 = tpu.memref_squeeze %dma_start3A_139 : memref<1x100x64xf32, #tpu.memory_space<vmem>> -> memref<100x64xf32, #tpu.memory_space<vmem>>
      %dma_start3A_141 = arith.constant 0 : i32
      %dma_start3A_142 = tpu.memref_slice %arg6[%mul3A_135, %dma_start3A_141] : memref<64x100xi32, #tpu.memory_space<vmem>> -> memref<1x100xi32, #tpu.memory_space<vmem>>
      %dma_start3A_143 = tpu.memref_squeeze %dma_start3A_142 : memref<1x100xi32, #tpu.memory_space<vmem>> -> memref<100xi32, #tpu.memory_space<vmem>>
      %dma_start3A_144 = arith.constant 0 : i32
      %dma_start3A_145 = arith.constant 0 : i32
      %dma_start3A_146 = tpu.memref_slice %arg3[%dma_start3A_144, %dma_start3A_145] : memref<1000000x64xf32, #tpu.memory_space<hbm>> -> memref<1000000x64xf32, #tpu.memory_space<hbm>>
      tpu.enqueue_indirect_dma source(%dma_start3A_146 : memref<1000000x64xf32, #tpu.memory_space<hbm>>) target(%dma_start3A_140 : memref<100x64xf32, #tpu.memory_space<vmem>>) offsets(%dma_start3A_143 : memref<100xi32, #tpu.memory_space<vmem>>) semaphore(%arg13 : memref<!tpu.dma_semaphore, #tpu.memory_space<semaphore_mem>>)
      %mul3A_147 = arith.constant 2 : i32
      %mul3A_148 = arith.muli %mul3A_147, %add3A_133 : i32
      %add3A_149 = arith.constant 1 : i32
      %add3A_150 = arith.addi %mul3A_148, %add3A_149 : i32
      %dma_start3A_151 = arith.constant 4 : i32
      %dma_start3A_152 = arith.constant 100 : i32
      %dma_start3A_153 = arith.constant 0 : i32
      %dma_start3A_154 = tpu.memref_slice %arg8[%dma_start3A_151, %dma_start3A_152, %dma_start3A_153] : memref<8x200x64xf32, #tpu.memory_space<vmem>> -> memref<1x100x64xf32, #tpu.memory_space<vmem>>
      %dma_start3A_155 = tpu.memref_squeeze %dma_start3A_154 : memref<1x100x64xf32, #tpu.memory_space<vmem>> -> memref<100x64xf32, #tpu.memory_space<vmem>>
      %dma_start3A_156 = arith.constant 0 : i32
      %dma_start3A_157 = tpu.memref_slice %arg6[%add3A_150, %dma_start3A_156] : memref<64x100xi32, #tpu.memory_space<vmem>> -> memref<1x100xi32, #tpu.memory_space<vmem>>
      %dma_start3A_158 = tpu.memref_squeeze %dma_start3A_157 : memref<1x100xi32, #tpu.memory_space<vmem>> -> memref<100xi32, #tpu.memory_space<vmem>>
      %dma_start3A_159 = arith.constant 0 : i32
      %dma_start3A_160 = arith.constant 0 : i32
      %dma_start3A_161 = tpu.memref_slice %arg3[%dma_start3A_159, %dma_start3A_160] : memref<1000000x64xf32, #tpu.memory_space<hbm>> -> memref<1000000x64xf32, #tpu.memory_space<hbm>>
      tpu.enqueue_indirect_dma source(%dma_start3A_161 : memref<1000000x64xf32, #tpu.memory_space<hbm>>) target(%dma_start3A_155 : memref<100x64xf32, #tpu.memory_space<vmem>>) offsets(%dma_start3A_158 : memref<100xi32, #tpu.memory_space<vmem>>) semaphore(%arg13 : memref<!tpu.dma_semaphore, #tpu.memory_space<semaphore_mem>>)
      %add3A_162 = arith.constant 5 : i32
      %add3A_163 = arith.addi %mul3A_12, %add3A_162 : i32
      %mul3A_164 = arith.constant 2 : i32
      %mul3A_165 = arith.muli %mul3A_164, %add3A_163 : i32
      %dma_start3A_166 = arith.constant 5 : i32
      %dma_start3A_167 = arith.constant 0 : i32
      %dma_start3A_168 = arith.constant 0 : i32
      %dma_start3A_169 = tpu.memref_slice %arg8[%dma_start3A_166, %dma_start3A_167, %dma_start3A_168] : memref<8x200x64xf32, #tpu.memory_space<vmem>> -> memref<1x100x64xf32, #tpu.memory_space<vmem>>
      %dma_start3A_170 = tpu.memref_squeeze %dma_start3A_169 : memref<1x100x64xf32, #tpu.memory_space<vmem>> -> memref<100x64xf32, #tpu.memory_space<vmem>>
      %dma_start3A_171 = arith.constant 0 : i32
      %dma_start3A_172 = tpu.memref_slice %arg6[%mul3A_165, %dma_start3A_171] : memref<64x100xi32, #tpu.memory_space<vmem>> -> memref<1x100xi32, #tpu.memory_space<vmem>>
      %dma_start3A_173 = tpu.memref_squeeze %dma_start3A_172 : memref<1x100xi32, #tpu.memory_space<vmem>> -> memref<100xi32, #tpu.memory_space<vmem>>
      %dma_start3A_174 = arith.constant 0 : i32
      %dma_start3A_175 = arith.constant 0 : i32
      %dma_start3A_176 = tpu.memref_slice %arg3[%dma_start3A_174, %dma_start3A_175] : memref<1000000x64xf32, #tpu.memory_space<hbm>> -> memref<1000000x64xf32, #tpu.memory_space<hbm>>
      tpu.enqueue_indirect_dma source(%dma_start3A_176 : memref<1000000x64xf32, #tpu.memory_space<hbm>>) target(%dma_start3A_170 : memref<100x64xf32, #tpu.memory_space<vmem>>) offsets(%dma_start3A_173 : memref<100xi32, #tpu.memory_space<vmem>>) semaphore(%arg14 : memref<!tpu.dma_semaphore, #tpu.memory_space<semaphore_mem>>)
      %mul3A_177 = arith.constant 2 : i32
      %mul3A_178 = arith.muli %mul3A_177, %add3A_163 : i32
      %add3A_179 = arith.constant 1 : i32
      %add3A_180 = arith.addi %mul3A_178, %add3A_179 : i32
      %dma_start3A_181 = arith.constant 5 : i32
      %dma_start3A_182 = arith.constant 100 : i32
      %dma_start3A_183 = arith.constant 0 : i32
      %dma_start3A_184 = tpu.memref_slice %arg8[%dma_start3A_181, %dma_start3A_182, %dma_start3A_183] : memref<8x200x64xf32, #tpu.memory_space<vmem>> -> memref<1x100x64xf32, #tpu.memory_space<vmem>>
      %dma_start3A_185 = tpu.memref_squeeze %dma_start3A_184 : memref<1x100x64xf32, #tpu.memory_space<vmem>> -> memref<100x64xf32, #tpu.memory_space<vmem>>
      %dma_start3A_186 = arith.constant 0 : i32
      %dma_start3A_187 = tpu.memref_slice %arg6[%add3A_180, %dma_start3A_186] : memref<64x100xi32, #tpu.memory_space<vmem>> -> memref<1x100xi32, #tpu.memory_space<vmem>>
      %dma_start3A_188 = tpu.memref_squeeze %dma_start3A_187 : memref<1x100xi32, #tpu.memory_space<vmem>> -> memref<100xi32, #tpu.memory_space<vmem>>
      %dma_start3A_189 = arith.constant 0 : i32
      %dma_start3A_190 = arith.constant 0 : i32
      %dma_start3A_191 = tpu.memref_slice %arg3[%dma_start3A_189, %dma_start3A_190] : memref<1000000x64xf32, #tpu.memory_space<hbm>> -> memref<1000000x64xf32, #tpu.memory_space<hbm>>
      tpu.enqueue_indirect_dma source(%dma_start3A_191 : memref<1000000x64xf32, #tpu.memory_space<hbm>>) target(%dma_start3A_185 : memref<100x64xf32, #tpu.memory_space<vmem>>) offsets(%dma_start3A_188 : memref<100xi32, #tpu.memory_space<vmem>>) semaphore(%arg14 : memref<!tpu.dma_semaphore, #tpu.memory_space<semaphore_mem>>)
      %add3A_192 = arith.constant 6 : i32
      %add3A_193 = arith.addi %mul3A_12, %add3A_192 : i32
      %mul3A_194 = arith.constant 2 : i32
      %mul3A_195 = arith.muli %mul3A_194, %add3A_193 : i32
      %dma_start3A_196 = arith.constant 6 : i32
      %dma_start3A_197 = arith.constant 0 : i32
      %dma_start3A_198 = arith.constant 0 : i32
      %dma_start3A_199 = tpu.memref_slice %arg8[%dma_start3A_196, %dma_start3A_197, %dma_start3A_198] : memref<8x200x64xf32, #tpu.memory_space<vmem>> -> memref<1x100x64xf32, #tpu.memory_space<vmem>>
      %dma_start3A_200 = tpu.memref_squeeze %dma_start3A_199 : memref<1x100x64xf32, #tpu.memory_space<vmem>> -> memref<100x64xf32, #tpu.memory_space<vmem>>
      %dma_start3A_201 = arith.constant 0 : i32
      %dma_start3A_202 = tpu.memref_slice %arg6[%mul3A_195, %dma_start3A_201] : memref<64x100xi32, #tpu.memory_space<vmem>> -> memref<1x100xi32, #tpu.memory_space<vmem>>
      %dma_start3A_203 = tpu.memref_squeeze %dma_start3A_202 : memref<1x100xi32, #tpu.memory_space<vmem>> -> memref<100xi32, #tpu.memory_space<vmem>>
      %dma_start3A_204 = arith.constant 0 : i32
      %dma_start3A_205 = arith.constant 0 : i32
      %dma_start3A_206 = tpu.memref_slice %arg3[%dma_start3A_204, %dma_start3A_205] : memref<1000000x64xf32, #tpu.memory_space<hbm>> -> memref<1000000x64xf32, #tpu.memory_space<hbm>>
      tpu.enqueue_indirect_dma source(%dma_start3A_206 : memref<1000000x64xf32, #tpu.memory_space<hbm>>) target(%dma_start3A_200 : memref<100x64xf32, #tpu.memory_space<vmem>>) offsets(%dma_start3A_203 : memref<100xi32, #tpu.memory_space<vmem>>) semaphore(%arg15 : memref<!tpu.dma_semaphore, #tpu.memory_space<semaphore_mem>>)
      %mul3A_207 = arith.constant 2 : i32
      %mul3A_208 = arith.muli %mul3A_207, %add3A_193 : i32
      %add3A_209 = arith.constant 1 : i32
      %add3A_210 = arith.addi %mul3A_208, %add3A_209 : i32
      %dma_start3A_211 = arith.constant 6 : i32
      %dma_start3A_212 = arith.constant 100 : i32
      %dma_start3A_213 = arith.constant 0 : i32
      %dma_start3A_214 = tpu.memref_slice %arg8[%dma_start3A_211, %dma_start3A_212, %dma_start3A_213] : memref<8x200x64xf32, #tpu.memory_space<vmem>> -> memref<1x100x64xf32, #tpu.memory_space<vmem>>
      %dma_start3A_215 = tpu.memref_squeeze %dma_start3A_214 : memref<1x100x64xf32, #tpu.memory_space<vmem>> -> memref<100x64xf32, #tpu.memory_space<vmem>>
      %dma_start3A_216 = arith.constant 0 : i32
      %dma_start3A_217 = tpu.memref_slice %arg6[%add3A_210, %dma_start3A_216] : memref<64x100xi32, #tpu.memory_space<vmem>> -> memref<1x100xi32, #tpu.memory_space<vmem>>
      %dma_start3A_218 = tpu.memref_squeeze %dma_start3A_217 : memref<1x100xi32, #tpu.memory_space<vmem>> -> memref<100xi32, #tpu.memory_space<vmem>>
      %dma_start3A_219 = arith.constant 0 : i32
      %dma_start3A_220 = arith.constant 0 : i32
      %dma_start3A_221 = tpu.memref_slice %arg3[%dma_start3A_219, %dma_start3A_220] : memref<1000000x64xf32, #tpu.memory_space<hbm>> -> memref<1000000x64xf32, #tpu.memory_space<hbm>>
      tpu.enqueue_indirect_dma source(%dma_start3A_221 : memref<1000000x64xf32, #tpu.memory_space<hbm>>) target(%dma_start3A_215 : memref<100x64xf32, #tpu.memory_space<vmem>>) offsets(%dma_start3A_218 : memref<100xi32, #tpu.memory_space<vmem>>) semaphore(%arg15 : memref<!tpu.dma_semaphore, #tpu.memory_space<semaphore_mem>>)
      %add3A_222 = arith.constant 7 : i32
      %add3A_223 = arith.addi %mul3A_12, %add3A_222 : i32
      %mul3A_224 = arith.constant 2 : i32
      %mul3A_225 = arith.muli %mul3A_224, %add3A_223 : i32
      %dma_start3A_226 = arith.constant 7 : i32
      %dma_start3A_227 = arith.constant 0 : i32
      %dma_start3A_228 = arith.constant 0 : i32
      %dma_start3A_229 = tpu.memref_slice %arg8[%dma_start3A_226, %dma_start3A_227, %dma_start3A_228] : memref<8x200x64xf32, #tpu.memory_space<vmem>> -> memref<1x100x64xf32, #tpu.memory_space<vmem>>
      %dma_start3A_230 = tpu.memref_squeeze %dma_start3A_229 : memref<1x100x64xf32, #tpu.memory_space<vmem>> -> memref<100x64xf32, #tpu.memory_space<vmem>>
      %dma_start3A_231 = arith.constant 0 : i32
      %dma_start3A_232 = tpu.memref_slice %arg6[%mul3A_225, %dma_start3A_231] : memref<64x100xi32, #tpu.memory_space<vmem>> -> memref<1x100xi32, #tpu.memory_space<vmem>>
      %dma_start3A_233 = tpu.memref_squeeze %dma_start3A_232 : memref<1x100xi32, #tpu.memory_space<vmem>> -> memref<100xi32, #tpu.memory_space<vmem>>
      %dma_start3A_234 = arith.constant 0 : i32
      %dma_start3A_235 = arith.constant 0 : i32
      %dma_start3A_236 = tpu.memref_slice %arg3[%dma_start3A_234, %dma_start3A_235] : memref<1000000x64xf32, #tpu.memory_space<hbm>> -> memref<1000000x64xf32, #tpu.memory_space<hbm>>
      tpu.enqueue_indirect_dma source(%dma_start3A_236 : memref<1000000x64xf32, #tpu.memory_space<hbm>>) target(%dma_start3A_230 : memref<100x64xf32, #tpu.memory_space<vmem>>) offsets(%dma_start3A_233 : memref<100xi32, #tpu.memory_space<vmem>>) semaphore(%arg16 : memref<!tpu.dma_semaphore, #tpu.memory_space<semaphore_mem>>)
      %mul3A_237 = arith.constant 2 : i32
      %mul3A_238 = arith.muli %mul3A_237, %add3A_223 : i32
      %add3A_239 = arith.constant 1 : i32
      %add3A_240 = arith.addi %mul3A_238, %add3A_239 : i32
      %dma_start3A_241 = arith.constant 7 : i32
      %dma_start3A_242 = arith.constant 100 : i32
      %dma_start3A_243 = arith.constant 0 : i32
      %dma_start3A_244 = tpu.memref_slice %arg8[%dma_start3A_241, %dma_start3A_242, %dma_start3A_243] : memref<8x200x64xf32, #tpu.memory_space<vmem>> -> memref<1x100x64xf32, #tpu.memory_space<vmem>>
      %dma_start3A_245 = tpu.memref_squeeze %dma_start3A_244 : memref<1x100x64xf32, #tpu.memory_space<vmem>> -> memref<100x64xf32, #tpu.memory_space<vmem>>
      %dma_start3A_246 = arith.constant 0 : i32
      %dma_start3A_247 = tpu.memref_slice %arg6[%add3A_240, %dma_start3A_246] : memref<64x100xi32, #tpu.memory_space<vmem>> -> memref<1x100xi32, #tpu.memory_space<vmem>>
      %dma_start3A_248 = tpu.memref_squeeze %dma_start3A_247 : memref<1x100xi32, #tpu.memory_space<vmem>> -> memref<100xi32, #tpu.memory_space<vmem>>
      %dma_start3A_249 = arith.constant 0 : i32
      %dma_start3A_250 = arith.constant 0 : i32
      %dma_start3A_251 = tpu.memref_slice %arg3[%dma_start3A_249, %dma_start3A_250] : memref<1000000x64xf32, #tpu.memory_space<hbm>> -> memref<1000000x64xf32, #tpu.memory_space<hbm>>
      tpu.enqueue_indirect_dma source(%dma_start3A_251 : memref<1000000x64xf32, #tpu.memory_space<hbm>>) target(%dma_start3A_245 : memref<100x64xf32, #tpu.memory_space<vmem>>) offsets(%dma_start3A_248 : memref<100xi32, #tpu.memory_space<vmem>>) semaphore(%arg16 : memref<!tpu.dma_semaphore, #tpu.memory_space<semaphore_mem>>)
      %add3A_252 = arith.constant 0 : i32
      %add3A_253 = arith.addi %mul3A_12, %add3A_252 : i32
      %dma_wait3A = arith.constant 0 : i32
      %dma_wait3A_254 = arith.constant 0 : i32
      %dma_wait3A_255 = arith.constant 0 : i32
      %dma_wait3A_256 = tpu.memref_slice %arg8[%dma_wait3A, %dma_wait3A_254, %dma_wait3A_255] : memref<8x200x64xf32, #tpu.memory_space<vmem>> -> memref<1x100x64xf32, #tpu.memory_space<vmem>>
      %dma_wait3A_257 = tpu.memref_squeeze %dma_wait3A_256 : memref<1x100x64xf32, #tpu.memory_space<vmem>> -> memref<100x64xf32, #tpu.memory_space<vmem>>
      %dma_wait3A_258 = arith.constant 0 : i32
      %dma_wait3A_259 = tpu.memref_slice %arg6[%mul3A_16, %dma_wait3A_258] : memref<64x100xi32, #tpu.memory_space<vmem>> -> memref<1x100xi32, #tpu.memory_space<vmem>>
      %dma_wait3A_260 = tpu.memref_squeeze %dma_wait3A_259 : memref<1x100xi32, #tpu.memory_space<vmem>> -> memref<100xi32, #tpu.memory_space<vmem>>
      %dma_wait3A_261 = arith.constant 0 : i32
      %dma_wait3A_262 = arith.constant 0 : i32
      %dma_wait3A_263 = tpu.memref_slice %arg3[%dma_wait3A_261, %dma_wait3A_262] : memref<1000000x64xf32, #tpu.memory_space<hbm>> -> memref<1000000x64xf32, #tpu.memory_space<hbm>>
      tpu.wait_indirect_dma semaphore(%arg9 : memref<!tpu.dma_semaphore, #tpu.memory_space<semaphore_mem>>) src(%dma_wait3A_263 : memref<1000000x64xf32, #tpu.memory_space<hbm>>) dst(%dma_wait3A_257 : memref<100x64xf32, #tpu.memory_space<vmem>>)
      %dma_wait3A_264 = arith.constant 0 : i32
      %dma_wait3A_265 = arith.constant 100 : i32
      %dma_wait3A_266 = arith.constant 0 : i32
      %dma_wait3A_267 = tpu.memref_slice %arg8[%dma_wait3A_264, %dma_wait3A_265, %dma_wait3A_266] : memref<8x200x64xf32, #tpu.memory_space<vmem>> -> memref<1x100x64xf32, #tpu.memory_space<vmem>>
      %dma_wait3A_268 = tpu.memref_squeeze %dma_wait3A_267 : memref<1x100x64xf32, #tpu.memory_space<vmem>> -> memref<100x64xf32, #tpu.memory_space<vmem>>
      %dma_wait3A_269 = arith.constant 0 : i32
      %dma_wait3A_270 = tpu.memref_slice %arg6[%add3A_30, %dma_wait3A_269] : memref<64x100xi32, #tpu.memory_space<vmem>> -> memref<1x100xi32, #tpu.memory_space<vmem>>
      %dma_wait3A_271 = tpu.memref_squeeze %dma_wait3A_270 : memref<1x100xi32, #tpu.memory_space<vmem>> -> memref<100xi32, #tpu.memory_space<vmem>>
      %dma_wait3A_272 = arith.constant 0 : i32
      %dma_wait3A_273 = arith.constant 0 : i32
      %dma_wait3A_274 = tpu.memref_slice %arg3[%dma_wait3A_272, %dma_wait3A_273] : memref<1000000x64xf32, #tpu.memory_space<hbm>> -> memref<1000000x64xf32, #tpu.memory_space<hbm>>
      tpu.wait_indirect_dma semaphore(%arg9 : memref<!tpu.dma_semaphore, #tpu.memory_space<semaphore_mem>>) src(%dma_wait3A_274 : memref<1000000x64xf32, #tpu.memory_space<hbm>>) dst(%dma_wait3A_268 : memref<100x64xf32, #tpu.memory_space<vmem>>)
      %scan3A_275 = arith.constant 0 : i32
      %scan3A_276 = arith.constant 0 : i32
      %scan3A_277 = arith.constant 200 : i32
      %scan3A_278 = arith.addi %scan3A_276, %scan3A_277 : i32
      %scan3A_279 = arith.constant 2 : i32
      scf.for %scan3A_723 = %scan3A_276 to %scan3A_278 step %scan3A_279  : i32 {
        %get3A = arith.index_cast %scan3A_723 : i32 to index
        %get3A_724 = arith.constant 0 : index
        %get3A_725 = tpu.vector_load %arg7[%get3A, %get3A_724] {strides = array<i32>} : memref<200x64xf32, #tpu.memory_space<vmem>>, vector<1x16xf32>,
        %get3A_726 = vector.shape_cast %get3A_725 : vector<1x16xf32> to vector<16xf32>
        %swap3A = arith.constant 0 : i32
        %swap3A_727 = arith.index_cast %swap3A : i32 to index
        %swap3A_728 = arith.index_cast %scan3A_723 : i32 to index
        %swap3A_729 = arith.constant 0 : index
        %swap3A_730 = tpu.vector_load %arg8[%swap3A_727, %swap3A_728, %swap3A_729] {strides = array<i32>} : memref<8x200x64xf32, #tpu.memory_space<vmem>>, vector<1x1x16xf32>,
        %swap3A_731 = vector.shape_cast %swap3A_730 : vector<1x1x16xf32> to vector<16xf32>
        %swap3A_732 = vector.shape_cast %get3A_726 : vector<16xf32> to vector<1x1x16xf32>
        tpu.vector_store %arg8[%swap3A_727, %swap3A_728, %swap3A_729], %swap3A_732 {add = true, strides = array<i32>} : memref<8x200x64xf32, #tpu.memory_space<vmem>>, vector<1x1x16xf32>,
        %get3A_733 = arith.index_cast %scan3A_723 : i32 to index
        %get3A_734 = arith.constant 16 : index
        %get3A_735 = tpu.vector_load %arg7[%get3A_733, %get3A_734] {strides = array<i32>} : memref<200x64xf32, #tpu.memory_space<vmem>>, vector<1x16xf32>,
        %get3A_736 = vector.shape_cast %get3A_735 : vector<1x16xf32> to vector<16xf32>
        %swap3A_737 = arith.constant 0 : i32
        %swap3A_738 = arith.index_cast %swap3A_737 : i32 to index
        %swap3A_739 = arith.index_cast %scan3A_723 : i32 to index
        %swap3A_740 = arith.constant 16 : index
        %swap3A_741 = tpu.vector_load %arg8[%swap3A_738, %swap3A_739, %swap3A_740] {strides = array<i32>} : memref<8x200x64xf32, #tpu.memory_space<vmem>>, vector<1x1x16xf32>,
        %swap3A_742 = vector.shape_cast %swap3A_741 : vector<1x1x16xf32> to vector<16xf32>
        %swap3A_743 = vector.shape_cast %get3A_736 : vector<16xf32> to vector<1x1x16xf32>
        tpu.vector_store %arg8[%swap3A_738, %swap3A_739, %swap3A_740], %swap3A_743 {add = true, strides = array<i32>} : memref<8x200x64xf32, #tpu.memory_space<vmem>>, vector<1x1x16xf32>,
        %get3A_744 = arith.index_cast %scan3A_723 : i32 to index
        %get3A_745 = arith.constant 32 : index
        %get3A_746 = tpu.vector_load %arg7[%get3A_744, %get3A_745] {strides = array<i32>} : memref<200x64xf32, #tpu.memory_space<vmem>>, vector<1x16xf32>,
        %get3A_747 = vector.shape_cast %get3A_746 : vector<1x16xf32> to vector<16xf32>
        %swap3A_748 = arith.constant 0 : i32
        %swap3A_749 = arith.index_cast %swap3A_748 : i32 to index
        %swap3A_750 = arith.index_cast %scan3A_723 : i32 to index
        %swap3A_751 = arith.constant 32 : index
        %swap3A_752 = tpu.vector_load %arg8[%swap3A_749, %swap3A_750, %swap3A_751] {strides = array<i32>} : memref<8x200x64xf32, #tpu.memory_space<vmem>>, vector<1x1x16xf32>,
        %swap3A_753 = vector.shape_cast %swap3A_752 : vector<1x1x16xf32> to vector<16xf32>
        %swap3A_754 = vector.shape_cast %get3A_747 : vector<16xf32> to vector<1x1x16xf32>
        tpu.vector_store %arg8[%swap3A_749, %swap3A_750, %swap3A_751], %swap3A_754 {add = true, strides = array<i32>} : memref<8x200x64xf32, #tpu.memory_space<vmem>>, vector<1x1x16xf32>,
        %get3A_755 = arith.index_cast %scan3A_723 : i32 to index
        %get3A_756 = arith.constant 48 : index
        %get3A_757 = tpu.vector_load %arg7[%get3A_755, %get3A_756] {strides = array<i32>} : memref<200x64xf32, #tpu.memory_space<vmem>>, vector<1x16xf32>,
        %get3A_758 = vector.shape_cast %get3A_757 : vector<1x16xf32> to vector<16xf32>
        %swap3A_759 = arith.constant 0 : i32
        %swap3A_760 = arith.index_cast %swap3A_759 : i32 to index
        %swap3A_761 = arith.index_cast %scan3A_723 : i32 to index
        %swap3A_762 = arith.constant 48 : index
        %swap3A_763 = tpu.vector_load %arg8[%swap3A_760, %swap3A_761, %swap3A_762] {strides = array<i32>} : memref<8x200x64xf32, #tpu.memory_space<vmem>>, vector<1x1x16xf32>,
        %swap3A_764 = vector.shape_cast %swap3A_763 : vector<1x1x16xf32> to vector<16xf32>
        %swap3A_765 = vector.shape_cast %get3A_758 : vector<16xf32> to vector<1x1x16xf32>
        tpu.vector_store %arg8[%swap3A_760, %swap3A_761, %swap3A_762], %swap3A_765 {add = true, strides = array<i32>} : memref<8x200x64xf32, #tpu.memory_space<vmem>>, vector<1x1x16xf32>,
        %scan3A_766 = arith.constant 1 : i32
        %scan3A_767 = arith.addi %scan3A_723, %scan3A_766 : i32
        %get3A_768 = arith.index_cast %scan3A_767 : i32 to index
        %get3A_769 = arith.constant 0 : index
        %get3A_770 = tpu.vector_load %arg7[%get3A_768, %get3A_769] {strides = array<i32>} : memref<200x64xf32, #tpu.memory_space<vmem>>, vector<1x16xf32>,
        %get3A_771 = vector.shape_cast %get3A_770 : vector<1x16xf32> to vector<16xf32>
        %swap3A_772 = arith.constant 0 : i32
        %swap3A_773 = arith.index_cast %swap3A_772 : i32 to index
        %swap3A_774 = arith.index_cast %scan3A_767 : i32 to index
        %swap3A_775 = arith.constant 0 : index
        %swap3A_776 = tpu.vector_load %arg8[%swap3A_773, %swap3A_774, %swap3A_775] {strides = array<i32>} : memref<8x200x64xf32, #tpu.memory_space<vmem>>, vector<1x1x16xf32>,
        %swap3A_777 = vector.shape_cast %swap3A_776 : vector<1x1x16xf32> to vector<16xf32>
        %swap3A_778 = vector.shape_cast %get3A_771 : vector<16xf32> to vector<1x1x16xf32>
        tpu.vector_store %arg8[%swap3A_773, %swap3A_774, %swap3A_775], %swap3A_778 {add = true, strides = array<i32>} : memref<8x200x64xf32, #tpu.memory_space<vmem>>, vector<1x1x16xf32>,
        %get3A_779 = arith.index_cast %scan3A_767 : i32 to index
        %get3A_780 = arith.constant 16 : index
        %get3A_781 = tpu.vector_load %arg7[%get3A_779, %get3A_780] {strides = array<i32>} : memref<200x64xf32, #tpu.memory_space<vmem>>, vector<1x16xf32>,
        %get3A_782 = vector.shape_cast %get3A_781 : vector<1x16xf32> to vector<16xf32>
        %swap3A_783 = arith.constant 0 : i32
        %swap3A_784 = arith.index_cast %swap3A_783 : i32 to index
        %swap3A_785 = arith.index_cast %scan3A_767 : i32 to index
        %swap3A_786 = arith.constant 16 : index
        %swap3A_787 = tpu.vector_load %arg8[%swap3A_784, %swap3A_785, %swap3A_786] {strides = array<i32>} : memref<8x200x64xf32, #tpu.memory_space<vmem>>, vector<1x1x16xf32>,
        %swap3A_788 = vector.shape_cast %swap3A_787 : vector<1x1x16xf32> to vector<16xf32>
        %swap3A_789 = vector.shape_cast %get3A_782 : vector<16xf32> to vector<1x1x16xf32>
        tpu.vector_store %arg8[%swap3A_784, %swap3A_785, %swap3A_786], %swap3A_789 {add = true, strides = array<i32>} : memref<8x200x64xf32, #tpu.memory_space<vmem>>, vector<1x1x16xf32>,
        %get3A_790 = arith.index_cast %scan3A_767 : i32 to index
        %get3A_791 = arith.constant 32 : index
        %get3A_792 = tpu.vector_load %arg7[%get3A_790, %get3A_791] {strides = array<i32>} : memref<200x64xf32, #tpu.memory_space<vmem>>, vector<1x16xf32>,
        %get3A_793 = vector.shape_cast %get3A_792 : vector<1x16xf32> to vector<16xf32>
        %swap3A_794 = arith.constant 0 : i32
        %swap3A_795 = arith.index_cast %swap3A_794 : i32 to index
        %swap3A_796 = arith.index_cast %scan3A_767 : i32 to index
        %swap3A_797 = arith.constant 32 : index
        %swap3A_798 = tpu.vector_load %arg8[%swap3A_795, %swap3A_796, %swap3A_797] {strides = array<i32>} : memref<8x200x64xf32, #tpu.memory_space<vmem>>, vector<1x1x16xf32>,
        %swap3A_799 = vector.shape_cast %swap3A_798 : vector<1x1x16xf32> to vector<16xf32>
        %swap3A_800 = vector.shape_cast %get3A_793 : vector<16xf32> to vector<1x1x16xf32>
        tpu.vector_store %arg8[%swap3A_795, %swap3A_796, %swap3A_797], %swap3A_800 {add = true, strides = array<i32>} : memref<8x200x64xf32, #tpu.memory_space<vmem>>, vector<1x1x16xf32>,
        %get3A_801 = arith.index_cast %scan3A_767 : i32 to index
        %get3A_802 = arith.constant 48 : index
        %get3A_803 = tpu.vector_load %arg7[%get3A_801, %get3A_802] {strides = array<i32>} : memref<200x64xf32, #tpu.memory_space<vmem>>, vector<1x16xf32>,
        %get3A_804 = vector.shape_cast %get3A_803 : vector<1x16xf32> to vector<16xf32>
        %swap3A_805 = arith.constant 0 : i32
        %swap3A_806 = arith.index_cast %swap3A_805 : i32 to index
        %swap3A_807 = arith.index_cast %scan3A_767 : i32 to index
        %swap3A_808 = arith.constant 48 : index
        %swap3A_809 = tpu.vector_load %arg8[%swap3A_806, %swap3A_807, %swap3A_808] {strides = array<i32>} : memref<8x200x64xf32, #tpu.memory_space<vmem>>, vector<1x1x16xf32>,
        %swap3A_810 = vector.shape_cast %swap3A_809 : vector<1x1x16xf32> to vector<16xf32>
        %swap3A_811 = vector.shape_cast %get3A_804 : vector<16xf32> to vector<1x1x16xf32>
        tpu.vector_store %arg8[%swap3A_806, %swap3A_807, %swap3A_808], %swap3A_811 {add = true, strides = array<i32>} : memref<8x200x64xf32, #tpu.memory_space<vmem>>, vector<1x1x16xf32>,
      }
      %scan3A_280 = arith.constant 200 : i32
      %mul3A_281 = arith.constant 200 : i32
      %mul3A_282 = arith.muli %add3A_253, %mul3A_281 : i32
      %add3A_283 = arith.addi %mul3A_2, %mul3A_282 : i32
      %dma_start3A_284 = arith.constant 0 : i32
      %dma_start3A_285 = arith.constant 0 : i32
      %dma_start3A_286 = arith.constant 0 : i32
      %dma_start3A_287 = tpu.memref_slice %arg8[%dma_start3A_284, %dma_start3A_285, %dma_start3A_286] : memref<8x200x64xf32, #tpu.memory_space<vmem>> -> memref<1x200x64xf32, #tpu.memory_space<vmem>>
      %dma_start3A_288 = tpu.memref_squeeze %dma_start3A_287 : memref<1x200x64xf32, #tpu.memory_space<vmem>> -> memref<200x64xf32, #tpu.memory_space<vmem>>
      %dma_start3A_289 = arith.constant 0 : i32
      %dma_start3A_290 = tpu.memref_slice %arg5[%add3A_283, %dma_start3A_289] : memref<204800x64xf32, #tpu.memory_space<hbm>> -> memref<200x64xf32, #tpu.memory_space<hbm>>
      %dma_start3A_291 = arith.constant 0 : i32
      %dma_start3A_292 = tpu.memref_slice %arg5[%add3A_283, %dma_start3A_291] : memref<204800x64xf32, #tpu.memory_space<hbm>> -> memref<200x64xf32, #tpu.memory_space<hbm>>
      %dma_start3A_293 = arith.constant 0 : i32
      %dma_start3A_294 = arith.constant 0 : i32
      %dma_start3A_295 = tpu.memref_slice %arg8[%dma_start3A_284, %dma_start3A_293, %dma_start3A_294] : memref<8x200x64xf32, #tpu.memory_space<vmem>> -> memref<1x200x64xf32, #tpu.memory_space<vmem>>
      %dma_start3A_296 = tpu.memref_squeeze %dma_start3A_295 : memref<1x200x64xf32, #tpu.memory_space<vmem>> -> memref<200x64xf32, #tpu.memory_space<vmem>>
      tpu.enqueue_dma source(%dma_start3A_296 : memref<200x64xf32, #tpu.memory_space<vmem>>) target(%dma_start3A_292 : memref<200x64xf32, #tpu.memory_space<hbm>>) target_semaphore(%arg17 : memref<!tpu.dma_semaphore, #tpu.memory_space<semaphore_mem>>)
      %add3A_297 = arith.constant 1 : i32
      %add3A_298 = arith.addi %mul3A_12, %add3A_297 : i32
      %dma_wait3A_299 = arith.constant 1 : i32
      %dma_wait3A_300 = arith.constant 0 : i32
      %dma_wait3A_301 = arith.constant 0 : i32
      %dma_wait3A_302 = tpu.memref_slice %arg8[%dma_wait3A_299, %dma_wait3A_300, %dma_wait3A_301] : memref<8x200x64xf32, #tpu.memory_space<vmem>> -> memref<1x100x64xf32, #tpu.memory_space<vmem>>
      %dma_wait3A_303 = tpu.memref_squeeze %dma_wait3A_302 : memref<1x100x64xf32, #tpu.memory_space<vmem>> -> memref<100x64xf32, #tpu.memory_space<vmem>>
      %dma_wait3A_304 = arith.constant 0 : i32
      %dma_wait3A_305 = tpu.memref_slice %arg6[%mul3A_45, %dma_wait3A_304] : memref<64x100xi32, #tpu.memory_space<vmem>> -> memref<1x100xi32, #tpu.memory_space<vmem>>
      %dma_wait3A_306 = tpu.memref_squeeze %dma_wait3A_305 : memref<1x100xi32, #tpu.memory_space<vmem>> -> memref<100xi32, #tpu.memory_space<vmem>>
      %dma_wait3A_307 = arith.constant 0 : i32
      %dma_wait3A_308 = arith.constant 0 : i32
      %dma_wait3A_309 = tpu.memref_slice %arg3[%dma_wait3A_307, %dma_wait3A_308] : memref<1000000x64xf32, #tpu.memory_space<hbm>> -> memref<1000000x64xf32, #tpu.memory_space<hbm>>
      tpu.wait_indirect_dma semaphore(%arg10 : memref<!tpu.dma_semaphore, #tpu.memory_space<semaphore_mem>>) src(%dma_wait3A_309 : memref<1000000x64xf32, #tpu.memory_space<hbm>>) dst(%dma_wait3A_303 : memref<100x64xf32, #tpu.memory_space<vmem>>)
      %dma_wait3A_310 = arith.constant 1 : i32
      %dma_wait3A_311 = arith.constant 100 : i32
      %dma_wait3A_312 = arith.constant 0 : i32
      %dma_wait3A_313 = tpu.memref_slice %arg8[%dma_wait3A_310, %dma_wait3A_311, %dma_wait3A_312] : memref<8x200x64xf32, #tpu.memory_space<vmem>> -> memref<1x100x64xf32, #tpu.memory_space<vmem>>
      %dma_wait3A_314 = tpu.memref_squeeze %dma_wait3A_313 : memref<1x100x64xf32, #tpu.memory_space<vmem>> -> memref<100x64xf32, #tpu.memory_space<vmem>>
      %dma_wait3A_315 = arith.constant 0 : i32
      %dma_wait3A_316 = tpu.memref_slice %arg6[%add3A_60, %dma_wait3A_315] : memref<64x100xi32, #tpu.memory_space<vmem>> -> memref<1x100xi32, #tpu.memory_space<vmem>>
      %dma_wait3A_317 = tpu.memref_squeeze %dma_wait3A_316 : memref<1x100xi32, #tpu.memory_space<vmem>> -> memref<100xi32, #tpu.memory_space<vmem>>
      %dma_wait3A_318 = arith.constant 0 : i32
      %dma_wait3A_319 = arith.constant 0 : i32
      %dma_wait3A_320 = tpu.memref_slice %arg3[%dma_wait3A_318, %dma_wait3A_319] : memref<1000000x64xf32, #tpu.memory_space<hbm>> -> memref<1000000x64xf32, #tpu.memory_space<hbm>>
      tpu.wait_indirect_dma semaphore(%arg10 : memref<!tpu.dma_semaphore, #tpu.memory_space<semaphore_mem>>) src(%dma_wait3A_320 : memref<1000000x64xf32, #tpu.memory_space<hbm>>) dst(%dma_wait3A_314 : memref<100x64xf32, #tpu.memory_space<vmem>>)
      %scan3A_321 = arith.constant 0 : i32
      %scan3A_322 = arith.constant 0 : i32
      %scan3A_323 = arith.constant 200 : i32
      %scan3A_324 = arith.addi %scan3A_322, %scan3A_323 : i32
      %scan3A_325 = arith.constant 2 : i32
      scf.for %scan3A_723 = %scan3A_322 to %scan3A_324 step %scan3A_325  : i32 {
        %get3A = arith.index_cast %scan3A_723 : i32 to index
        %get3A_724 = arith.constant 0 : index
        %get3A_725 = tpu.vector_load %arg7[%get3A, %get3A_724] {strides = array<i32>} : memref<200x64xf32, #tpu.memory_space<vmem>>, vector<1x16xf32>,
        %get3A_726 = vector.shape_cast %get3A_725 : vector<1x16xf32> to vector<16xf32>
        %swap3A = arith.constant 1 : i32
        %swap3A_727 = arith.index_cast %swap3A : i32 to index
        %swap3A_728 = arith.index_cast %scan3A_723 : i32 to index
        %swap3A_729 = arith.constant 0 : index
        %swap3A_730 = tpu.vector_load %arg8[%swap3A_727, %swap3A_728, %swap3A_729] {strides = array<i32>} : memref<8x200x64xf32, #tpu.memory_space<vmem>>, vector<1x1x16xf32>,
        %swap3A_731 = vector.shape_cast %swap3A_730 : vector<1x1x16xf32> to vector<16xf32>
        %swap3A_732 = vector.shape_cast %get3A_726 : vector<16xf32> to vector<1x1x16xf32>
        tpu.vector_store %arg8[%swap3A_727, %swap3A_728, %swap3A_729], %swap3A_732 {add = true, strides = array<i32>} : memref<8x200x64xf32, #tpu.memory_space<vmem>>, vector<1x1x16xf32>,
        %get3A_733 = arith.index_cast %scan3A_723 : i32 to index
        %get3A_734 = arith.constant 16 : index
        %get3A_735 = tpu.vector_load %arg7[%get3A_733, %get3A_734] {strides = array<i32>} : memref<200x64xf32, #tpu.memory_space<vmem>>, vector<1x16xf32>,
        %get3A_736 = vector.shape_cast %get3A_735 : vector<1x16xf32> to vector<16xf32>
        %swap3A_737 = arith.constant 1 : i32
        %swap3A_738 = arith.index_cast %swap3A_737 : i32 to index
        %swap3A_739 = arith.index_cast %scan3A_723 : i32 to index
        %swap3A_740 = arith.constant 16 : index
        %swap3A_741 = tpu.vector_load %arg8[%swap3A_738, %swap3A_739, %swap3A_740] {strides = array<i32>} : memref<8x200x64xf32, #tpu.memory_space<vmem>>, vector<1x1x16xf32>,
        %swap3A_742 = vector.shape_cast %swap3A_741 : vector<1x1x16xf32> to vector<16xf32>
        %swap3A_743 = vector.shape_cast %get3A_736 : vector<16xf32> to vector<1x1x16xf32>
        tpu.vector_store %arg8[%swap3A_738, %swap3A_739, %swap3A_740], %swap3A_743 {add = true, strides = array<i32>} : memref<8x200x64xf32, #tpu.memory_space<vmem>>, vector<1x1x16xf32>,
        %get3A_744 = arith.index_cast %scan3A_723 : i32 to index
        %get3A_745 = arith.constant 32 : index
        %get3A_746 = tpu.vector_load %arg7[%get3A_744, %get3A_745] {strides = array<i32>} : memref<200x64xf32, #tpu.memory_space<vmem>>, vector<1x16xf32>,
        %get3A_747 = vector.shape_cast %get3A_746 : vector<1x16xf32> to vector<16xf32>
        %swap3A_748 = arith.constant 1 : i32
        %swap3A_749 = arith.index_cast %swap3A_748 : i32 to index
        %swap3A_750 = arith.index_cast %scan3A_723 : i32 to index
        %swap3A_751 = arith.constant 32 : index
        %swap3A_752 = tpu.vector_load %arg8[%swap3A_749, %swap3A_750, %swap3A_751] {strides = array<i32>} : memref<8x200x64xf32, #tpu.memory_space<vmem>>, vector<1x1x16xf32>,
        %swap3A_753 = vector.shape_cast %swap3A_752 : vector<1x1x16xf32> to vector<16xf32>
        %swap3A_754 = vector.shape_cast %get3A_747 : vector<16xf32> to vector<1x1x16xf32>
        tpu.vector_store %arg8[%swap3A_749, %swap3A_750, %swap3A_751], %swap3A_754 {add = true, strides = array<i32>} : memref<8x200x64xf32, #tpu.memory_space<vmem>>, vector<1x1x16xf32>,
        %get3A_755 = arith.index_cast %scan3A_723 : i32 to index
        %get3A_756 = arith.constant 48 : index
        %get3A_757 = tpu.vector_load %arg7[%get3A_755, %get3A_756] {strides = array<i32>} : memref<200x64xf32, #tpu.memory_space<vmem>>, vector<1x16xf32>,
        %get3A_758 = vector.shape_cast %get3A_757 : vector<1x16xf32> to vector<16xf32>
        %swap3A_759 = arith.constant 1 : i32
        %swap3A_760 = arith.index_cast %swap3A_759 : i32 to index
        %swap3A_761 = arith.index_cast %scan3A_723 : i32 to index
        %swap3A_762 = arith.constant 48 : index
        %swap3A_763 = tpu.vector_load %arg8[%swap3A_760, %swap3A_761, %swap3A_762] {strides = array<i32>} : memref<8x200x64xf32, #tpu.memory_space<vmem>>, vector<1x1x16xf32>,
        %swap3A_764 = vector.shape_cast %swap3A_763 : vector<1x1x16xf32> to vector<16xf32>
        %swap3A_765 = vector.shape_cast %get3A_758 : vector<16xf32> to vector<1x1x16xf32>
        tpu.vector_store %arg8[%swap3A_760, %swap3A_761, %swap3A_762], %swap3A_765 {add = true, strides = array<i32>} : memref<8x200x64xf32, #tpu.memory_space<vmem>>, vector<1x1x16xf32>,
        %scan3A_766 = arith.constant 1 : i32
        %scan3A_767 = arith.addi %scan3A_723, %scan3A_766 : i32
        %get3A_768 = arith.index_cast %scan3A_767 : i32 to index
        %get3A_769 = arith.constant 0 : index
        %get3A_770 = tpu.vector_load %arg7[%get3A_768, %get3A_769] {strides = array<i32>} : memref<200x64xf32, #tpu.memory_space<vmem>>, vector<1x16xf32>,
        %get3A_771 = vector.shape_cast %get3A_770 : vector<1x16xf32> to vector<16xf32>
        %swap3A_772 = arith.constant 1 : i32
        %swap3A_773 = arith.index_cast %swap3A_772 : i32 to index
        %swap3A_774 = arith.index_cast %scan3A_767 : i32 to index
        %swap3A_775 = arith.constant 0 : index
        %swap3A_776 = tpu.vector_load %arg8[%swap3A_773, %swap3A_774, %swap3A_775] {strides = array<i32>} : memref<8x200x64xf32, #tpu.memory_space<vmem>>, vector<1x1x16xf32>,
        %swap3A_777 = vector.shape_cast %swap3A_776 : vector<1x1x16xf32> to vector<16xf32>
        %swap3A_778 = vector.shape_cast %get3A_771 : vector<16xf32> to vector<1x1x16xf32>
        tpu.vector_store %arg8[%swap3A_773, %swap3A_774, %swap3A_775], %swap3A_778 {add = true, strides = array<i32>} : memref<8x200x64xf32, #tpu.memory_space<vmem>>, vector<1x1x16xf32>,
        %get3A_779 = arith.index_cast %scan3A_767 : i32 to index
        %get3A_780 = arith.constant 16 : index
        %get3A_781 = tpu.vector_load %arg7[%get3A_779, %get3A_780] {strides = array<i32>} : memref<200x64xf32, #tpu.memory_space<vmem>>, vector<1x16xf32>,
        %get3A_782 = vector.shape_cast %get3A_781 : vector<1x16xf32> to vector<16xf32>
        %swap3A_783 = arith.constant 1 : i32
        %swap3A_784 = arith.index_cast %swap3A_783 : i32 to index
        %swap3A_785 = arith.index_cast %scan3A_767 : i32 to index
        %swap3A_786 = arith.constant 16 : index
        %swap3A_787 = tpu.vector_load %arg8[%swap3A_784, %swap3A_785, %swap3A_786] {strides = array<i32>} : memref<8x200x64xf32, #tpu.memory_space<vmem>>, vector<1x1x16xf32>,
        %swap3A_788 = vector.shape_cast %swap3A_787 : vector<1x1x16xf32> to vector<16xf32>
        %swap3A_789 = vector.shape_cast %get3A_782 : vector<16xf32> to vector<1x1x16xf32>
        tpu.vector_store %arg8[%swap3A_784, %swap3A_785, %swap3A_786], %swap3A_789 {add = true, strides = array<i32>} : memref<8x200x64xf32, #tpu.memory_space<vmem>>, vector<1x1x16xf32>,
        %get3A_790 = arith.index_cast %scan3A_767 : i32 to index
        %get3A_791 = arith.constant 32 : index
        %get3A_792 = tpu.vector_load %arg7[%get3A_790, %get3A_791] {strides = array<i32>} : memref<200x64xf32, #tpu.memory_space<vmem>>, vector<1x16xf32>,
        %get3A_793 = vector.shape_cast %get3A_792 : vector<1x16xf32> to vector<16xf32>
        %swap3A_794 = arith.constant 1 : i32
        %swap3A_795 = arith.index_cast %swap3A_794 : i32 to index
        %swap3A_796 = arith.index_cast %scan3A_767 : i32 to index
        %swap3A_797 = arith.constant 32 : index
        %swap3A_798 = tpu.vector_load %arg8[%swap3A_795, %swap3A_796, %swap3A_797] {strides = array<i32>} : memref<8x200x64xf32, #tpu.memory_space<vmem>>, vector<1x1x16xf32>,
        %swap3A_799 = vector.shape_cast %swap3A_798 : vector<1x1x16xf32> to vector<16xf32>
        %swap3A_800 = vector.shape_cast %get3A_793 : vector<16xf32> to vector<1x1x16xf32>
        tpu.vector_store %arg8[%swap3A_795, %swap3A_796, %swap3A_797], %swap3A_800 {add = true, strides = array<i32>} : memref<8x200x64xf32, #tpu.memory_space<vmem>>, vector<1x1x16xf32>,
        %get3A_801 = arith.index_cast %scan3A_767 : i32 to index
        %get3A_802 = arith.constant 48 : index
        %get3A_803 = tpu.vector_load %arg7[%get3A_801, %get3A_802] {strides = array<i32>} : memref<200x64xf32, #tpu.memory_space<vmem>>, vector<1x16xf32>,
        %get3A_804 = vector.shape_cast %get3A_803 : vector<1x16xf32> to vector<16xf32>
        %swap3A_805 = arith.constant 1 : i32
        %swap3A_806 = arith.index_cast %swap3A_805 : i32 to index
        %swap3A_807 = arith.index_cast %scan3A_767 : i32 to index
        %swap3A_808 = arith.constant 48 : index
        %swap3A_809 = tpu.vector_load %arg8[%swap3A_806, %swap3A_807, %swap3A_808] {strides = array<i32>} : memref<8x200x64xf32, #tpu.memory_space<vmem>>, vector<1x1x16xf32>,
        %swap3A_810 = vector.shape_cast %swap3A_809 : vector<1x1x16xf32> to vector<16xf32>
        %swap3A_811 = vector.shape_cast %get3A_804 : vector<16xf32> to vector<1x1x16xf32>
        tpu.vector_store %arg8[%swap3A_806, %swap3A_807, %swap3A_808], %swap3A_811 {add = true, strides = array<i32>} : memref<8x200x64xf32, #tpu.memory_space<vmem>>, vector<1x1x16xf32>,
      }
      %scan3A_326 = arith.constant 200 : i32
      %mul3A_327 = arith.constant 200 : i32
      %mul3A_328 = arith.muli %add3A_298, %mul3A_327 : i32
      %add3A_329 = arith.addi %mul3A_2, %mul3A_328 : i32
      %dma_start3A_330 = arith.constant 1 : i32
      %dma_start3A_331 = arith.constant 0 : i32
      %dma_start3A_332 = arith.constant 0 : i32
      %dma_start3A_333 = tpu.memref_slice %arg8[%dma_start3A_330, %dma_start3A_331, %dma_start3A_332] : memref<8x200x64xf32, #tpu.memory_space<vmem>> -> memref<1x200x64xf32, #tpu.memory_space<vmem>>
      %dma_start3A_334 = tpu.memref_squeeze %dma_start3A_333 : memref<1x200x64xf32, #tpu.memory_space<vmem>> -> memref<200x64xf32, #tpu.memory_space<vmem>>
      %dma_start3A_335 = arith.constant 0 : i32
      %dma_start3A_336 = tpu.memref_slice %arg5[%add3A_329, %dma_start3A_335] : memref<204800x64xf32, #tpu.memory_space<hbm>> -> memref<200x64xf32, #tpu.memory_space<hbm>>
      %dma_start3A_337 = arith.constant 0 : i32
      %dma_start3A_338 = tpu.memref_slice %arg5[%add3A_329, %dma_start3A_337] : memref<204800x64xf32, #tpu.memory_space<hbm>> -> memref<200x64xf32, #tpu.memory_space<hbm>>
      %dma_start3A_339 = arith.constant 0 : i32
      %dma_start3A_340 = arith.constant 0 : i32
      %dma_start3A_341 = tpu.memref_slice %arg8[%dma_start3A_330, %dma_start3A_339, %dma_start3A_340] : memref<8x200x64xf32, #tpu.memory_space<vmem>> -> memref<1x200x64xf32, #tpu.memory_space<vmem>>
      %dma_start3A_342 = tpu.memref_squeeze %dma_start3A_341 : memref<1x200x64xf32, #tpu.memory_space<vmem>> -> memref<200x64xf32, #tpu.memory_space<vmem>>
      tpu.enqueue_dma source(%dma_start3A_342 : memref<200x64xf32, #tpu.memory_space<vmem>>) target(%dma_start3A_338 : memref<200x64xf32, #tpu.memory_space<hbm>>) target_semaphore(%arg17 : memref<!tpu.dma_semaphore, #tpu.memory_space<semaphore_mem>>)
      %add3A_343 = arith.constant 2 : i32
      %add3A_344 = arith.addi %mul3A_12, %add3A_343 : i32
      %dma_wait3A_345 = arith.constant 2 : i32
      %dma_wait3A_346 = arith.constant 0 : i32
      %dma_wait3A_347 = arith.constant 0 : i32
      %dma_wait3A_348 = tpu.memref_slice %arg8[%dma_wait3A_345, %dma_wait3A_346, %dma_wait3A_347] : memref<8x200x64xf32, #tpu.memory_space<vmem>> -> memref<1x100x64xf32, #tpu.memory_space<vmem>>
      %dma_wait3A_349 = tpu.memref_squeeze %dma_wait3A_348 : memref<1x100x64xf32, #tpu.memory_space<vmem>> -> memref<100x64xf32, #tpu.memory_space<vmem>>
      %dma_wait3A_350 = arith.constant 0 : i32
      %dma_wait3A_351 = tpu.memref_slice %arg6[%mul3A_75, %dma_wait3A_350] : memref<64x100xi32, #tpu.memory_space<vmem>> -> memref<1x100xi32, #tpu.memory_space<vmem>>
      %dma_wait3A_352 = tpu.memref_squeeze %dma_wait3A_351 : memref<1x100xi32, #tpu.memory_space<vmem>> -> memref<100xi32, #tpu.memory_space<vmem>>
      %dma_wait3A_353 = arith.constant 0 : i32
      %dma_wait3A_354 = arith.constant 0 : i32
      %dma_wait3A_355 = tpu.memref_slice %arg3[%dma_wait3A_353, %dma_wait3A_354] : memref<1000000x64xf32, #tpu.memory_space<hbm>> -> memref<1000000x64xf32, #tpu.memory_space<hbm>>
      tpu.wait_indirect_dma semaphore(%arg11 : memref<!tpu.dma_semaphore, #tpu.memory_space<semaphore_mem>>) src(%dma_wait3A_355 : memref<1000000x64xf32, #tpu.memory_space<hbm>>) dst(%dma_wait3A_349 : memref<100x64xf32, #tpu.memory_space<vmem>>)
      %dma_wait3A_356 = arith.constant 2 : i32
      %dma_wait3A_357 = arith.constant 100 : i32
      %dma_wait3A_358 = arith.constant 0 : i32
      %dma_wait3A_359 = tpu.memref_slice %arg8[%dma_wait3A_356, %dma_wait3A_357, %dma_wait3A_358] : memref<8x200x64xf32, #tpu.memory_space<vmem>> -> memref<1x100x64xf32, #tpu.memory_space<vmem>>
      %dma_wait3A_360 = tpu.memref_squeeze %dma_wait3A_359 : memref<1x100x64xf32, #tpu.memory_space<vmem>> -> memref<100x64xf32, #tpu.memory_space<vmem>>
      %dma_wait3A_361 = arith.constant 0 : i32
      %dma_wait3A_362 = tpu.memref_slice %arg6[%add3A_90, %dma_wait3A_361] : memref<64x100xi32, #tpu.memory_space<vmem>> -> memref<1x100xi32, #tpu.memory_space<vmem>>
      %dma_wait3A_363 = tpu.memref_squeeze %dma_wait3A_362 : memref<1x100xi32, #tpu.memory_space<vmem>> -> memref<100xi32, #tpu.memory_space<vmem>>
      %dma_wait3A_364 = arith.constant 0 : i32
      %dma_wait3A_365 = arith.constant 0 : i32
      %dma_wait3A_366 = tpu.memref_slice %arg3[%dma_wait3A_364, %dma_wait3A_365] : memref<1000000x64xf32, #tpu.memory_space<hbm>> -> memref<1000000x64xf32, #tpu.memory_space<hbm>>
      tpu.wait_indirect_dma semaphore(%arg11 : memref<!tpu.dma_semaphore, #tpu.memory_space<semaphore_mem>>) src(%dma_wait3A_366 : memref<1000000x64xf32, #tpu.memory_space<hbm>>) dst(%dma_wait3A_360 : memref<100x64xf32, #tpu.memory_space<vmem>>)
      %scan3A_367 = arith.constant 0 : i32
      %scan3A_368 = arith.constant 0 : i32
      %scan3A_369 = arith.constant 200 : i32
      %scan3A_370 = arith.addi %scan3A_368, %scan3A_369 : i32
      %scan3A_371 = arith.constant 2 : i32
      scf.for %scan3A_723 = %scan3A_368 to %scan3A_370 step %scan3A_371  : i32 {
        %get3A = arith.index_cast %scan3A_723 : i32 to index
        %get3A_724 = arith.constant 0 : index
        %get3A_725 = tpu.vector_load %arg7[%get3A, %get3A_724] {strides = array<i32>} : memref<200x64xf32, #tpu.memory_space<vmem>>, vector<1x16xf32>,
        %get3A_726 = vector.shape_cast %get3A_725 : vector<1x16xf32> to vector<16xf32>
        %swap3A = arith.constant 2 : i32
        %swap3A_727 = arith.index_cast %swap3A : i32 to index
        %swap3A_728 = arith.index_cast %scan3A_723 : i32 to index
        %swap3A_729 = arith.constant 0 : index
        %swap3A_730 = tpu.vector_load %arg8[%swap3A_727, %swap3A_728, %swap3A_729] {strides = array<i32>} : memref<8x200x64xf32, #tpu.memory_space<vmem>>, vector<1x1x16xf32>,
        %swap3A_731 = vector.shape_cast %swap3A_730 : vector<1x1x16xf32> to vector<16xf32>
        %swap3A_732 = vector.shape_cast %get3A_726 : vector<16xf32> to vector<1x1x16xf32>
        tpu.vector_store %arg8[%swap3A_727, %swap3A_728, %swap3A_729], %swap3A_732 {add = true, strides = array<i32>} : memref<8x200x64xf32, #tpu.memory_space<vmem>>, vector<1x1x16xf32>,
        %get3A_733 = arith.index_cast %scan3A_723 : i32 to index
        %get3A_734 = arith.constant 16 : index
        %get3A_735 = tpu.vector_load %arg7[%get3A_733, %get3A_734] {strides = array<i32>} : memref<200x64xf32, #tpu.memory_space<vmem>>, vector<1x16xf32>,
        %get3A_736 = vector.shape_cast %get3A_735 : vector<1x16xf32> to vector<16xf32>
        %swap3A_737 = arith.constant 2 : i32
        %swap3A_738 = arith.index_cast %swap3A_737 : i32 to index
        %swap3A_739 = arith.index_cast %scan3A_723 : i32 to index
        %swap3A_740 = arith.constant 16 : index
        %swap3A_741 = tpu.vector_load %arg8[%swap3A_738, %swap3A_739, %swap3A_740] {strides = array<i32>} : memref<8x200x64xf32, #tpu.memory_space<vmem>>, vector<1x1x16xf32>,
        %swap3A_742 = vector.shape_cast %swap3A_741 : vector<1x1x16xf32> to vector<16xf32>
        %swap3A_743 = vector.shape_cast %get3A_736 : vector<16xf32> to vector<1x1x16xf32>
        tpu.vector_store %arg8[%swap3A_738, %swap3A_739, %swap3A_740], %swap3A_743 {add = true, strides = array<i32>} : memref<8x200x64xf32, #tpu.memory_space<vmem>>, vector<1x1x16xf32>,
        %get3A_744 = arith.index_cast %scan3A_723 : i32 to index
        %get3A_745 = arith.constant 32 : index
        %get3A_746 = tpu.vector_load %arg7[%get3A_744, %get3A_745] {strides = array<i32>} : memref<200x64xf32, #tpu.memory_space<vmem>>, vector<1x16xf32>,
        %get3A_747 = vector.shape_cast %get3A_746 : vector<1x16xf32> to vector<16xf32>
        %swap3A_748 = arith.constant 2 : i32
        %swap3A_749 = arith.index_cast %swap3A_748 : i32 to index
        %swap3A_750 = arith.index_cast %scan3A_723 : i32 to index
        %swap3A_751 = arith.constant 32 : index
        %swap3A_752 = tpu.vector_load %arg8[%swap3A_749, %swap3A_750, %swap3A_751] {strides = array<i32>} : memref<8x200x64xf32, #tpu.memory_space<vmem>>, vector<1x1x16xf32>,
        %swap3A_753 = vector.shape_cast %swap3A_752 : vector<1x1x16xf32> to vector<16xf32>
        %swap3A_754 = vector.shape_cast %get3A_747 : vector<16xf32> to vector<1x1x16xf32>
        tpu.vector_store %arg8[%swap3A_749, %swap3A_750, %swap3A_751], %swap3A_754 {add = true, strides = array<i32>} : memref<8x200x64xf32, #tpu.memory_space<vmem>>, vector<1x1x16xf32>,
        %get3A_755 = arith.index_cast %scan3A_723 : i32 to index
        %get3A_756 = arith.constant 48 : index
        %get3A_757 = tpu.vector_load %arg7[%get3A_755, %get3A_756] {strides = array<i32>} : memref<200x64xf32, #tpu.memory_space<vmem>>, vector<1x16xf32>,
        %get3A_758 = vector.shape_cast %get3A_757 : vector<1x16xf32> to vector<16xf32>
        %swap3A_759 = arith.constant 2 : i32
        %swap3A_760 = arith.index_cast %swap3A_759 : i32 to index
        %swap3A_761 = arith.index_cast %scan3A_723 : i32 to index
        %swap3A_762 = arith.constant 48 : index
        %swap3A_763 = tpu.vector_load %arg8[%swap3A_760, %swap3A_761, %swap3A_762] {strides = array<i32>} : memref<8x200x64xf32, #tpu.memory_space<vmem>>, vector<1x1x16xf32>,
        %swap3A_764 = vector.shape_cast %swap3A_763 : vector<1x1x16xf32> to vector<16xf32>
        %swap3A_765 = vector.shape_cast %get3A_758 : vector<16xf32> to vector<1x1x16xf32>
        tpu.vector_store %arg8[%swap3A_760, %swap3A_761, %swap3A_762], %swap3A_765 {add = true, strides = array<i32>} : memref<8x200x64xf32, #tpu.memory_space<vmem>>, vector<1x1x16xf32>,
        %scan3A_766 = arith.constant 1 : i32
        %scan3A_767 = arith.addi %scan3A_723, %scan3A_766 : i32
        %get3A_768 = arith.index_cast %scan3A_767 : i32 to index
        %get3A_769 = arith.constant 0 : index
        %get3A_770 = tpu.vector_load %arg7[%get3A_768, %get3A_769] {strides = array<i32>} : memref<200x64xf32, #tpu.memory_space<vmem>>, vector<1x16xf32>,
        %get3A_771 = vector.shape_cast %get3A_770 : vector<1x16xf32> to vector<16xf32>
        %swap3A_772 = arith.constant 2 : i32
        %swap3A_773 = arith.index_cast %swap3A_772 : i32 to index
        %swap3A_774 = arith.index_cast %scan3A_767 : i32 to index
        %swap3A_775 = arith.constant 0 : index
        %swap3A_776 = tpu.vector_load %arg8[%swap3A_773, %swap3A_774, %swap3A_775] {strides = array<i32>} : memref<8x200x64xf32, #tpu.memory_space<vmem>>, vector<1x1x16xf32>,
        %swap3A_777 = vector.shape_cast %swap3A_776 : vector<1x1x16xf32> to vector<16xf32>
        %swap3A_778 = vector.shape_cast %get3A_771 : vector<16xf32> to vector<1x1x16xf32>
        tpu.vector_store %arg8[%swap3A_773, %swap3A_774, %swap3A_775], %swap3A_778 {add = true, strides = array<i32>} : memref<8x200x64xf32, #tpu.memory_space<vmem>>, vector<1x1x16xf32>,
        %get3A_779 = arith.index_cast %scan3A_767 : i32 to index
        %get3A_780 = arith.constant 16 : index
        %get3A_781 = tpu.vector_load %arg7[%get3A_779, %get3A_780] {strides = array<i32>} : memref<200x64xf32, #tpu.memory_space<vmem>>, vector<1x16xf32>,
        %get3A_782 = vector.shape_cast %get3A_781 : vector<1x16xf32> to vector<16xf32>
        %swap3A_783 = arith.constant 2 : i32
        %swap3A_784 = arith.index_cast %swap3A_783 : i32 to index
        %swap3A_785 = arith.index_cast %scan3A_767 : i32 to index
        %swap3A_786 = arith.constant 16 : index
        %swap3A_787 = tpu.vector_load %arg8[%swap3A_784, %swap3A_785, %swap3A_786] {strides = array<i32>} : memref<8x200x64xf32, #tpu.memory_space<vmem>>, vector<1x1x16xf32>,
        %swap3A_788 = vector.shape_cast %swap3A_787 : vector<1x1x16xf32> to vector<16xf32>
        %swap3A_789 = vector.shape_cast %get3A_782 : vector<16xf32> to vector<1x1x16xf32>
        tpu.vector_store %arg8[%swap3A_784, %swap3A_785, %swap3A_786], %swap3A_789 {add = true, strides = array<i32>} : memref<8x200x64xf32, #tpu.memory_space<vmem>>, vector<1x1x16xf32>,
        %get3A_790 = arith.index_cast %scan3A_767 : i32 to index
        %get3A_791 = arith.constant 32 : index
        %get3A_792 = tpu.vector_load %arg7[%get3A_790, %get3A_791] {strides = array<i32>} : memref<200x64xf32, #tpu.memory_space<vmem>>, vector<1x16xf32>,
        %get3A_793 = vector.shape_cast %get3A_792 : vector<1x16xf32> to vector<16xf32>
        %swap3A_794 = arith.constant 2 : i32
        %swap3A_795 = arith.index_cast %swap3A_794 : i32 to index
        %swap3A_796 = arith.index_cast %scan3A_767 : i32 to index
        %swap3A_797 = arith.constant 32 : index
        %swap3A_798 = tpu.vector_load %arg8[%swap3A_795, %swap3A_796, %swap3A_797] {strides = array<i32>} : memref<8x200x64xf32, #tpu.memory_space<vmem>>, vector<1x1x16xf32>,
        %swap3A_799 = vector.shape_cast %swap3A_798 : vector<1x1x16xf32> to vector<16xf32>
        %swap3A_800 = vector.shape_cast %get3A_793 : vector<16xf32> to vector<1x1x16xf32>
        tpu.vector_store %arg8[%swap3A_795, %swap3A_796, %swap3A_797], %swap3A_800 {add = true, strides = array<i32>} : memref<8x200x64xf32, #tpu.memory_space<vmem>>, vector<1x1x16xf32>,
        %get3A_801 = arith.index_cast %scan3A_767 : i32 to index
        %get3A_802 = arith.constant 48 : index
        %get3A_803 = tpu.vector_load %arg7[%get3A_801, %get3A_802] {strides = array<i32>} : memref<200x64xf32, #tpu.memory_space<vmem>>, vector<1x16xf32>,
        %get3A_804 = vector.shape_cast %get3A_803 : vector<1x16xf32> to vector<16xf32>
        %swap3A_805 = arith.constant 2 : i32
        %swap3A_806 = arith.index_cast %swap3A_805 : i32 to index
        %swap3A_807 = arith.index_cast %scan3A_767 : i32 to index
        %swap3A_808 = arith.constant 48 : index
        %swap3A_809 = tpu.vector_load %arg8[%swap3A_806, %swap3A_807, %swap3A_808] {strides = array<i32>} : memref<8x200x64xf32, #tpu.memory_space<vmem>>, vector<1x1x16xf32>,
        %swap3A_810 = vector.shape_cast %swap3A_809 : vector<1x1x16xf32> to vector<16xf32>
        %swap3A_811 = vector.shape_cast %get3A_804 : vector<16xf32> to vector<1x1x16xf32>
        tpu.vector_store %arg8[%swap3A_806, %swap3A_807, %swap3A_808], %swap3A_811 {add = true, strides = array<i32>} : memref<8x200x64xf32, #tpu.memory_space<vmem>>, vector<1x1x16xf32>,
      }
      %scan3A_372 = arith.constant 200 : i32
      %mul3A_373 = arith.constant 200 : i32
      %mul3A_374 = arith.muli %add3A_344, %mul3A_373 : i32
      %add3A_375 = arith.addi %mul3A_2, %mul3A_374 : i32
      %dma_start3A_376 = arith.constant 2 : i32
      %dma_start3A_377 = arith.constant 0 : i32
      %dma_start3A_378 = arith.constant 0 : i32
      %dma_start3A_379 = tpu.memref_slice %arg8[%dma_start3A_376, %dma_start3A_377, %dma_start3A_378] : memref<8x200x64xf32, #tpu.memory_space<vmem>> -> memref<1x200x64xf32, #tpu.memory_space<vmem>>
      %dma_start3A_380 = tpu.memref_squeeze %dma_start3A_379 : memref<1x200x64xf32, #tpu.memory_space<vmem>> -> memref<200x64xf32, #tpu.memory_space<vmem>>
      %dma_start3A_381 = arith.constant 0 : i32
      %dma_start3A_382 = tpu.memref_slice %arg5[%add3A_375, %dma_start3A_381] : memref<204800x64xf32, #tpu.memory_space<hbm>> -> memref<200x64xf32, #tpu.memory_space<hbm>>
      %dma_start3A_383 = arith.constant 0 : i32
      %dma_start3A_384 = tpu.memref_slice %arg5[%add3A_375, %dma_start3A_383] : memref<204800x64xf32, #tpu.memory_space<hbm>> -> memref<200x64xf32, #tpu.memory_space<hbm>>
      %dma_start3A_385 = arith.constant 0 : i32
      %dma_start3A_386 = arith.constant 0 : i32
      %dma_start3A_387 = tpu.memref_slice %arg8[%dma_start3A_376, %dma_start3A_385, %dma_start3A_386] : memref<8x200x64xf32, #tpu.memory_space<vmem>> -> memref<1x200x64xf32, #tpu.memory_space<vmem>>
      %dma_start3A_388 = tpu.memref_squeeze %dma_start3A_387 : memref<1x200x64xf32, #tpu.memory_space<vmem>> -> memref<200x64xf32, #tpu.memory_space<vmem>>
      tpu.enqueue_dma source(%dma_start3A_388 : memref<200x64xf32, #tpu.memory_space<vmem>>) target(%dma_start3A_384 : memref<200x64xf32, #tpu.memory_space<hbm>>) target_semaphore(%arg17 : memref<!tpu.dma_semaphore, #tpu.memory_space<semaphore_mem>>)
      %add3A_389 = arith.constant 3 : i32
      %add3A_390 = arith.addi %mul3A_12, %add3A_389 : i32
      %dma_wait3A_391 = arith.constant 3 : i32
      %dma_wait3A_392 = arith.constant 0 : i32
      %dma_wait3A_393 = arith.constant 0 : i32
      %dma_wait3A_394 = tpu.memref_slice %arg8[%dma_wait3A_391, %dma_wait3A_392, %dma_wait3A_393] : memref<8x200x64xf32, #tpu.memory_space<vmem>> -> memref<1x100x64xf32, #tpu.memory_space<vmem>>
      %dma_wait3A_395 = tpu.memref_squeeze %dma_wait3A_394 : memref<1x100x64xf32, #tpu.memory_space<vmem>> -> memref<100x64xf32, #tpu.memory_space<vmem>>
      %dma_wait3A_396 = arith.constant 0 : i32
      %dma_wait3A_397 = tpu.memref_slice %arg6[%mul3A_105, %dma_wait3A_396] : memref<64x100xi32, #tpu.memory_space<vmem>> -> memref<1x100xi32, #tpu.memory_space<vmem>>
      %dma_wait3A_398 = tpu.memref_squeeze %dma_wait3A_397 : memref<1x100xi32, #tpu.memory_space<vmem>> -> memref<100xi32, #tpu.memory_space<vmem>>
      %dma_wait3A_399 = arith.constant 0 : i32
      %dma_wait3A_400 = arith.constant 0 : i32
      %dma_wait3A_401 = tpu.memref_slice %arg3[%dma_wait3A_399, %dma_wait3A_400] : memref<1000000x64xf32, #tpu.memory_space<hbm>> -> memref<1000000x64xf32, #tpu.memory_space<hbm>>
      tpu.wait_indirect_dma semaphore(%arg12 : memref<!tpu.dma_semaphore, #tpu.memory_space<semaphore_mem>>) src(%dma_wait3A_401 : memref<1000000x64xf32, #tpu.memory_space<hbm>>) dst(%dma_wait3A_395 : memref<100x64xf32, #tpu.memory_space<vmem>>)
      %dma_wait3A_402 = arith.constant 3 : i32
      %dma_wait3A_403 = arith.constant 100 : i32
      %dma_wait3A_404 = arith.constant 0 : i32
      %dma_wait3A_405 = tpu.memref_slice %arg8[%dma_wait3A_402, %dma_wait3A_403, %dma_wait3A_404] : memref<8x200x64xf32, #tpu.memory_space<vmem>> -> memref<1x100x64xf32, #tpu.memory_space<vmem>>
      %dma_wait3A_406 = tpu.memref_squeeze %dma_wait3A_405 : memref<1x100x64xf32, #tpu.memory_space<vmem>> -> memref<100x64xf32, #tpu.memory_space<vmem>>
      %dma_wait3A_407 = arith.constant 0 : i32
      %dma_wait3A_408 = tpu.memref_slice %arg6[%add3A_120, %dma_wait3A_407] : memref<64x100xi32, #tpu.memory_space<vmem>> -> memref<1x100xi32, #tpu.memory_space<vmem>>
      %dma_wait3A_409 = tpu.memref_squeeze %dma_wait3A_408 : memref<1x100xi32, #tpu.memory_space<vmem>> -> memref<100xi32, #tpu.memory_space<vmem>>
      %dma_wait3A_410 = arith.constant 0 : i32
      %dma_wait3A_411 = arith.constant 0 : i32
      %dma_wait3A_412 = tpu.memref_slice %arg3[%dma_wait3A_410, %dma_wait3A_411] : memref<1000000x64xf32, #tpu.memory_space<hbm>> -> memref<1000000x64xf32, #tpu.memory_space<hbm>>
      tpu.wait_indirect_dma semaphore(%arg12 : memref<!tpu.dma_semaphore, #tpu.memory_space<semaphore_mem>>) src(%dma_wait3A_412 : memref<1000000x64xf32, #tpu.memory_space<hbm>>) dst(%dma_wait3A_406 : memref<100x64xf32, #tpu.memory_space<vmem>>)
      %scan3A_413 = arith.constant 0 : i32
      %scan3A_414 = arith.constant 0 : i32
      %scan3A_415 = arith.constant 200 : i32
      %scan3A_416 = arith.addi %scan3A_414, %scan3A_415 : i32
      %scan3A_417 = arith.constant 2 : i32
      scf.for %scan3A_723 = %scan3A_414 to %scan3A_416 step %scan3A_417  : i32 {
        %get3A = arith.index_cast %scan3A_723 : i32 to index
        %get3A_724 = arith.constant 0 : index
        %get3A_725 = tpu.vector_load %arg7[%get3A, %get3A_724] {strides = array<i32>} : memref<200x64xf32, #tpu.memory_space<vmem>>, vector<1x16xf32>,
        %get3A_726 = vector.shape_cast %get3A_725 : vector<1x16xf32> to vector<16xf32>
        %swap3A = arith.constant 3 : i32
        %swap3A_727 = arith.index_cast %swap3A : i32 to index
        %swap3A_728 = arith.index_cast %scan3A_723 : i32 to index
        %swap3A_729 = arith.constant 0 : index
        %swap3A_730 = tpu.vector_load %arg8[%swap3A_727, %swap3A_728, %swap3A_729] {strides = array<i32>} : memref<8x200x64xf32, #tpu.memory_space<vmem>>, vector<1x1x16xf32>,
        %swap3A_731 = vector.shape_cast %swap3A_730 : vector<1x1x16xf32> to vector<16xf32>
        %swap3A_732 = vector.shape_cast %get3A_726 : vector<16xf32> to vector<1x1x16xf32>
        tpu.vector_store %arg8[%swap3A_727, %swap3A_728, %swap3A_729], %swap3A_732 {add = true, strides = array<i32>} : memref<8x200x64xf32, #tpu.memory_space<vmem>>, vector<1x1x16xf32>,
        %get3A_733 = arith.index_cast %scan3A_723 : i32 to index
        %get3A_734 = arith.constant 16 : index
        %get3A_735 = tpu.vector_load %arg7[%get3A_733, %get3A_734] {strides = array<i32>} : memref<200x64xf32, #tpu.memory_space<vmem>>, vector<1x16xf32>,
        %get3A_736 = vector.shape_cast %get3A_735 : vector<1x16xf32> to vector<16xf32>
        %swap3A_737 = arith.constant 3 : i32
        %swap3A_738 = arith.index_cast %swap3A_737 : i32 to index
        %swap3A_739 = arith.index_cast %scan3A_723 : i32 to index
        %swap3A_740 = arith.constant 16 : index
        %swap3A_741 = tpu.vector_load %arg8[%swap3A_738, %swap3A_739, %swap3A_740] {strides = array<i32>} : memref<8x200x64xf32, #tpu.memory_space<vmem>>, vector<1x1x16xf32>,
        %swap3A_742 = vector.shape_cast %swap3A_741 : vector<1x1x16xf32> to vector<16xf32>
        %swap3A_743 = vector.shape_cast %get3A_736 : vector<16xf32> to vector<1x1x16xf32>
        tpu.vector_store %arg8[%swap3A_738, %swap3A_739, %swap3A_740], %swap3A_743 {add = true, strides = array<i32>} : memref<8x200x64xf32, #tpu.memory_space<vmem>>, vector<1x1x16xf32>,
        %get3A_744 = arith.index_cast %scan3A_723 : i32 to index
        %get3A_745 = arith.constant 32 : index
        %get3A_746 = tpu.vector_load %arg7[%get3A_744, %get3A_745] {strides = array<i32>} : memref<200x64xf32, #tpu.memory_space<vmem>>, vector<1x16xf32>,
        %get3A_747 = vector.shape_cast %get3A_746 : vector<1x16xf32> to vector<16xf32>
        %swap3A_748 = arith.constant 3 : i32
        %swap3A_749 = arith.index_cast %swap3A_748 : i32 to index
        %swap3A_750 = arith.index_cast %scan3A_723 : i32 to index
        %swap3A_751 = arith.constant 32 : index
        %swap3A_752 = tpu.vector_load %arg8[%swap3A_749, %swap3A_750, %swap3A_751] {strides = array<i32>} : memref<8x200x64xf32, #tpu.memory_space<vmem>>, vector<1x1x16xf32>,
        %swap3A_753 = vector.shape_cast %swap3A_752 : vector<1x1x16xf32> to vector<16xf32>
        %swap3A_754 = vector.shape_cast %get3A_747 : vector<16xf32> to vector<1x1x16xf32>
        tpu.vector_store %arg8[%swap3A_749, %swap3A_750, %swap3A_751], %swap3A_754 {add = true, strides = array<i32>} : memref<8x200x64xf32, #tpu.memory_space<vmem>>, vector<1x1x16xf32>,
        %get3A_755 = arith.index_cast %scan3A_723 : i32 to index
        %get3A_756 = arith.constant 48 : index
        %get3A_757 = tpu.vector_load %arg7[%get3A_755, %get3A_756] {strides = array<i32>} : memref<200x64xf32, #tpu.memory_space<vmem>>, vector<1x16xf32>,
        %get3A_758 = vector.shape_cast %get3A_757 : vector<1x16xf32> to vector<16xf32>
        %swap3A_759 = arith.constant 3 : i32
        %swap3A_760 = arith.index_cast %swap3A_759 : i32 to index
        %swap3A_761 = arith.index_cast %scan3A_723 : i32 to index
        %swap3A_762 = arith.constant 48 : index
        %swap3A_763 = tpu.vector_load %arg8[%swap3A_760, %swap3A_761, %swap3A_762] {strides = array<i32>} : memref<8x200x64xf32, #tpu.memory_space<vmem>>, vector<1x1x16xf32>,
        %swap3A_764 = vector.shape_cast %swap3A_763 : vector<1x1x16xf32> to vector<16xf32>
        %swap3A_765 = vector.shape_cast %get3A_758 : vector<16xf32> to vector<1x1x16xf32>
        tpu.vector_store %arg8[%swap3A_760, %swap3A_761, %swap3A_762], %swap3A_765 {add = true, strides = array<i32>} : memref<8x200x64xf32, #tpu.memory_space<vmem>>, vector<1x1x16xf32>,
        %scan3A_766 = arith.constant 1 : i32
        %scan3A_767 = arith.addi %scan3A_723, %scan3A_766 : i32
        %get3A_768 = arith.index_cast %scan3A_767 : i32 to index
        %get3A_769 = arith.constant 0 : index
        %get3A_770 = tpu.vector_load %arg7[%get3A_768, %get3A_769] {strides = array<i32>} : memref<200x64xf32, #tpu.memory_space<vmem>>, vector<1x16xf32>,
        %get3A_771 = vector.shape_cast %get3A_770 : vector<1x16xf32> to vector<16xf32>
        %swap3A_772 = arith.constant 3 : i32
        %swap3A_773 = arith.index_cast %swap3A_772 : i32 to index
        %swap3A_774 = arith.index_cast %scan3A_767 : i32 to index
        %swap3A_775 = arith.constant 0 : index
        %swap3A_776 = tpu.vector_load %arg8[%swap3A_773, %swap3A_774, %swap3A_775] {strides = array<i32>} : memref<8x200x64xf32, #tpu.memory_space<vmem>>, vector<1x1x16xf32>,
        %swap3A_777 = vector.shape_cast %swap3A_776 : vector<1x1x16xf32> to vector<16xf32>
        %swap3A_778 = vector.shape_cast %get3A_771 : vector<16xf32> to vector<1x1x16xf32>
        tpu.vector_store %arg8[%swap3A_773, %swap3A_774, %swap3A_775], %swap3A_778 {add = true, strides = array<i32>} : memref<8x200x64xf32, #tpu.memory_space<vmem>>, vector<1x1x16xf32>,
        %get3A_779 = arith.index_cast %scan3A_767 : i32 to index
        %get3A_780 = arith.constant 16 : index
        %get3A_781 = tpu.vector_load %arg7[%get3A_779, %get3A_780] {strides = array<i32>} : memref<200x64xf32, #tpu.memory_space<vmem>>, vector<1x16xf32>,
        %get3A_782 = vector.shape_cast %get3A_781 : vector<1x16xf32> to vector<16xf32>
        %swap3A_783 = arith.constant 3 : i32
        %swap3A_784 = arith.index_cast %swap3A_783 : i32 to index
        %swap3A_785 = arith.index_cast %scan3A_767 : i32 to index
        %swap3A_786 = arith.constant 16 : index
        %swap3A_787 = tpu.vector_load %arg8[%swap3A_784, %swap3A_785, %swap3A_786] {strides = array<i32>} : memref<8x200x64xf32, #tpu.memory_space<vmem>>, vector<1x1x16xf32>,
        %swap3A_788 = vector.shape_cast %swap3A_787 : vector<1x1x16xf32> to vector<16xf32>
        %swap3A_789 = vector.shape_cast %get3A_782 : vector<16xf32> to vector<1x1x16xf32>
        tpu.vector_store %arg8[%swap3A_784, %swap3A_785, %swap3A_786], %swap3A_789 {add = true, strides = array<i32>} : memref<8x200x64xf32, #tpu.memory_space<vmem>>, vector<1x1x16xf32>,
        %get3A_790 = arith.index_cast %scan3A_767 : i32 to index
        %get3A_791 = arith.constant 32 : index
        %get3A_792 = tpu.vector_load %arg7[%get3A_790, %get3A_791] {strides = array<i32>} : memref<200x64xf32, #tpu.memory_space<vmem>>, vector<1x16xf32>,
        %get3A_793 = vector.shape_cast %get3A_792 : vector<1x16xf32> to vector<16xf32>
        %swap3A_794 = arith.constant 3 : i32
        %swap3A_795 = arith.index_cast %swap3A_794 : i32 to index
        %swap3A_796 = arith.index_cast %scan3A_767 : i32 to index
        %swap3A_797 = arith.constant 32 : index
        %swap3A_798 = tpu.vector_load %arg8[%swap3A_795, %swap3A_796, %swap3A_797] {strides = array<i32>} : memref<8x200x64xf32, #tpu.memory_space<vmem>>, vector<1x1x16xf32>,
        %swap3A_799 = vector.shape_cast %swap3A_798 : vector<1x1x16xf32> to vector<16xf32>
        %swap3A_800 = vector.shape_cast %get3A_793 : vector<16xf32> to vector<1x1x16xf32>
        tpu.vector_store %arg8[%swap3A_795, %swap3A_796, %swap3A_797], %swap3A_800 {add = true, strides = array<i32>} : memref<8x200x64xf32, #tpu.memory_space<vmem>>, vector<1x1x16xf32>,
        %get3A_801 = arith.index_cast %scan3A_767 : i32 to index
        %get3A_802 = arith.constant 48 : index
        %get3A_803 = tpu.vector_load %arg7[%get3A_801, %get3A_802] {strides = array<i32>} : memref<200x64xf32, #tpu.memory_space<vmem>>, vector<1x16xf32>,
        %get3A_804 = vector.shape_cast %get3A_803 : vector<1x16xf32> to vector<16xf32>
        %swap3A_805 = arith.constant 3 : i32
        %swap3A_806 = arith.index_cast %swap3A_805 : i32 to index
        %swap3A_807 = arith.index_cast %scan3A_767 : i32 to index
        %swap3A_808 = arith.constant 48 : index
        %swap3A_809 = tpu.vector_load %arg8[%swap3A_806, %swap3A_807, %swap3A_808] {strides = array<i32>} : memref<8x200x64xf32, #tpu.memory_space<vmem>>, vector<1x1x16xf32>,
        %swap3A_810 = vector.shape_cast %swap3A_809 : vector<1x1x16xf32> to vector<16xf32>
        %swap3A_811 = vector.shape_cast %get3A_804 : vector<16xf32> to vector<1x1x16xf32>
        tpu.vector_store %arg8[%swap3A_806, %swap3A_807, %swap3A_808], %swap3A_811 {add = true, strides = array<i32>} : memref<8x200x64xf32, #tpu.memory_space<vmem>>, vector<1x1x16xf32>,
      }
      %scan3A_418 = arith.constant 200 : i32
      %mul3A_419 = arith.constant 200 : i32
      %mul3A_420 = arith.muli %add3A_390, %mul3A_419 : i32
      %add3A_421 = arith.addi %mul3A_2, %mul3A_420 : i32
      %dma_start3A_422 = arith.constant 3 : i32
      %dma_start3A_423 = arith.constant 0 : i32
      %dma_start3A_424 = arith.constant 0 : i32
      %dma_start3A_425 = tpu.memref_slice %arg8[%dma_start3A_422, %dma_start3A_423, %dma_start3A_424] : memref<8x200x64xf32, #tpu.memory_space<vmem>> -> memref<1x200x64xf32, #tpu.memory_space<vmem>>
      %dma_start3A_426 = tpu.memref_squeeze %dma_start3A_425 : memref<1x200x64xf32, #tpu.memory_space<vmem>> -> memref<200x64xf32, #tpu.memory_space<vmem>>
      %dma_start3A_427 = arith.constant 0 : i32
      %dma_start3A_428 = tpu.memref_slice %arg5[%add3A_421, %dma_start3A_427] : memref<204800x64xf32, #tpu.memory_space<hbm>> -> memref<200x64xf32, #tpu.memory_space<hbm>>
      %dma_start3A_429 = arith.constant 0 : i32
      %dma_start3A_430 = tpu.memref_slice %arg5[%add3A_421, %dma_start3A_429] : memref<204800x64xf32, #tpu.memory_space<hbm>> -> memref<200x64xf32, #tpu.memory_space<hbm>>
      %dma_start3A_431 = arith.constant 0 : i32
      %dma_start3A_432 = arith.constant 0 : i32
      %dma_start3A_433 = tpu.memref_slice %arg8[%dma_start3A_422, %dma_start3A_431, %dma_start3A_432] : memref<8x200x64xf32, #tpu.memory_space<vmem>> -> memref<1x200x64xf32, #tpu.memory_space<vmem>>
      %dma_start3A_434 = tpu.memref_squeeze %dma_start3A_433 : memref<1x200x64xf32, #tpu.memory_space<vmem>> -> memref<200x64xf32, #tpu.memory_space<vmem>>
      tpu.enqueue_dma source(%dma_start3A_434 : memref<200x64xf32, #tpu.memory_space<vmem>>) target(%dma_start3A_430 : memref<200x64xf32, #tpu.memory_space<hbm>>) target_semaphore(%arg17 : memref<!tpu.dma_semaphore, #tpu.memory_space<semaphore_mem>>)
      %add3A_435 = arith.constant 4 : i32
      %add3A_436 = arith.addi %mul3A_12, %add3A_435 : i32
      %dma_wait3A_437 = arith.constant 4 : i32
      %dma_wait3A_438 = arith.constant 0 : i32
      %dma_wait3A_439 = arith.constant 0 : i32
      %dma_wait3A_440 = tpu.memref_slice %arg8[%dma_wait3A_437, %dma_wait3A_438, %dma_wait3A_439] : memref<8x200x64xf32, #tpu.memory_space<vmem>> -> memref<1x100x64xf32, #tpu.memory_space<vmem>>
      %dma_wait3A_441 = tpu.memref_squeeze %dma_wait3A_440 : memref<1x100x64xf32, #tpu.memory_space<vmem>> -> memref<100x64xf32, #tpu.memory_space<vmem>>
      %dma_wait3A_442 = arith.constant 0 : i32
      %dma_wait3A_443 = tpu.memref_slice %arg6[%mul3A_135, %dma_wait3A_442] : memref<64x100xi32, #tpu.memory_space<vmem>> -> memref<1x100xi32, #tpu.memory_space<vmem>>
      %dma_wait3A_444 = tpu.memref_squeeze %dma_wait3A_443 : memref<1x100xi32, #tpu.memory_space<vmem>> -> memref<100xi32, #tpu.memory_space<vmem>>
      %dma_wait3A_445 = arith.constant 0 : i32
      %dma_wait3A_446 = arith.constant 0 : i32
      %dma_wait3A_447 = tpu.memref_slice %arg3[%dma_wait3A_445, %dma_wait3A_446] : memref<1000000x64xf32, #tpu.memory_space<hbm>> -> memref<1000000x64xf32, #tpu.memory_space<hbm>>
      tpu.wait_indirect_dma semaphore(%arg13 : memref<!tpu.dma_semaphore, #tpu.memory_space<semaphore_mem>>) src(%dma_wait3A_447 : memref<1000000x64xf32, #tpu.memory_space<hbm>>) dst(%dma_wait3A_441 : memref<100x64xf32, #tpu.memory_space<vmem>>)
      %dma_wait3A_448 = arith.constant 4 : i32
      %dma_wait3A_449 = arith.constant 100 : i32
      %dma_wait3A_450 = arith.constant 0 : i32
      %dma_wait3A_451 = tpu.memref_slice %arg8[%dma_wait3A_448, %dma_wait3A_449, %dma_wait3A_450] : memref<8x200x64xf32, #tpu.memory_space<vmem>> -> memref<1x100x64xf32, #tpu.memory_space<vmem>>
      %dma_wait3A_452 = tpu.memref_squeeze %dma_wait3A_451 : memref<1x100x64xf32, #tpu.memory_space<vmem>> -> memref<100x64xf32, #tpu.memory_space<vmem>>
      %dma_wait3A_453 = arith.constant 0 : i32
      %dma_wait3A_454 = tpu.memref_slice %arg6[%add3A_150, %dma_wait3A_453] : memref<64x100xi32, #tpu.memory_space<vmem>> -> memref<1x100xi32, #tpu.memory_space<vmem>>
      %dma_wait3A_455 = tpu.memref_squeeze %dma_wait3A_454 : memref<1x100xi32, #tpu.memory_space<vmem>> -> memref<100xi32, #tpu.memory_space<vmem>>
      %dma_wait3A_456 = arith.constant 0 : i32
      %dma_wait3A_457 = arith.constant 0 : i32
      %dma_wait3A_458 = tpu.memref_slice %arg3[%dma_wait3A_456, %dma_wait3A_457] : memref<1000000x64xf32, #tpu.memory_space<hbm>> -> memref<1000000x64xf32, #tpu.memory_space<hbm>>
      tpu.wait_indirect_dma semaphore(%arg13 : memref<!tpu.dma_semaphore, #tpu.memory_space<semaphore_mem>>) src(%dma_wait3A_458 : memref<1000000x64xf32, #tpu.memory_space<hbm>>) dst(%dma_wait3A_452 : memref<100x64xf32, #tpu.memory_space<vmem>>)
      %scan3A_459 = arith.constant 0 : i32
      %scan3A_460 = arith.constant 0 : i32
      %scan3A_461 = arith.constant 200 : i32
      %scan3A_462 = arith.addi %scan3A_460, %scan3A_461 : i32
      %scan3A_463 = arith.constant 2 : i32
      scf.for %scan3A_723 = %scan3A_460 to %scan3A_462 step %scan3A_463  : i32 {
        %get3A = arith.index_cast %scan3A_723 : i32 to index
        %get3A_724 = arith.constant 0 : index
        %get3A_725 = tpu.vector_load %arg7[%get3A, %get3A_724] {strides = array<i32>} : memref<200x64xf32, #tpu.memory_space<vmem>>, vector<1x16xf32>,
        %get3A_726 = vector.shape_cast %get3A_725 : vector<1x16xf32> to vector<16xf32>
        %swap3A = arith.constant 4 : i32
        %swap3A_727 = arith.index_cast %swap3A : i32 to index
        %swap3A_728 = arith.index_cast %scan3A_723 : i32 to index
        %swap3A_729 = arith.constant 0 : index
        %swap3A_730 = tpu.vector_load %arg8[%swap3A_727, %swap3A_728, %swap3A_729] {strides = array<i32>} : memref<8x200x64xf32, #tpu.memory_space<vmem>>, vector<1x1x16xf32>,
        %swap3A_731 = vector.shape_cast %swap3A_730 : vector<1x1x16xf32> to vector<16xf32>
        %swap3A_732 = vector.shape_cast %get3A_726 : vector<16xf32> to vector<1x1x16xf32>
        tpu.vector_store %arg8[%swap3A_727, %swap3A_728, %swap3A_729], %swap3A_732 {add = true, strides = array<i32>} : memref<8x200x64xf32, #tpu.memory_space<vmem>>, vector<1x1x16xf32>,
        %get3A_733 = arith.index_cast %scan3A_723 : i32 to index
        %get3A_734 = arith.constant 16 : index
        %get3A_735 = tpu.vector_load %arg7[%get3A_733, %get3A_734] {strides = array<i32>} : memref<200x64xf32, #tpu.memory_space<vmem>>, vector<1x16xf32>,
        %get3A_736 = vector.shape_cast %get3A_735 : vector<1x16xf32> to vector<16xf32>
        %swap3A_737 = arith.constant 4 : i32
        %swap3A_738 = arith.index_cast %swap3A_737 : i32 to index
        %swap3A_739 = arith.index_cast %scan3A_723 : i32 to index
        %swap3A_740 = arith.constant 16 : index
        %swap3A_741 = tpu.vector_load %arg8[%swap3A_738, %swap3A_739, %swap3A_740] {strides = array<i32>} : memref<8x200x64xf32, #tpu.memory_space<vmem>>, vector<1x1x16xf32>,
        %swap3A_742 = vector.shape_cast %swap3A_741 : vector<1x1x16xf32> to vector<16xf32>
        %swap3A_743 = vector.shape_cast %get3A_736 : vector<16xf32> to vector<1x1x16xf32>
        tpu.vector_store %arg8[%swap3A_738, %swap3A_739, %swap3A_740], %swap3A_743 {add = true, strides = array<i32>} : memref<8x200x64xf32, #tpu.memory_space<vmem>>, vector<1x1x16xf32>,
        %get3A_744 = arith.index_cast %scan3A_723 : i32 to index
        %get3A_745 = arith.constant 32 : index
        %get3A_746 = tpu.vector_load %arg7[%get3A_744, %get3A_745] {strides = array<i32>} : memref<200x64xf32, #tpu.memory_space<vmem>>, vector<1x16xf32>,
        %get3A_747 = vector.shape_cast %get3A_746 : vector<1x16xf32> to vector<16xf32>
        %swap3A_748 = arith.constant 4 : i32
        %swap3A_749 = arith.index_cast %swap3A_748 : i32 to index
        %swap3A_750 = arith.index_cast %scan3A_723 : i32 to index
        %swap3A_751 = arith.constant 32 : index
        %swap3A_752 = tpu.vector_load %arg8[%swap3A_749, %swap3A_750, %swap3A_751] {strides = array<i32>} : memref<8x200x64xf32, #tpu.memory_space<vmem>>, vector<1x1x16xf32>,
        %swap3A_753 = vector.shape_cast %swap3A_752 : vector<1x1x16xf32> to vector<16xf32>
        %swap3A_754 = vector.shape_cast %get3A_747 : vector<16xf32> to vector<1x1x16xf32>
        tpu.vector_store %arg8[%swap3A_749, %swap3A_750, %swap3A_751], %swap3A_754 {add = true, strides = array<i32>} : memref<8x200x64xf32, #tpu.memory_space<vmem>>, vector<1x1x16xf32>,
        %get3A_755 = arith.index_cast %scan3A_723 : i32 to index
        %get3A_756 = arith.constant 48 : index
        %get3A_757 = tpu.vector_load %arg7[%get3A_755, %get3A_756] {strides = array<i32>} : memref<200x64xf32, #tpu.memory_space<vmem>>, vector<1x16xf32>,
        %get3A_758 = vector.shape_cast %get3A_757 : vector<1x16xf32> to vector<16xf32>
        %swap3A_759 = arith.constant 4 : i32
        %swap3A_760 = arith.index_cast %swap3A_759 : i32 to index
        %swap3A_761 = arith.index_cast %scan3A_723 : i32 to index
        %swap3A_762 = arith.constant 48 : index
        %swap3A_763 = tpu.vector_load %arg8[%swap3A_760, %swap3A_761, %swap3A_762] {strides = array<i32>} : memref<8x200x64xf32, #tpu.memory_space<vmem>>, vector<1x1x16xf32>,
        %swap3A_764 = vector.shape_cast %swap3A_763 : vector<1x1x16xf32> to vector<16xf32>
        %swap3A_765 = vector.shape_cast %get3A_758 : vector<16xf32> to vector<1x1x16xf32>
        tpu.vector_store %arg8[%swap3A_760, %swap3A_761, %swap3A_762], %swap3A_765 {add = true, strides = array<i32>} : memref<8x200x64xf32, #tpu.memory_space<vmem>>, vector<1x1x16xf32>,
        %scan3A_766 = arith.constant 1 : i32
        %scan3A_767 = arith.addi %scan3A_723, %scan3A_766 : i32
        %get3A_768 = arith.index_cast %scan3A_767 : i32 to index
        %get3A_769 = arith.constant 0 : index
        %get3A_770 = tpu.vector_load %arg7[%get3A_768, %get3A_769] {strides = array<i32>} : memref<200x64xf32, #tpu.memory_space<vmem>>, vector<1x16xf32>,
        %get3A_771 = vector.shape_cast %get3A_770 : vector<1x16xf32> to vector<16xf32>
        %swap3A_772 = arith.constant 4 : i32
        %swap3A_773 = arith.index_cast %swap3A_772 : i32 to index
        %swap3A_774 = arith.index_cast %scan3A_767 : i32 to index
        %swap3A_775 = arith.constant 0 : index
        %swap3A_776 = tpu.vector_load %arg8[%swap3A_773, %swap3A_774, %swap3A_775] {strides = array<i32>} : memref<8x200x64xf32, #tpu.memory_space<vmem>>, vector<1x1x16xf32>,
        %swap3A_777 = vector.shape_cast %swap3A_776 : vector<1x1x16xf32> to vector<16xf32>
        %swap3A_778 = vector.shape_cast %get3A_771 : vector<16xf32> to vector<1x1x16xf32>
        tpu.vector_store %arg8[%swap3A_773, %swap3A_774, %swap3A_775], %swap3A_778 {add = true, strides = array<i32>} : memref<8x200x64xf32, #tpu.memory_space<vmem>>, vector<1x1x16xf32>,
        %get3A_779 = arith.index_cast %scan3A_767 : i32 to index
        %get3A_780 = arith.constant 16 : index
        %get3A_781 = tpu.vector_load %arg7[%get3A_779, %get3A_780] {strides = array<i32>} : memref<200x64xf32, #tpu.memory_space<vmem>>, vector<1x16xf32>,
        %get3A_782 = vector.shape_cast %get3A_781 : vector<1x16xf32> to vector<16xf32>
        %swap3A_783 = arith.constant 4 : i32
        %swap3A_784 = arith.index_cast %swap3A_783 : i32 to index
        %swap3A_785 = arith.index_cast %scan3A_767 : i32 to index
        %swap3A_786 = arith.constant 16 : index
        %swap3A_787 = tpu.vector_load %arg8[%swap3A_784, %swap3A_785, %swap3A_786] {strides = array<i32>} : memref<8x200x64xf32, #tpu.memory_space<vmem>>, vector<1x1x16xf32>,
        %swap3A_788 = vector.shape_cast %swap3A_787 : vector<1x1x16xf32> to vector<16xf32>
        %swap3A_789 = vector.shape_cast %get3A_782 : vector<16xf32> to vector<1x1x16xf32>
        tpu.vector_store %arg8[%swap3A_784, %swap3A_785, %swap3A_786], %swap3A_789 {add = true, strides = array<i32>} : memref<8x200x64xf32, #tpu.memory_space<vmem>>, vector<1x1x16xf32>,
        %get3A_790 = arith.index_cast %scan3A_767 : i32 to index
        %get3A_791 = arith.constant 32 : index
        %get3A_792 = tpu.vector_load %arg7[%get3A_790, %get3A_791] {strides = array<i32>} : memref<200x64xf32, #tpu.memory_space<vmem>>, vector<1x16xf32>,
        %get3A_793 = vector.shape_cast %get3A_792 : vector<1x16xf32> to vector<16xf32>
        %swap3A_794 = arith.constant 4 : i32
        %swap3A_795 = arith.index_cast %swap3A_794 : i32 to index
        %swap3A_796 = arith.index_cast %scan3A_767 : i32 to index
        %swap3A_797 = arith.constant 32 : index
        %swap3A_798 = tpu.vector_load %arg8[%swap3A_795, %swap3A_796, %swap3A_797] {strides = array<i32>} : memref<8x200x64xf32, #tpu.memory_space<vmem>>, vector<1x1x16xf32>,
        %swap3A_799 = vector.shape_cast %swap3A_798 : vector<1x1x16xf32> to vector<16xf32>
        %swap3A_800 = vector.shape_cast %get3A_793 : vector<16xf32> to vector<1x1x16xf32>
        tpu.vector_store %arg8[%swap3A_795, %swap3A_796, %swap3A_797], %swap3A_800 {add = true, strides = array<i32>} : memref<8x200x64xf32, #tpu.memory_space<vmem>>, vector<1x1x16xf32>,
        %get3A_801 = arith.index_cast %scan3A_767 : i32 to index
        %get3A_802 = arith.constant 48 : index
        %get3A_803 = tpu.vector_load %arg7[%get3A_801, %get3A_802] {strides = array<i32>} : memref<200x64xf32, #tpu.memory_space<vmem>>, vector<1x16xf32>,
        %get3A_804 = vector.shape_cast %get3A_803 : vector<1x16xf32> to vector<16xf32>
        %swap3A_805 = arith.constant 4 : i32
        %swap3A_806 = arith.index_cast %swap3A_805 : i32 to index
        %swap3A_807 = arith.index_cast %scan3A_767 : i32 to index
        %swap3A_808 = arith.constant 48 : index
        %swap3A_809 = tpu.vector_load %arg8[%swap3A_806, %swap3A_807, %swap3A_808] {strides = array<i32>} : memref<8x200x64xf32, #tpu.memory_space<vmem>>, vector<1x1x16xf32>,
        %swap3A_810 = vector.shape_cast %swap3A_809 : vector<1x1x16xf32> to vector<16xf32>
        %swap3A_811 = vector.shape_cast %get3A_804 : vector<16xf32> to vector<1x1x16xf32>
        tpu.vector_store %arg8[%swap3A_806, %swap3A_807, %swap3A_808], %swap3A_811 {add = true, strides = array<i32>} : memref<8x200x64xf32, #tpu.memory_space<vmem>>, vector<1x1x16xf32>,
      }
      %scan3A_464 = arith.constant 200 : i32
      %mul3A_465 = arith.constant 200 : i32
      %mul3A_466 = arith.muli %add3A_436, %mul3A_465 : i32
      %add3A_467 = arith.addi %mul3A_2, %mul3A_466 : i32
      %dma_start3A_468 = arith.constant 4 : i32
      %dma_start3A_469 = arith.constant 0 : i32
      %dma_start3A_470 = arith.constant 0 : i32
      %dma_start3A_471 = tpu.memref_slice %arg8[%dma_start3A_468, %dma_start3A_469, %dma_start3A_470] : memref<8x200x64xf32, #tpu.memory_space<vmem>> -> memref<1x200x64xf32, #tpu.memory_space<vmem>>
      %dma_start3A_472 = tpu.memref_squeeze %dma_start3A_471 : memref<1x200x64xf32, #tpu.memory_space<vmem>> -> memref<200x64xf32, #tpu.memory_space<vmem>>
      %dma_start3A_473 = arith.constant 0 : i32
      %dma_start3A_474 = tpu.memref_slice %arg5[%add3A_467, %dma_start3A_473] : memref<204800x64xf32, #tpu.memory_space<hbm>> -> memref<200x64xf32, #tpu.memory_space<hbm>>
      %dma_start3A_475 = arith.constant 0 : i32
      %dma_start3A_476 = tpu.memref_slice %arg5[%add3A_467, %dma_start3A_475] : memref<204800x64xf32, #tpu.memory_space<hbm>> -> memref<200x64xf32, #tpu.memory_space<hbm>>
      %dma_start3A_477 = arith.constant 0 : i32
      %dma_start3A_478 = arith.constant 0 : i32
      %dma_start3A_479 = tpu.memref_slice %arg8[%dma_start3A_468, %dma_start3A_477, %dma_start3A_478] : memref<8x200x64xf32, #tpu.memory_space<vmem>> -> memref<1x200x64xf32, #tpu.memory_space<vmem>>
      %dma_start3A_480 = tpu.memref_squeeze %dma_start3A_479 : memref<1x200x64xf32, #tpu.memory_space<vmem>> -> memref<200x64xf32, #tpu.memory_space<vmem>>
      tpu.enqueue_dma source(%dma_start3A_480 : memref<200x64xf32, #tpu.memory_space<vmem>>) target(%dma_start3A_476 : memref<200x64xf32, #tpu.memory_space<hbm>>) target_semaphore(%arg17 : memref<!tpu.dma_semaphore, #tpu.memory_space<semaphore_mem>>)
      %add3A_481 = arith.constant 5 : i32
      %add3A_482 = arith.addi %mul3A_12, %add3A_481 : i32
      %dma_wait3A_483 = arith.constant 5 : i32
      %dma_wait3A_484 = arith.constant 0 : i32
      %dma_wait3A_485 = arith.constant 0 : i32
      %dma_wait3A_486 = tpu.memref_slice %arg8[%dma_wait3A_483, %dma_wait3A_484, %dma_wait3A_485] : memref<8x200x64xf32, #tpu.memory_space<vmem>> -> memref<1x100x64xf32, #tpu.memory_space<vmem>>
      %dma_wait3A_487 = tpu.memref_squeeze %dma_wait3A_486 : memref<1x100x64xf32, #tpu.memory_space<vmem>> -> memref<100x64xf32, #tpu.memory_space<vmem>>
      %dma_wait3A_488 = arith.constant 0 : i32
      %dma_wait3A_489 = tpu.memref_slice %arg6[%mul3A_165, %dma_wait3A_488] : memref<64x100xi32, #tpu.memory_space<vmem>> -> memref<1x100xi32, #tpu.memory_space<vmem>>
      %dma_wait3A_490 = tpu.memref_squeeze %dma_wait3A_489 : memref<1x100xi32, #tpu.memory_space<vmem>> -> memref<100xi32, #tpu.memory_space<vmem>>
      %dma_wait3A_491 = arith.constant 0 : i32
      %dma_wait3A_492 = arith.constant 0 : i32
      %dma_wait3A_493 = tpu.memref_slice %arg3[%dma_wait3A_491, %dma_wait3A_492] : memref<1000000x64xf32, #tpu.memory_space<hbm>> -> memref<1000000x64xf32, #tpu.memory_space<hbm>>
      tpu.wait_indirect_dma semaphore(%arg14 : memref<!tpu.dma_semaphore, #tpu.memory_space<semaphore_mem>>) src(%dma_wait3A_493 : memref<1000000x64xf32, #tpu.memory_space<hbm>>) dst(%dma_wait3A_487 : memref<100x64xf32, #tpu.memory_space<vmem>>)
      %dma_wait3A_494 = arith.constant 5 : i32
      %dma_wait3A_495 = arith.constant 100 : i32
      %dma_wait3A_496 = arith.constant 0 : i32
      %dma_wait3A_497 = tpu.memref_slice %arg8[%dma_wait3A_494, %dma_wait3A_495, %dma_wait3A_496] : memref<8x200x64xf32, #tpu.memory_space<vmem>> -> memref<1x100x64xf32, #tpu.memory_space<vmem>>
      %dma_wait3A_498 = tpu.memref_squeeze %dma_wait3A_497 : memref<1x100x64xf32, #tpu.memory_space<vmem>> -> memref<100x64xf32, #tpu.memory_space<vmem>>
      %dma_wait3A_499 = arith.constant 0 : i32
      %dma_wait3A_500 = tpu.memref_slice %arg6[%add3A_180, %dma_wait3A_499] : memref<64x100xi32, #tpu.memory_space<vmem>> -> memref<1x100xi32, #tpu.memory_space<vmem>>
      %dma_wait3A_501 = tpu.memref_squeeze %dma_wait3A_500 : memref<1x100xi32, #tpu.memory_space<vmem>> -> memref<100xi32, #tpu.memory_space<vmem>>
      %dma_wait3A_502 = arith.constant 0 : i32
      %dma_wait3A_503 = arith.constant 0 : i32
      %dma_wait3A_504 = tpu.memref_slice %arg3[%dma_wait3A_502, %dma_wait3A_503] : memref<1000000x64xf32, #tpu.memory_space<hbm>> -> memref<1000000x64xf32, #tpu.memory_space<hbm>>
      tpu.wait_indirect_dma semaphore(%arg14 : memref<!tpu.dma_semaphore, #tpu.memory_space<semaphore_mem>>) src(%dma_wait3A_504 : memref<1000000x64xf32, #tpu.memory_space<hbm>>) dst(%dma_wait3A_498 : memref<100x64xf32, #tpu.memory_space<vmem>>)
      %scan3A_505 = arith.constant 0 : i32
      %scan3A_506 = arith.constant 0 : i32
      %scan3A_507 = arith.constant 200 : i32
      %scan3A_508 = arith.addi %scan3A_506, %scan3A_507 : i32
      %scan3A_509 = arith.constant 2 : i32
      scf.for %scan3A_723 = %scan3A_506 to %scan3A_508 step %scan3A_509  : i32 {
        %get3A = arith.index_cast %scan3A_723 : i32 to index
        %get3A_724 = arith.constant 0 : index
        %get3A_725 = tpu.vector_load %arg7[%get3A, %get3A_724] {strides = array<i32>} : memref<200x64xf32, #tpu.memory_space<vmem>>, vector<1x16xf32>,
        %get3A_726 = vector.shape_cast %get3A_725 : vector<1x16xf32> to vector<16xf32>
        %swap3A = arith.constant 5 : i32
        %swap3A_727 = arith.index_cast %swap3A : i32 to index
        %swap3A_728 = arith.index_cast %scan3A_723 : i32 to index
        %swap3A_729 = arith.constant 0 : index
        %swap3A_730 = tpu.vector_load %arg8[%swap3A_727, %swap3A_728, %swap3A_729] {strides = array<i32>} : memref<8x200x64xf32, #tpu.memory_space<vmem>>, vector<1x1x16xf32>,
        %swap3A_731 = vector.shape_cast %swap3A_730 : vector<1x1x16xf32> to vector<16xf32>
        %swap3A_732 = vector.shape_cast %get3A_726 : vector<16xf32> to vector<1x1x16xf32>
        tpu.vector_store %arg8[%swap3A_727, %swap3A_728, %swap3A_729], %swap3A_732 {add = true, strides = array<i32>} : memref<8x200x64xf32, #tpu.memory_space<vmem>>, vector<1x1x16xf32>,
        %get3A_733 = arith.index_cast %scan3A_723 : i32 to index
        %get3A_734 = arith.constant 16 : index
        %get3A_735 = tpu.vector_load %arg7[%get3A_733, %get3A_734] {strides = array<i32>} : memref<200x64xf32, #tpu.memory_space<vmem>>, vector<1x16xf32>,
        %get3A_736 = vector.shape_cast %get3A_735 : vector<1x16xf32> to vector<16xf32>
        %swap3A_737 = arith.constant 5 : i32
        %swap3A_738 = arith.index_cast %swap3A_737 : i32 to index
        %swap3A_739 = arith.index_cast %scan3A_723 : i32 to index
        %swap3A_740 = arith.constant 16 : index
        %swap3A_741 = tpu.vector_load %arg8[%swap3A_738, %swap3A_739, %swap3A_740] {strides = array<i32>} : memref<8x200x64xf32, #tpu.memory_space<vmem>>, vector<1x1x16xf32>,
        %swap3A_742 = vector.shape_cast %swap3A_741 : vector<1x1x16xf32> to vector<16xf32>
        %swap3A_743 = vector.shape_cast %get3A_736 : vector<16xf32> to vector<1x1x16xf32>
        tpu.vector_store %arg8[%swap3A_738, %swap3A_739, %swap3A_740], %swap3A_743 {add = true, strides = array<i32>} : memref<8x200x64xf32, #tpu.memory_space<vmem>>, vector<1x1x16xf32>,
        %get3A_744 = arith.index_cast %scan3A_723 : i32 to index
        %get3A_745 = arith.constant 32 : index
        %get3A_746 = tpu.vector_load %arg7[%get3A_744, %get3A_745] {strides = array<i32>} : memref<200x64xf32, #tpu.memory_space<vmem>>, vector<1x16xf32>,
        %get3A_747 = vector.shape_cast %get3A_746 : vector<1x16xf32> to vector<16xf32>
        %swap3A_748 = arith.constant 5 : i32
        %swap3A_749 = arith.index_cast %swap3A_748 : i32 to index
        %swap3A_750 = arith.index_cast %scan3A_723 : i32 to index
        %swap3A_751 = arith.constant 32 : index
        %swap3A_752 = tpu.vector_load %arg8[%swap3A_749, %swap3A_750, %swap3A_751] {strides = array<i32>} : memref<8x200x64xf32, #tpu.memory_space<vmem>>, vector<1x1x16xf32>,
        %swap3A_753 = vector.shape_cast %swap3A_752 : vector<1x1x16xf32> to vector<16xf32>
        %swap3A_754 = vector.shape_cast %get3A_747 : vector<16xf32> to vector<1x1x16xf32>
        tpu.vector_store %arg8[%swap3A_749, %swap3A_750, %swap3A_751], %swap3A_754 {add = true, strides = array<i32>} : memref<8x200x64xf32, #tpu.memory_space<vmem>>, vector<1x1x16xf32>,
        %get3A_755 = arith.index_cast %scan3A_723 : i32 to index
        %get3A_756 = arith.constant 48 : index
        %get3A_757 = tpu.vector_load %arg7[%get3A_755, %get3A_756] {strides = array<i32>} : memref<200x64xf32, #tpu.memory_space<vmem>>, vector<1x16xf32>,
        %get3A_758 = vector.shape_cast %get3A_757 : vector<1x16xf32> to vector<16xf32>
        %swap3A_759 = arith.constant 5 : i32
        %swap3A_760 = arith.index_cast %swap3A_759 : i32 to index
        %swap3A_761 = arith.index_cast %scan3A_723 : i32 to index
        %swap3A_762 = arith.constant 48 : index
        %swap3A_763 = tpu.vector_load %arg8[%swap3A_760, %swap3A_761, %swap3A_762] {strides = array<i32>} : memref<8x200x64xf32, #tpu.memory_space<vmem>>, vector<1x1x16xf32>,
        %swap3A_764 = vector.shape_cast %swap3A_763 : vector<1x1x16xf32> to vector<16xf32>
        %swap3A_765 = vector.shape_cast %get3A_758 : vector<16xf32> to vector<1x1x16xf32>
        tpu.vector_store %arg8[%swap3A_760, %swap3A_761, %swap3A_762], %swap3A_765 {add = true, strides = array<i32>} : memref<8x200x64xf32, #tpu.memory_space<vmem>>, vector<1x1x16xf32>,
        %scan3A_766 = arith.constant 1 : i32
        %scan3A_767 = arith.addi %scan3A_723, %scan3A_766 : i32
        %get3A_768 = arith.index_cast %scan3A_767 : i32 to index
        %get3A_769 = arith.constant 0 : index
        %get3A_770 = tpu.vector_load %arg7[%get3A_768, %get3A_769] {strides = array<i32>} : memref<200x64xf32, #tpu.memory_space<vmem>>, vector<1x16xf32>,
        %get3A_771 = vector.shape_cast %get3A_770 : vector<1x16xf32> to vector<16xf32>
        %swap3A_772 = arith.constant 5 : i32
        %swap3A_773 = arith.index_cast %swap3A_772 : i32 to index
        %swap3A_774 = arith.index_cast %scan3A_767 : i32 to index
        %swap3A_775 = arith.constant 0 : index
        %swap3A_776 = tpu.vector_load %arg8[%swap3A_773, %swap3A_774, %swap3A_775] {strides = array<i32>} : memref<8x200x64xf32, #tpu.memory_space<vmem>>, vector<1x1x16xf32>,
        %swap3A_777 = vector.shape_cast %swap3A_776 : vector<1x1x16xf32> to vector<16xf32>
        %swap3A_778 = vector.shape_cast %get3A_771 : vector<16xf32> to vector<1x1x16xf32>
        tpu.vector_store %arg8[%swap3A_773, %swap3A_774, %swap3A_775], %swap3A_778 {add = true, strides = array<i32>} : memref<8x200x64xf32, #tpu.memory_space<vmem>>, vector<1x1x16xf32>,
        %get3A_779 = arith.index_cast %scan3A_767 : i32 to index
        %get3A_780 = arith.constant 16 : index
        %get3A_781 = tpu.vector_load %arg7[%get3A_779, %get3A_780] {strides = array<i32>} : memref<200x64xf32, #tpu.memory_space<vmem>>, vector<1x16xf32>,
        %get3A_782 = vector.shape_cast %get3A_781 : vector<1x16xf32> to vector<16xf32>
        %swap3A_783 = arith.constant 5 : i32
        %swap3A_784 = arith.index_cast %swap3A_783 : i32 to index
        %swap3A_785 = arith.index_cast %scan3A_767 : i32 to index
        %swap3A_786 = arith.constant 16 : index
        %swap3A_787 = tpu.vector_load %arg8[%swap3A_784, %swap3A_785, %swap3A_786] {strides = array<i32>} : memref<8x200x64xf32, #tpu.memory_space<vmem>>, vector<1x1x16xf32>,
        %swap3A_788 = vector.shape_cast %swap3A_787 : vector<1x1x16xf32> to vector<16xf32>
        %swap3A_789 = vector.shape_cast %get3A_782 : vector<16xf32> to vector<1x1x16xf32>
        tpu.vector_store %arg8[%swap3A_784, %swap3A_785, %swap3A_786], %swap3A_789 {add = true, strides = array<i32>} : memref<8x200x64xf32, #tpu.memory_space<vmem>>, vector<1x1x16xf32>,
        %get3A_790 = arith.index_cast %scan3A_767 : i32 to index
        %get3A_791 = arith.constant 32 : index
        %get3A_792 = tpu.vector_load %arg7[%get3A_790, %get3A_791] {strides = array<i32>} : memref<200x64xf32, #tpu.memory_space<vmem>>, vector<1x16xf32>,
        %get3A_793 = vector.shape_cast %get3A_792 : vector<1x16xf32> to vector<16xf32>
        %swap3A_794 = arith.constant 5 : i32
        %swap3A_795 = arith.index_cast %swap3A_794 : i32 to index
        %swap3A_796 = arith.index_cast %scan3A_767 : i32 to index
        %swap3A_797 = arith.constant 32 : index
        %swap3A_798 = tpu.vector_load %arg8[%swap3A_795, %swap3A_796, %swap3A_797] {strides = array<i32>} : memref<8x200x64xf32, #tpu.memory_space<vmem>>, vector<1x1x16xf32>,
        %swap3A_799 = vector.shape_cast %swap3A_798 : vector<1x1x16xf32> to vector<16xf32>
        %swap3A_800 = vector.shape_cast %get3A_793 : vector<16xf32> to vector<1x1x16xf32>
        tpu.vector_store %arg8[%swap3A_795, %swap3A_796, %swap3A_797], %swap3A_800 {add = true, strides = array<i32>} : memref<8x200x64xf32, #tpu.memory_space<vmem>>, vector<1x1x16xf32>,
        %get3A_801 = arith.index_cast %scan3A_767 : i32 to index
        %get3A_802 = arith.constant 48 : index
        %get3A_803 = tpu.vector_load %arg7[%get3A_801, %get3A_802] {strides = array<i32>} : memref<200x64xf32, #tpu.memory_space<vmem>>, vector<1x16xf32>,
        %get3A_804 = vector.shape_cast %get3A_803 : vector<1x16xf32> to vector<16xf32>
        %swap3A_805 = arith.constant 5 : i32
        %swap3A_806 = arith.index_cast %swap3A_805 : i32 to index
        %swap3A_807 = arith.index_cast %scan3A_767 : i32 to index
        %swap3A_808 = arith.constant 48 : index
        %swap3A_809 = tpu.vector_load %arg8[%swap3A_806, %swap3A_807, %swap3A_808] {strides = array<i32>} : memref<8x200x64xf32, #tpu.memory_space<vmem>>, vector<1x1x16xf32>,
        %swap3A_810 = vector.shape_cast %swap3A_809 : vector<1x1x16xf32> to vector<16xf32>
        %swap3A_811 = vector.shape_cast %get3A_804 : vector<16xf32> to vector<1x1x16xf32>
        tpu.vector_store %arg8[%swap3A_806, %swap3A_807, %swap3A_808], %swap3A_811 {add = true, strides = array<i32>} : memref<8x200x64xf32, #tpu.memory_space<vmem>>, vector<1x1x16xf32>,
      }
      %scan3A_510 = arith.constant 200 : i32
      %mul3A_511 = arith.constant 200 : i32
      %mul3A_512 = arith.muli %add3A_482, %mul3A_511 : i32
      %add3A_513 = arith.addi %mul3A_2, %mul3A_512 : i32
      %dma_start3A_514 = arith.constant 5 : i32
      %dma_start3A_515 = arith.constant 0 : i32
      %dma_start3A_516 = arith.constant 0 : i32
      %dma_start3A_517 = tpu.memref_slice %arg8[%dma_start3A_514, %dma_start3A_515, %dma_start3A_516] : memref<8x200x64xf32, #tpu.memory_space<vmem>> -> memref<1x200x64xf32, #tpu.memory_space<vmem>>
      %dma_start3A_518 = tpu.memref_squeeze %dma_start3A_517 : memref<1x200x64xf32, #tpu.memory_space<vmem>> -> memref<200x64xf32, #tpu.memory_space<vmem>>
      %dma_start3A_519 = arith.constant 0 : i32
      %dma_start3A_520 = tpu.memref_slice %arg5[%add3A_513, %dma_start3A_519] : memref<204800x64xf32, #tpu.memory_space<hbm>> -> memref<200x64xf32, #tpu.memory_space<hbm>>
      %dma_start3A_521 = arith.constant 0 : i32
      %dma_start3A_522 = tpu.memref_slice %arg5[%add3A_513, %dma_start3A_521] : memref<204800x64xf32, #tpu.memory_space<hbm>> -> memref<200x64xf32, #tpu.memory_space<hbm>>
      %dma_start3A_523 = arith.constant 0 : i32
      %dma_start3A_524 = arith.constant 0 : i32
      %dma_start3A_525 = tpu.memref_slice %arg8[%dma_start3A_514, %dma_start3A_523, %dma_start3A_524] : memref<8x200x64xf32, #tpu.memory_space<vmem>> -> memref<1x200x64xf32, #tpu.memory_space<vmem>>
      %dma_start3A_526 = tpu.memref_squeeze %dma_start3A_525 : memref<1x200x64xf32, #tpu.memory_space<vmem>> -> memref<200x64xf32, #tpu.memory_space<vmem>>
      tpu.enqueue_dma source(%dma_start3A_526 : memref<200x64xf32, #tpu.memory_space<vmem>>) target(%dma_start3A_522 : memref<200x64xf32, #tpu.memory_space<hbm>>) target_semaphore(%arg17 : memref<!tpu.dma_semaphore, #tpu.memory_space<semaphore_mem>>)
      %add3A_527 = arith.constant 6 : i32
      %add3A_528 = arith.addi %mul3A_12, %add3A_527 : i32
      %dma_wait3A_529 = arith.constant 6 : i32
      %dma_wait3A_530 = arith.constant 0 : i32
      %dma_wait3A_531 = arith.constant 0 : i32
      %dma_wait3A_532 = tpu.memref_slice %arg8[%dma_wait3A_529, %dma_wait3A_530, %dma_wait3A_531] : memref<8x200x64xf32, #tpu.memory_space<vmem>> -> memref<1x100x64xf32, #tpu.memory_space<vmem>>
      %dma_wait3A_533 = tpu.memref_squeeze %dma_wait3A_532 : memref<1x100x64xf32, #tpu.memory_space<vmem>> -> memref<100x64xf32, #tpu.memory_space<vmem>>
      %dma_wait3A_534 = arith.constant 0 : i32
      %dma_wait3A_535 = tpu.memref_slice %arg6[%mul3A_195, %dma_wait3A_534] : memref<64x100xi32, #tpu.memory_space<vmem>> -> memref<1x100xi32, #tpu.memory_space<vmem>>
      %dma_wait3A_536 = tpu.memref_squeeze %dma_wait3A_535 : memref<1x100xi32, #tpu.memory_space<vmem>> -> memref<100xi32, #tpu.memory_space<vmem>>
      %dma_wait3A_537 = arith.constant 0 : i32
      %dma_wait3A_538 = arith.constant 0 : i32
      %dma_wait3A_539 = tpu.memref_slice %arg3[%dma_wait3A_537, %dma_wait3A_538] : memref<1000000x64xf32, #tpu.memory_space<hbm>> -> memref<1000000x64xf32, #tpu.memory_space<hbm>>
      tpu.wait_indirect_dma semaphore(%arg15 : memref<!tpu.dma_semaphore, #tpu.memory_space<semaphore_mem>>) src(%dma_wait3A_539 : memref<1000000x64xf32, #tpu.memory_space<hbm>>) dst(%dma_wait3A_533 : memref<100x64xf32, #tpu.memory_space<vmem>>)
      %dma_wait3A_540 = arith.constant 6 : i32
      %dma_wait3A_541 = arith.constant 100 : i32
      %dma_wait3A_542 = arith.constant 0 : i32
      %dma_wait3A_543 = tpu.memref_slice %arg8[%dma_wait3A_540, %dma_wait3A_541, %dma_wait3A_542] : memref<8x200x64xf32, #tpu.memory_space<vmem>> -> memref<1x100x64xf32, #tpu.memory_space<vmem>>
      %dma_wait3A_544 = tpu.memref_squeeze %dma_wait3A_543 : memref<1x100x64xf32, #tpu.memory_space<vmem>> -> memref<100x64xf32, #tpu.memory_space<vmem>>
      %dma_wait3A_545 = arith.constant 0 : i32
      %dma_wait3A_546 = tpu.memref_slice %arg6[%add3A_210, %dma_wait3A_545] : memref<64x100xi32, #tpu.memory_space<vmem>> -> memref<1x100xi32, #tpu.memory_space<vmem>>
      %dma_wait3A_547 = tpu.memref_squeeze %dma_wait3A_546 : memref<1x100xi32, #tpu.memory_space<vmem>> -> memref<100xi32, #tpu.memory_space<vmem>>
      %dma_wait3A_548 = arith.constant 0 : i32
      %dma_wait3A_549 = arith.constant 0 : i32
      %dma_wait3A_550 = tpu.memref_slice %arg3[%dma_wait3A_548, %dma_wait3A_549] : memref<1000000x64xf32, #tpu.memory_space<hbm>> -> memref<1000000x64xf32, #tpu.memory_space<hbm>>
      tpu.wait_indirect_dma semaphore(%arg15 : memref<!tpu.dma_semaphore, #tpu.memory_space<semaphore_mem>>) src(%dma_wait3A_550 : memref<1000000x64xf32, #tpu.memory_space<hbm>>) dst(%dma_wait3A_544 : memref<100x64xf32, #tpu.memory_space<vmem>>)
      %scan3A_551 = arith.constant 0 : i32
      %scan3A_552 = arith.constant 0 : i32
      %scan3A_553 = arith.constant 200 : i32
      %scan3A_554 = arith.addi %scan3A_552, %scan3A_553 : i32
      %scan3A_555 = arith.constant 2 : i32
      scf.for %scan3A_723 = %scan3A_552 to %scan3A_554 step %scan3A_555  : i32 {
        %get3A = arith.index_cast %scan3A_723 : i32 to index
        %get3A_724 = arith.constant 0 : index
        %get3A_725 = tpu.vector_load %arg7[%get3A, %get3A_724] {strides = array<i32>} : memref<200x64xf32, #tpu.memory_space<vmem>>, vector<1x16xf32>,
        %get3A_726 = vector.shape_cast %get3A_725 : vector<1x16xf32> to vector<16xf32>
        %swap3A = arith.constant 6 : i32
        %swap3A_727 = arith.index_cast %swap3A : i32 to index
        %swap3A_728 = arith.index_cast %scan3A_723 : i32 to index
        %swap3A_729 = arith.constant 0 : index
        %swap3A_730 = tpu.vector_load %arg8[%swap3A_727, %swap3A_728, %swap3A_729] {strides = array<i32>} : memref<8x200x64xf32, #tpu.memory_space<vmem>>, vector<1x1x16xf32>,
        %swap3A_731 = vector.shape_cast %swap3A_730 : vector<1x1x16xf32> to vector<16xf32>
        %swap3A_732 = vector.shape_cast %get3A_726 : vector<16xf32> to vector<1x1x16xf32>
        tpu.vector_store %arg8[%swap3A_727, %swap3A_728, %swap3A_729], %swap3A_732 {add = true, strides = array<i32>} : memref<8x200x64xf32, #tpu.memory_space<vmem>>, vector<1x1x16xf32>,
        %get3A_733 = arith.index_cast %scan3A_723 : i32 to index
        %get3A_734 = arith.constant 16 : index
        %get3A_735 = tpu.vector_load %arg7[%get3A_733, %get3A_734] {strides = array<i32>} : memref<200x64xf32, #tpu.memory_space<vmem>>, vector<1x16xf32>,
        %get3A_736 = vector.shape_cast %get3A_735 : vector<1x16xf32> to vector<16xf32>
        %swap3A_737 = arith.constant 6 : i32
        %swap3A_738 = arith.index_cast %swap3A_737 : i32 to index
        %swap3A_739 = arith.index_cast %scan3A_723 : i32 to index
        %swap3A_740 = arith.constant 16 : index
        %swap3A_741 = tpu.vector_load %arg8[%swap3A_738, %swap3A_739, %swap3A_740] {strides = array<i32>} : memref<8x200x64xf32, #tpu.memory_space<vmem>>, vector<1x1x16xf32>,
        %swap3A_742 = vector.shape_cast %swap3A_741 : vector<1x1x16xf32> to vector<16xf32>
        %swap3A_743 = vector.shape_cast %get3A_736 : vector<16xf32> to vector<1x1x16xf32>
        tpu.vector_store %arg8[%swap3A_738, %swap3A_739, %swap3A_740], %swap3A_743 {add = true, strides = array<i32>} : memref<8x200x64xf32, #tpu.memory_space<vmem>>, vector<1x1x16xf32>,
        %get3A_744 = arith.index_cast %scan3A_723 : i32 to index
        %get3A_745 = arith.constant 32 : index
        %get3A_746 = tpu.vector_load %arg7[%get3A_744, %get3A_745] {strides = array<i32>} : memref<200x64xf32, #tpu.memory_space<vmem>>, vector<1x16xf32>,
        %get3A_747 = vector.shape_cast %get3A_746 : vector<1x16xf32> to vector<16xf32>
        %swap3A_748 = arith.constant 6 : i32
        %swap3A_749 = arith.index_cast %swap3A_748 : i32 to index
        %swap3A_750 = arith.index_cast %scan3A_723 : i32 to index
        %swap3A_751 = arith.constant 32 : index
        %swap3A_752 = tpu.vector_load %arg8[%swap3A_749, %swap3A_750, %swap3A_751] {strides = array<i32>} : memref<8x200x64xf32, #tpu.memory_space<vmem>>, vector<1x1x16xf32>,
        %swap3A_753 = vector.shape_cast %swap3A_752 : vector<1x1x16xf32> to vector<16xf32>
        %swap3A_754 = vector.shape_cast %get3A_747 : vector<16xf32> to vector<1x1x16xf32>
        tpu.vector_store %arg8[%swap3A_749, %swap3A_750, %swap3A_751], %swap3A_754 {add = true, strides = array<i32>} : memref<8x200x64xf32, #tpu.memory_space<vmem>>, vector<1x1x16xf32>,
        %get3A_755 = arith.index_cast %scan3A_723 : i32 to index
        %get3A_756 = arith.constant 48 : index
        %get3A_757 = tpu.vector_load %arg7[%get3A_755, %get3A_756] {strides = array<i32>} : memref<200x64xf32, #tpu.memory_space<vmem>>, vector<1x16xf32>,
        %get3A_758 = vector.shape_cast %get3A_757 : vector<1x16xf32> to vector<16xf32>
        %swap3A_759 = arith.constant 6 : i32
        %swap3A_760 = arith.index_cast %swap3A_759 : i32 to index
        %swap3A_761 = arith.index_cast %scan3A_723 : i32 to index
        %swap3A_762 = arith.constant 48 : index
        %swap3A_763 = tpu.vector_load %arg8[%swap3A_760, %swap3A_761, %swap3A_762] {strides = array<i32>} : memref<8x200x64xf32, #tpu.memory_space<vmem>>, vector<1x1x16xf32>,
        %swap3A_764 = vector.shape_cast %swap3A_763 : vector<1x1x16xf32> to vector<16xf32>
        %swap3A_765 = vector.shape_cast %get3A_758 : vector<16xf32> to vector<1x1x16xf32>
        tpu.vector_store %arg8[%swap3A_760, %swap3A_761, %swap3A_762], %swap3A_765 {add = true, strides = array<i32>} : memref<8x200x64xf32, #tpu.memory_space<vmem>>, vector<1x1x16xf32>,
        %scan3A_766 = arith.constant 1 : i32
        %scan3A_767 = arith.addi %scan3A_723, %scan3A_766 : i32
        %get3A_768 = arith.index_cast %scan3A_767 : i32 to index
        %get3A_769 = arith.constant 0 : index
        %get3A_770 = tpu.vector_load %arg7[%get3A_768, %get3A_769] {strides = array<i32>} : memref<200x64xf32, #tpu.memory_space<vmem>>, vector<1x16xf32>,
        %get3A_771 = vector.shape_cast %get3A_770 : vector<1x16xf32> to vector<16xf32>
        %swap3A_772 = arith.constant 6 : i32
        %swap3A_773 = arith.index_cast %swap3A_772 : i32 to index
        %swap3A_774 = arith.index_cast %scan3A_767 : i32 to index
        %swap3A_775 = arith.constant 0 : index
        %swap3A_776 = tpu.vector_load %arg8[%swap3A_773, %swap3A_774, %swap3A_775] {strides = array<i32>} : memref<8x200x64xf32, #tpu.memory_space<vmem>>, vector<1x1x16xf32>,
        %swap3A_777 = vector.shape_cast %swap3A_776 : vector<1x1x16xf32> to vector<16xf32>
        %swap3A_778 = vector.shape_cast %get3A_771 : vector<16xf32> to vector<1x1x16xf32>
        tpu.vector_store %arg8[%swap3A_773, %swap3A_774, %swap3A_775], %swap3A_778 {add = true, strides = array<i32>} : memref<8x200x64xf32, #tpu.memory_space<vmem>>, vector<1x1x16xf32>,
        %get3A_779 = arith.index_cast %scan3A_767 : i32 to index
        %get3A_780 = arith.constant 16 : index
        %get3A_781 = tpu.vector_load %arg7[%get3A_779, %get3A_780] {strides = array<i32>} : memref<200x64xf32, #tpu.memory_space<vmem>>, vector<1x16xf32>,
        %get3A_782 = vector.shape_cast %get3A_781 : vector<1x16xf32> to vector<16xf32>
        %swap3A_783 = arith.constant 6 : i32
        %swap3A_784 = arith.index_cast %swap3A_783 : i32 to index
        %swap3A_785 = arith.index_cast %scan3A_767 : i32 to index
        %swap3A_786 = arith.constant 16 : index
        %swap3A_787 = tpu.vector_load %arg8[%swap3A_784, %swap3A_785, %swap3A_786] {strides = array<i32>} : memref<8x200x64xf32, #tpu.memory_space<vmem>>, vector<1x1x16xf32>,
        %swap3A_788 = vector.shape_cast %swap3A_787 : vector<1x1x16xf32> to vector<16xf32>
        %swap3A_789 = vector.shape_cast %get3A_782 : vector<16xf32> to vector<1x1x16xf32>
        tpu.vector_store %arg8[%swap3A_784, %swap3A_785, %swap3A_786], %swap3A_789 {add = true, strides = array<i32>} : memref<8x200x64xf32, #tpu.memory_space<vmem>>, vector<1x1x16xf32>,
        %get3A_790 = arith.index_cast %scan3A_767 : i32 to index
        %get3A_791 = arith.constant 32 : index
        %get3A_792 = tpu.vector_load %arg7[%get3A_790, %get3A_791] {strides = array<i32>} : memref<200x64xf32, #tpu.memory_space<vmem>>, vector<1x16xf32>,
        %get3A_793 = vector.shape_cast %get3A_792 : vector<1x16xf32> to vector<16xf32>
        %swap3A_794 = arith.constant 6 : i32
        %swap3A_795 = arith.index_cast %swap3A_794 : i32 to index
        %swap3A_796 = arith.index_cast %scan3A_767 : i32 to index
        %swap3A_797 = arith.constant 32 : index
        %swap3A_798 = tpu.vector_load %arg8[%swap3A_795, %swap3A_796, %swap3A_797] {strides = array<i32>} : memref<8x200x64xf32, #tpu.memory_space<vmem>>, vector<1x1x16xf32>,
        %swap3A_799 = vector.shape_cast %swap3A_798 : vector<1x1x16xf32> to vector<16xf32>
        %swap3A_800 = vector.shape_cast %get3A_793 : vector<16xf32> to vector<1x1x16xf32>
        tpu.vector_store %arg8[%swap3A_795, %swap3A_796, %swap3A_797], %swap3A_800 {add = true, strides = array<i32>} : memref<8x200x64xf32, #tpu.memory_space<vmem>>, vector<1x1x16xf32>,
        %get3A_801 = arith.index_cast %scan3A_767 : i32 to index
        %get3A_802 = arith.constant 48 : index
        %get3A_803 = tpu.vector_load %arg7[%get3A_801, %get3A_802] {strides = array<i32>} : memref<200x64xf32, #tpu.memory_space<vmem>>, vector<1x16xf32>,
        %get3A_804 = vector.shape_cast %get3A_803 : vector<1x16xf32> to vector<16xf32>
        %swap3A_805 = arith.constant 6 : i32
        %swap3A_806 = arith.index_cast %swap3A_805 : i32 to index
        %swap3A_807 = arith.index_cast %scan3A_767 : i32 to index
        %swap3A_808 = arith.constant 48 : index
        %swap3A_809 = tpu.vector_load %arg8[%swap3A_806, %swap3A_807, %swap3A_808] {strides = array<i32>} : memref<8x200x64xf32, #tpu.memory_space<vmem>>, vector<1x1x16xf32>,
        %swap3A_810 = vector.shape_cast %swap3A_809 : vector<1x1x16xf32> to vector<16xf32>
        %swap3A_811 = vector.shape_cast %get3A_804 : vector<16xf32> to vector<1x1x16xf32>
        tpu.vector_store %arg8[%swap3A_806, %swap3A_807, %swap3A_808], %swap3A_811 {add = true, strides = array<i32>} : memref<8x200x64xf32, #tpu.memory_space<vmem>>, vector<1x1x16xf32>,
      }
      %scan3A_556 = arith.constant 200 : i32
      %mul3A_557 = arith.constant 200 : i32
      %mul3A_558 = arith.muli %add3A_528, %mul3A_557 : i32
      %add3A_559 = arith.addi %mul3A_2, %mul3A_558 : i32
      %dma_start3A_560 = arith.constant 6 : i32
      %dma_start3A_561 = arith.constant 0 : i32
      %dma_start3A_562 = arith.constant 0 : i32
      %dma_start3A_563 = tpu.memref_slice %arg8[%dma_start3A_560, %dma_start3A_561, %dma_start3A_562] : memref<8x200x64xf32, #tpu.memory_space<vmem>> -> memref<1x200x64xf32, #tpu.memory_space<vmem>>
      %dma_start3A_564 = tpu.memref_squeeze %dma_start3A_563 : memref<1x200x64xf32, #tpu.memory_space<vmem>> -> memref<200x64xf32, #tpu.memory_space<vmem>>
      %dma_start3A_565 = arith.constant 0 : i32
      %dma_start3A_566 = tpu.memref_slice %arg5[%add3A_559, %dma_start3A_565] : memref<204800x64xf32, #tpu.memory_space<hbm>> -> memref<200x64xf32, #tpu.memory_space<hbm>>
      %dma_start3A_567 = arith.constant 0 : i32
      %dma_start3A_568 = tpu.memref_slice %arg5[%add3A_559, %dma_start3A_567] : memref<204800x64xf32, #tpu.memory_space<hbm>> -> memref<200x64xf32, #tpu.memory_space<hbm>>
      %dma_start3A_569 = arith.constant 0 : i32
      %dma_start3A_570 = arith.constant 0 : i32
      %dma_start3A_571 = tpu.memref_slice %arg8[%dma_start3A_560, %dma_start3A_569, %dma_start3A_570] : memref<8x200x64xf32, #tpu.memory_space<vmem>> -> memref<1x200x64xf32, #tpu.memory_space<vmem>>
      %dma_start3A_572 = tpu.memref_squeeze %dma_start3A_571 : memref<1x200x64xf32, #tpu.memory_space<vmem>> -> memref<200x64xf32, #tpu.memory_space<vmem>>
      tpu.enqueue_dma source(%dma_start3A_572 : memref<200x64xf32, #tpu.memory_space<vmem>>) target(%dma_start3A_568 : memref<200x64xf32, #tpu.memory_space<hbm>>) target_semaphore(%arg17 : memref<!tpu.dma_semaphore, #tpu.memory_space<semaphore_mem>>)
      %add3A_573 = arith.constant 7 : i32
      %add3A_574 = arith.addi %mul3A_12, %add3A_573 : i32
      %dma_wait3A_575 = arith.constant 7 : i32
      %dma_wait3A_576 = arith.constant 0 : i32
      %dma_wait3A_577 = arith.constant 0 : i32
      %dma_wait3A_578 = tpu.memref_slice %arg8[%dma_wait3A_575, %dma_wait3A_576, %dma_wait3A_577] : memref<8x200x64xf32, #tpu.memory_space<vmem>> -> memref<1x100x64xf32, #tpu.memory_space<vmem>>
      %dma_wait3A_579 = tpu.memref_squeeze %dma_wait3A_578 : memref<1x100x64xf32, #tpu.memory_space<vmem>> -> memref<100x64xf32, #tpu.memory_space<vmem>>
      %dma_wait3A_580 = arith.constant 0 : i32
      %dma_wait3A_581 = tpu.memref_slice %arg6[%mul3A_225, %dma_wait3A_580] : memref<64x100xi32, #tpu.memory_space<vmem>> -> memref<1x100xi32, #tpu.memory_space<vmem>>
      %dma_wait3A_582 = tpu.memref_squeeze %dma_wait3A_581 : memref<1x100xi32, #tpu.memory_space<vmem>> -> memref<100xi32, #tpu.memory_space<vmem>>
      %dma_wait3A_583 = arith.constant 0 : i32
      %dma_wait3A_584 = arith.constant 0 : i32
      %dma_wait3A_585 = tpu.memref_slice %arg3[%dma_wait3A_583, %dma_wait3A_584] : memref<1000000x64xf32, #tpu.memory_space<hbm>> -> memref<1000000x64xf32, #tpu.memory_space<hbm>>
      tpu.wait_indirect_dma semaphore(%arg16 : memref<!tpu.dma_semaphore, #tpu.memory_space<semaphore_mem>>) src(%dma_wait3A_585 : memref<1000000x64xf32, #tpu.memory_space<hbm>>) dst(%dma_wait3A_579 : memref<100x64xf32, #tpu.memory_space<vmem>>)
      %dma_wait3A_586 = arith.constant 7 : i32
      %dma_wait3A_587 = arith.constant 100 : i32
      %dma_wait3A_588 = arith.constant 0 : i32
      %dma_wait3A_589 = tpu.memref_slice %arg8[%dma_wait3A_586, %dma_wait3A_587, %dma_wait3A_588] : memref<8x200x64xf32, #tpu.memory_space<vmem>> -> memref<1x100x64xf32, #tpu.memory_space<vmem>>
      %dma_wait3A_590 = tpu.memref_squeeze %dma_wait3A_589 : memref<1x100x64xf32, #tpu.memory_space<vmem>> -> memref<100x64xf32, #tpu.memory_space<vmem>>
      %dma_wait3A_591 = arith.constant 0 : i32
      %dma_wait3A_592 = tpu.memref_slice %arg6[%add3A_240, %dma_wait3A_591] : memref<64x100xi32, #tpu.memory_space<vmem>> -> memref<1x100xi32, #tpu.memory_space<vmem>>
      %dma_wait3A_593 = tpu.memref_squeeze %dma_wait3A_592 : memref<1x100xi32, #tpu.memory_space<vmem>> -> memref<100xi32, #tpu.memory_space<vmem>>
      %dma_wait3A_594 = arith.constant 0 : i32
      %dma_wait3A_595 = arith.constant 0 : i32
      %dma_wait3A_596 = tpu.memref_slice %arg3[%dma_wait3A_594, %dma_wait3A_595] : memref<1000000x64xf32, #tpu.memory_space<hbm>> -> memref<1000000x64xf32, #tpu.memory_space<hbm>>
      tpu.wait_indirect_dma semaphore(%arg16 : memref<!tpu.dma_semaphore, #tpu.memory_space<semaphore_mem>>) src(%dma_wait3A_596 : memref<1000000x64xf32, #tpu.memory_space<hbm>>) dst(%dma_wait3A_590 : memref<100x64xf32, #tpu.memory_space<vmem>>)
      %scan3A_597 = arith.constant 0 : i32
      %scan3A_598 = arith.constant 0 : i32
      %scan3A_599 = arith.constant 200 : i32
      %scan3A_600 = arith.addi %scan3A_598, %scan3A_599 : i32
      %scan3A_601 = arith.constant 2 : i32
      scf.for %scan3A_723 = %scan3A_598 to %scan3A_600 step %scan3A_601  : i32 {
        %get3A = arith.index_cast %scan3A_723 : i32 to index
        %get3A_724 = arith.constant 0 : index
        %get3A_725 = tpu.vector_load %arg7[%get3A, %get3A_724] {strides = array<i32>} : memref<200x64xf32, #tpu.memory_space<vmem>>, vector<1x16xf32>,
        %get3A_726 = vector.shape_cast %get3A_725 : vector<1x16xf32> to vector<16xf32>
        %swap3A = arith.constant 7 : i32
        %swap3A_727 = arith.index_cast %swap3A : i32 to index
        %swap3A_728 = arith.index_cast %scan3A_723 : i32 to index
        %swap3A_729 = arith.constant 0 : index
        %swap3A_730 = tpu.vector_load %arg8[%swap3A_727, %swap3A_728, %swap3A_729] {strides = array<i32>} : memref<8x200x64xf32, #tpu.memory_space<vmem>>, vector<1x1x16xf32>,
        %swap3A_731 = vector.shape_cast %swap3A_730 : vector<1x1x16xf32> to vector<16xf32>
        %swap3A_732 = vector.shape_cast %get3A_726 : vector<16xf32> to vector<1x1x16xf32>
        tpu.vector_store %arg8[%swap3A_727, %swap3A_728, %swap3A_729], %swap3A_732 {add = true, strides = array<i32>} : memref<8x200x64xf32, #tpu.memory_space<vmem>>, vector<1x1x16xf32>,
        %get3A_733 = arith.index_cast %scan3A_723 : i32 to index
        %get3A_734 = arith.constant 16 : index
        %get3A_735 = tpu.vector_load %arg7[%get3A_733, %get3A_734] {strides = array<i32>} : memref<200x64xf32, #tpu.memory_space<vmem>>, vector<1x16xf32>,
        %get3A_736 = vector.shape_cast %get3A_735 : vector<1x16xf32> to vector<16xf32>
        %swap3A_737 = arith.constant 7 : i32
        %swap3A_738 = arith.index_cast %swap3A_737 : i32 to index
        %swap3A_739 = arith.index_cast %scan3A_723 : i32 to index
        %swap3A_740 = arith.constant 16 : index
        %swap3A_741 = tpu.vector_load %arg8[%swap3A_738, %swap3A_739, %swap3A_740] {strides = array<i32>} : memref<8x200x64xf32, #tpu.memory_space<vmem>>, vector<1x1x16xf32>,
        %swap3A_742 = vector.shape_cast %swap3A_741 : vector<1x1x16xf32> to vector<16xf32>
        %swap3A_743 = vector.shape_cast %get3A_736 : vector<16xf32> to vector<1x1x16xf32>
        tpu.vector_store %arg8[%swap3A_738, %swap3A_739, %swap3A_740], %swap3A_743 {add = true, strides = array<i32>} : memref<8x200x64xf32, #tpu.memory_space<vmem>>, vector<1x1x16xf32>,
        %get3A_744 = arith.index_cast %scan3A_723 : i32 to index
        %get3A_745 = arith.constant 32 : index
        %get3A_746 = tpu.vector_load %arg7[%get3A_744, %get3A_745] {strides = array<i32>} : memref<200x64xf32, #tpu.memory_space<vmem>>, vector<1x16xf32>,
        %get3A_747 = vector.shape_cast %get3A_746 : vector<1x16xf32> to vector<16xf32>
        %swap3A_748 = arith.constant 7 : i32
        %swap3A_749 = arith.index_cast %swap3A_748 : i32 to index
        %swap3A_750 = arith.index_cast %scan3A_723 : i32 to index
        %swap3A_751 = arith.constant 32 : index
        %swap3A_752 = tpu.vector_load %arg8[%swap3A_749, %swap3A_750, %swap3A_751] {strides = array<i32>} : memref<8x200x64xf32, #tpu.memory_space<vmem>>, vector<1x1x16xf32>,
        %swap3A_753 = vector.shape_cast %swap3A_752 : vector<1x1x16xf32> to vector<16xf32>
        %swap3A_754 = vector.shape_cast %get3A_747 : vector<16xf32> to vector<1x1x16xf32>
        tpu.vector_store %arg8[%swap3A_749, %swap3A_750, %swap3A_751], %swap3A_754 {add = true, strides = array<i32>} : memref<8x200x64xf32, #tpu.memory_space<vmem>>, vector<1x1x16xf32>,
        %get3A_755 = arith.index_cast %scan3A_723 : i32 to index
        %get3A_756 = arith.constant 48 : index
        %get3A_757 = tpu.vector_load %arg7[%get3A_755, %get3A_756] {strides = array<i32>} : memref<200x64xf32, #tpu.memory_space<vmem>>, vector<1x16xf32>,
        %get3A_758 = vector.shape_cast %get3A_757 : vector<1x16xf32> to vector<16xf32>
        %swap3A_759 = arith.constant 7 : i32
        %swap3A_760 = arith.index_cast %swap3A_759 : i32 to index
        %swap3A_761 = arith.index_cast %scan3A_723 : i32 to index
        %swap3A_762 = arith.constant 48 : index
        %swap3A_763 = tpu.vector_load %arg8[%swap3A_760, %swap3A_761, %swap3A_762] {strides = array<i32>} : memref<8x200x64xf32, #tpu.memory_space<vmem>>, vector<1x1x16xf32>,
        %swap3A_764 = vector.shape_cast %swap3A_763 : vector<1x1x16xf32> to vector<16xf32>
        %swap3A_765 = vector.shape_cast %get3A_758 : vector<16xf32> to vector<1x1x16xf32>
        tpu.vector_store %arg8[%swap3A_760, %swap3A_761, %swap3A_762], %swap3A_765 {add = true, strides = array<i32>} : memref<8x200x64xf32, #tpu.memory_space<vmem>>, vector<1x1x16xf32>,
        %scan3A_766 = arith.constant 1 : i32
        %scan3A_767 = arith.addi %scan3A_723, %scan3A_766 : i32
        %get3A_768 = arith.index_cast %scan3A_767 : i32 to index
        %get3A_769 = arith.constant 0 : index
        %get3A_770 = tpu.vector_load %arg7[%get3A_768, %get3A_769] {strides = array<i32>} : memref<200x64xf32, #tpu.memory_space<vmem>>, vector<1x16xf32>,
        %get3A_771 = vector.shape_cast %get3A_770 : vector<1x16xf32> to vector<16xf32>
        %swap3A_772 = arith.constant 7 : i32
        %swap3A_773 = arith.index_cast %swap3A_772 : i32 to index
        %swap3A_774 = arith.index_cast %scan3A_767 : i32 to index
        %swap3A_775 = arith.constant 0 : index
        %swap3A_776 = tpu.vector_load %arg8[%swap3A_773, %swap3A_774, %swap3A_775] {strides = array<i32>} : memref<8x200x64xf32, #tpu.memory_space<vmem>>, vector<1x1x16xf32>,
        %swap3A_777 = vector.shape_cast %swap3A_776 : vector<1x1x16xf32> to vector<16xf32>
        %swap3A_778 = vector.shape_cast %get3A_771 : vector<16xf32> to vector<1x1x16xf32>
        tpu.vector_store %arg8[%swap3A_773, %swap3A_774, %swap3A_775], %swap3A_778 {add = true, strides = array<i32>} : memref<8x200x64xf32, #tpu.memory_space<vmem>>, vector<1x1x16xf32>,
        %get3A_779 = arith.index_cast %scan3A_767 : i32 to index
        %get3A_780 = arith.constant 16 : index
        %get3A_781 = tpu.vector_load %arg7[%get3A_779, %get3A_780] {strides = array<i32>} : memref<200x64xf32, #tpu.memory_space<vmem>>, vector<1x16xf32>,
        %get3A_782 = vector.shape_cast %get3A_781 : vector<1x16xf32> to vector<16xf32>
        %swap3A_783 = arith.constant 7 : i32
        %swap3A_784 = arith.index_cast %swap3A_783 : i32 to index
        %swap3A_785 = arith.index_cast %scan3A_767 : i32 to index
        %swap3A_786 = arith.constant 16 : index
        %swap3A_787 = tpu.vector_load %arg8[%swap3A_784, %swap3A_785, %swap3A_786] {strides = array<i32>} : memref<8x200x64xf32, #tpu.memory_space<vmem>>, vector<1x1x16xf32>,
        %swap3A_788 = vector.shape_cast %swap3A_787 : vector<1x1x16xf32> to vector<16xf32>
        %swap3A_789 = vector.shape_cast %get3A_782 : vector<16xf32> to vector<1x1x16xf32>
        tpu.vector_store %arg8[%swap3A_784, %swap3A_785, %swap3A_786], %swap3A_789 {add = true, strides = array<i32>} : memref<8x200x64xf32, #tpu.memory_space<vmem>>, vector<1x1x16xf32>,
        %get3A_790 = arith.index_cast %scan3A_767 : i32 to index
        %get3A_791 = arith.constant 32 : index
        %get3A_792 = tpu.vector_load %arg7[%get3A_790, %get3A_791] {strides = array<i32>} : memref<200x64xf32, #tpu.memory_space<vmem>>, vector<1x16xf32>,
        %get3A_793 = vector.shape_cast %get3A_792 : vector<1x16xf32> to vector<16xf32>
        %swap3A_794 = arith.constant 7 : i32
        %swap3A_795 = arith.index_cast %swap3A_794 : i32 to index
        %swap3A_796 = arith.index_cast %scan3A_767 : i32 to index
        %swap3A_797 = arith.constant 32 : index
        %swap3A_798 = tpu.vector_load %arg8[%swap3A_795, %swap3A_796, %swap3A_797] {strides = array<i32>} : memref<8x200x64xf32, #tpu.memory_space<vmem>>, vector<1x1x16xf32>,
        %swap3A_799 = vector.shape_cast %swap3A_798 : vector<1x1x16xf32> to vector<16xf32>
        %swap3A_800 = vector.shape_cast %get3A_793 : vector<16xf32> to vector<1x1x16xf32>
        tpu.vector_store %arg8[%swap3A_795, %swap3A_796, %swap3A_797], %swap3A_800 {add = true, strides = array<i32>} : memref<8x200x64xf32, #tpu.memory_space<vmem>>, vector<1x1x16xf32>,
        %get3A_801 = arith.index_cast %scan3A_767 : i32 to index
        %get3A_802 = arith.constant 48 : index
        %get3A_803 = tpu.vector_load %arg7[%get3A_801, %get3A_802] {strides = array<i32>} : memref<200x64xf32, #tpu.memory_space<vmem>>, vector<1x16xf32>,
        %get3A_804 = vector.shape_cast %get3A_803 : vector<1x16xf32> to vector<16xf32>
        %swap3A_805 = arith.constant 7 : i32
        %swap3A_806 = arith.index_cast %swap3A_805 : i32 to index
        %swap3A_807 = arith.index_cast %scan3A_767 : i32 to index
        %swap3A_808 = arith.constant 48 : index
        %swap3A_809 = tpu.vector_load %arg8[%swap3A_806, %swap3A_807, %swap3A_808] {strides = array<i32>} : memref<8x200x64xf32, #tpu.memory_space<vmem>>, vector<1x1x16xf32>,
        %swap3A_810 = vector.shape_cast %swap3A_809 : vector<1x1x16xf32> to vector<16xf32>
        %swap3A_811 = vector.shape_cast %get3A_804 : vector<16xf32> to vector<1x1x16xf32>
        tpu.vector_store %arg8[%swap3A_806, %swap3A_807, %swap3A_808], %swap3A_811 {add = true, strides = array<i32>} : memref<8x200x64xf32, #tpu.memory_space<vmem>>, vector<1x1x16xf32>,
      }
      %scan3A_602 = arith.constant 200 : i32
      %mul3A_603 = arith.constant 200 : i32
      %mul3A_604 = arith.muli %add3A_574, %mul3A_603 : i32
      %add3A_605 = arith.addi %mul3A_2, %mul3A_604 : i32
      %dma_start3A_606 = arith.constant 7 : i32
      %dma_start3A_607 = arith.constant 0 : i32
      %dma_start3A_608 = arith.constant 0 : i32
      %dma_start3A_609 = tpu.memref_slice %arg8[%dma_start3A_606, %dma_start3A_607, %dma_start3A_608] : memref<8x200x64xf32, #tpu.memory_space<vmem>> -> memref<1x200x64xf32, #tpu.memory_space<vmem>>
      %dma_start3A_610 = tpu.memref_squeeze %dma_start3A_609 : memref<1x200x64xf32, #tpu.memory_space<vmem>> -> memref<200x64xf32, #tpu.memory_space<vmem>>
      %dma_start3A_611 = arith.constant 0 : i32
      %dma_start3A_612 = tpu.memref_slice %arg5[%add3A_605, %dma_start3A_611] : memref<204800x64xf32, #tpu.memory_space<hbm>> -> memref<200x64xf32, #tpu.memory_space<hbm>>
      %dma_start3A_613 = arith.constant 0 : i32
      %dma_start3A_614 = tpu.memref_slice %arg5[%add3A_605, %dma_start3A_613] : memref<204800x64xf32, #tpu.memory_space<hbm>> -> memref<200x64xf32, #tpu.memory_space<hbm>>
      %dma_start3A_615 = arith.constant 0 : i32
      %dma_start3A_616 = arith.constant 0 : i32
      %dma_start3A_617 = tpu.memref_slice %arg8[%dma_start3A_606, %dma_start3A_615, %dma_start3A_616] : memref<8x200x64xf32, #tpu.memory_space<vmem>> -> memref<1x200x64xf32, #tpu.memory_space<vmem>>
      %dma_start3A_618 = tpu.memref_squeeze %dma_start3A_617 : memref<1x200x64xf32, #tpu.memory_space<vmem>> -> memref<200x64xf32, #tpu.memory_space<vmem>>
      tpu.enqueue_dma source(%dma_start3A_618 : memref<200x64xf32, #tpu.memory_space<vmem>>) target(%dma_start3A_614 : memref<200x64xf32, #tpu.memory_space<hbm>>) target_semaphore(%arg17 : memref<!tpu.dma_semaphore, #tpu.memory_space<semaphore_mem>>)
      %dma_wait3A_619 = arith.constant 0 : i32
      %dma_wait3A_620 = arith.constant 0 : i32
      %dma_wait3A_621 = arith.constant 0 : i32
      %dma_wait3A_622 = tpu.memref_slice %arg8[%dma_wait3A_619, %dma_wait3A_620, %dma_wait3A_621] : memref<8x200x64xf32, #tpu.memory_space<vmem>> -> memref<1x200x64xf32, #tpu.memory_space<vmem>>
      %dma_wait3A_623 = tpu.memref_squeeze %dma_wait3A_622 : memref<1x200x64xf32, #tpu.memory_space<vmem>> -> memref<200x64xf32, #tpu.memory_space<vmem>>
      %dma_wait3A_624 = arith.constant 0 : i32
      %dma_wait3A_625 = tpu.memref_slice %arg5[%add3A_283, %dma_wait3A_624] : memref<204800x64xf32, #tpu.memory_space<hbm>> -> memref<200x64xf32, #tpu.memory_space<hbm>>
      %dma_wait3A_626 = arith.constant 0 : i32
      %dma_wait3A_627 = tpu.memref_slice %arg5[%add3A_283, %dma_wait3A_626] : memref<204800x64xf32, #tpu.memory_space<hbm>> -> memref<200x64xf32, #tpu.memory_space<hbm>>
      %dma_wait3A_628 = arith.constant 0 : i32
      %dma_wait3A_629 = arith.constant 0 : i32
      %dma_wait3A_630 = tpu.memref_slice %arg8[%dma_wait3A_619, %dma_wait3A_628, %dma_wait3A_629] : memref<8x200x64xf32, #tpu.memory_space<vmem>> -> memref<1x200x64xf32, #tpu.memory_space<vmem>>
      %dma_wait3A_631 = tpu.memref_squeeze %dma_wait3A_630 : memref<1x200x64xf32, #tpu.memory_space<vmem>> -> memref<200x64xf32, #tpu.memory_space<vmem>>
      tpu.wait_dma2 semaphore(%arg17 : memref<!tpu.dma_semaphore, #tpu.memory_space<semaphore_mem>>) src(%dma_wait3A_631 : memref<200x64xf32, #tpu.memory_space<vmem>>) dst(%dma_wait3A_627 : memref<200x64xf32, #tpu.memory_space<hbm>>)
      %dma_wait3A_632 = arith.constant 1 : i32
      %dma_wait3A_633 = arith.constant 0 : i32
      %dma_wait3A_634 = arith.constant 0 : i32
      %dma_wait3A_635 = tpu.memref_slice %arg8[%dma_wait3A_632, %dma_wait3A_633, %dma_wait3A_634] : memref<8x200x64xf32, #tpu.memory_space<vmem>> -> memref<1x200x64xf32, #tpu.memory_space<vmem>>
      %dma_wait3A_636 = tpu.memref_squeeze %dma_wait3A_635 : memref<1x200x64xf32, #tpu.memory_space<vmem>> -> memref<200x64xf32, #tpu.memory_space<vmem>>
      %dma_wait3A_637 = arith.constant 0 : i32
      %dma_wait3A_638 = tpu.memref_slice %arg5[%add3A_329, %dma_wait3A_637] : memref<204800x64xf32, #tpu.memory_space<hbm>> -> memref<200x64xf32, #tpu.memory_space<hbm>>
      %dma_wait3A_639 = arith.constant 0 : i32
      %dma_wait3A_640 = tpu.memref_slice %arg5[%add3A_329, %dma_wait3A_639] : memref<204800x64xf32, #tpu.memory_space<hbm>> -> memref<200x64xf32, #tpu.memory_space<hbm>>
      %dma_wait3A_641 = arith.constant 0 : i32
      %dma_wait3A_642 = arith.constant 0 : i32
      %dma_wait3A_643 = tpu.memref_slice %arg8[%dma_wait3A_632, %dma_wait3A_641, %dma_wait3A_642] : memref<8x200x64xf32, #tpu.memory_space<vmem>> -> memref<1x200x64xf32, #tpu.memory_space<vmem>>
      %dma_wait3A_644 = tpu.memref_squeeze %dma_wait3A_643 : memref<1x200x64xf32, #tpu.memory_space<vmem>> -> memref<200x64xf32, #tpu.memory_space<vmem>>
      tpu.wait_dma2 semaphore(%arg17 : memref<!tpu.dma_semaphore, #tpu.memory_space<semaphore_mem>>) src(%dma_wait3A_644 : memref<200x64xf32, #tpu.memory_space<vmem>>) dst(%dma_wait3A_640 : memref<200x64xf32, #tpu.memory_space<hbm>>)
      %dma_wait3A_645 = arith.constant 2 : i32
      %dma_wait3A_646 = arith.constant 0 : i32
      %dma_wait3A_647 = arith.constant 0 : i32
      %dma_wait3A_648 = tpu.memref_slice %arg8[%dma_wait3A_645, %dma_wait3A_646, %dma_wait3A_647] : memref<8x200x64xf32, #tpu.memory_space<vmem>> -> memref<1x200x64xf32, #tpu.memory_space<vmem>>
      %dma_wait3A_649 = tpu.memref_squeeze %dma_wait3A_648 : memref<1x200x64xf32, #tpu.memory_space<vmem>> -> memref<200x64xf32, #tpu.memory_space<vmem>>
      %dma_wait3A_650 = arith.constant 0 : i32
      %dma_wait3A_651 = tpu.memref_slice %arg5[%add3A_375, %dma_wait3A_650] : memref<204800x64xf32, #tpu.memory_space<hbm>> -> memref<200x64xf32, #tpu.memory_space<hbm>>
      %dma_wait3A_652 = arith.constant 0 : i32
      %dma_wait3A_653 = tpu.memref_slice %arg5[%add3A_375, %dma_wait3A_652] : memref<204800x64xf32, #tpu.memory_space<hbm>> -> memref<200x64xf32, #tpu.memory_space<hbm>>
      %dma_wait3A_654 = arith.constant 0 : i32
      %dma_wait3A_655 = arith.constant 0 : i32
      %dma_wait3A_656 = tpu.memref_slice %arg8[%dma_wait3A_645, %dma_wait3A_654, %dma_wait3A_655] : memref<8x200x64xf32, #tpu.memory_space<vmem>> -> memref<1x200x64xf32, #tpu.memory_space<vmem>>
      %dma_wait3A_657 = tpu.memref_squeeze %dma_wait3A_656 : memref<1x200x64xf32, #tpu.memory_space<vmem>> -> memref<200x64xf32, #tpu.memory_space<vmem>>
      tpu.wait_dma2 semaphore(%arg17 : memref<!tpu.dma_semaphore, #tpu.memory_space<semaphore_mem>>) src(%dma_wait3A_657 : memref<200x64xf32, #tpu.memory_space<vmem>>) dst(%dma_wait3A_653 : memref<200x64xf32, #tpu.memory_space<hbm>>)
      %dma_wait3A_658 = arith.constant 3 : i32
      %dma_wait3A_659 = arith.constant 0 : i32
      %dma_wait3A_660 = arith.constant 0 : i32
      %dma_wait3A_661 = tpu.memref_slice %arg8[%dma_wait3A_658, %dma_wait3A_659, %dma_wait3A_660] : memref<8x200x64xf32, #tpu.memory_space<vmem>> -> memref<1x200x64xf32, #tpu.memory_space<vmem>>
      %dma_wait3A_662 = tpu.memref_squeeze %dma_wait3A_661 : memref<1x200x64xf32, #tpu.memory_space<vmem>> -> memref<200x64xf32, #tpu.memory_space<vmem>>
      %dma_wait3A_663 = arith.constant 0 : i32
      %dma_wait3A_664 = tpu.memref_slice %arg5[%add3A_421, %dma_wait3A_663] : memref<204800x64xf32, #tpu.memory_space<hbm>> -> memref<200x64xf32, #tpu.memory_space<hbm>>
      %dma_wait3A_665 = arith.constant 0 : i32
      %dma_wait3A_666 = tpu.memref_slice %arg5[%add3A_421, %dma_wait3A_665] : memref<204800x64xf32, #tpu.memory_space<hbm>> -> memref<200x64xf32, #tpu.memory_space<hbm>>
      %dma_wait3A_667 = arith.constant 0 : i32
      %dma_wait3A_668 = arith.constant 0 : i32
      %dma_wait3A_669 = tpu.memref_slice %arg8[%dma_wait3A_658, %dma_wait3A_667, %dma_wait3A_668] : memref<8x200x64xf32, #tpu.memory_space<vmem>> -> memref<1x200x64xf32, #tpu.memory_space<vmem>>
      %dma_wait3A_670 = tpu.memref_squeeze %dma_wait3A_669 : memref<1x200x64xf32, #tpu.memory_space<vmem>> -> memref<200x64xf32, #tpu.memory_space<vmem>>
      tpu.wait_dma2 semaphore(%arg17 : memref<!tpu.dma_semaphore, #tpu.memory_space<semaphore_mem>>) src(%dma_wait3A_670 : memref<200x64xf32, #tpu.memory_space<vmem>>) dst(%dma_wait3A_666 : memref<200x64xf32, #tpu.memory_space<hbm>>)
      %dma_wait3A_671 = arith.constant 4 : i32
      %dma_wait3A_672 = arith.constant 0 : i32
      %dma_wait3A_673 = arith.constant 0 : i32
      %dma_wait3A_674 = tpu.memref_slice %arg8[%dma_wait3A_671, %dma_wait3A_672, %dma_wait3A_673] : memref<8x200x64xf32, #tpu.memory_space<vmem>> -> memref<1x200x64xf32, #tpu.memory_space<vmem>>
      %dma_wait3A_675 = tpu.memref_squeeze %dma_wait3A_674 : memref<1x200x64xf32, #tpu.memory_space<vmem>> -> memref<200x64xf32, #tpu.memory_space<vmem>>
      %dma_wait3A_676 = arith.constant 0 : i32
      %dma_wait3A_677 = tpu.memref_slice %arg5[%add3A_467, %dma_wait3A_676] : memref<204800x64xf32, #tpu.memory_space<hbm>> -> memref<200x64xf32, #tpu.memory_space<hbm>>
      %dma_wait3A_678 = arith.constant 0 : i32
      %dma_wait3A_679 = tpu.memref_slice %arg5[%add3A_467, %dma_wait3A_678] : memref<204800x64xf32, #tpu.memory_space<hbm>> -> memref<200x64xf32, #tpu.memory_space<hbm>>
      %dma_wait3A_680 = arith.constant 0 : i32
      %dma_wait3A_681 = arith.constant 0 : i32
      %dma_wait3A_682 = tpu.memref_slice %arg8[%dma_wait3A_671, %dma_wait3A_680, %dma_wait3A_681] : memref<8x200x64xf32, #tpu.memory_space<vmem>> -> memref<1x200x64xf32, #tpu.memory_space<vmem>>
      %dma_wait3A_683 = tpu.memref_squeeze %dma_wait3A_682 : memref<1x200x64xf32, #tpu.memory_space<vmem>> -> memref<200x64xf32, #tpu.memory_space<vmem>>
      tpu.wait_dma2 semaphore(%arg17 : memref<!tpu.dma_semaphore, #tpu.memory_space<semaphore_mem>>) src(%dma_wait3A_683 : memref<200x64xf32, #tpu.memory_space<vmem>>) dst(%dma_wait3A_679 : memref<200x64xf32, #tpu.memory_space<hbm>>)
      %dma_wait3A_684 = arith.constant 5 : i32
      %dma_wait3A_685 = arith.constant 0 : i32
      %dma_wait3A_686 = arith.constant 0 : i32
      %dma_wait3A_687 = tpu.memref_slice %arg8[%dma_wait3A_684, %dma_wait3A_685, %dma_wait3A_686] : memref<8x200x64xf32, #tpu.memory_space<vmem>> -> memref<1x200x64xf32, #tpu.memory_space<vmem>>
      %dma_wait3A_688 = tpu.memref_squeeze %dma_wait3A_687 : memref<1x200x64xf32, #tpu.memory_space<vmem>> -> memref<200x64xf32, #tpu.memory_space<vmem>>
      %dma_wait3A_689 = arith.constant 0 : i32
      %dma_wait3A_690 = tpu.memref_slice %arg5[%add3A_513, %dma_wait3A_689] : memref<204800x64xf32, #tpu.memory_space<hbm>> -> memref<200x64xf32, #tpu.memory_space<hbm>>
      %dma_wait3A_691 = arith.constant 0 : i32
      %dma_wait3A_692 = tpu.memref_slice %arg5[%add3A_513, %dma_wait3A_691] : memref<204800x64xf32, #tpu.memory_space<hbm>> -> memref<200x64xf32, #tpu.memory_space<hbm>>
      %dma_wait3A_693 = arith.constant 0 : i32
      %dma_wait3A_694 = arith.constant 0 : i32
      %dma_wait3A_695 = tpu.memref_slice %arg8[%dma_wait3A_684, %dma_wait3A_693, %dma_wait3A_694] : memref<8x200x64xf32, #tpu.memory_space<vmem>> -> memref<1x200x64xf32, #tpu.memory_space<vmem>>
      %dma_wait3A_696 = tpu.memref_squeeze %dma_wait3A_695 : memref<1x200x64xf32, #tpu.memory_space<vmem>> -> memref<200x64xf32, #tpu.memory_space<vmem>>
      tpu.wait_dma2 semaphore(%arg17 : memref<!tpu.dma_semaphore, #tpu.memory_space<semaphore_mem>>) src(%dma_wait3A_696 : memref<200x64xf32, #tpu.memory_space<vmem>>) dst(%dma_wait3A_692 : memref<200x64xf32, #tpu.memory_space<hbm>>)
      %dma_wait3A_697 = arith.constant 6 : i32
      %dma_wait3A_698 = arith.constant 0 : i32
      %dma_wait3A_699 = arith.constant 0 : i32
      %dma_wait3A_700 = tpu.memref_slice %arg8[%dma_wait3A_697, %dma_wait3A_698, %dma_wait3A_699] : memref<8x200x64xf32, #tpu.memory_space<vmem>> -> memref<1x200x64xf32, #tpu.memory_space<vmem>>
      %dma_wait3A_701 = tpu.memref_squeeze %dma_wait3A_700 : memref<1x200x64xf32, #tpu.memory_space<vmem>> -> memref<200x64xf32, #tpu.memory_space<vmem>>
      %dma_wait3A_702 = arith.constant 0 : i32
      %dma_wait3A_703 = tpu.memref_slice %arg5[%add3A_559, %dma_wait3A_702] : memref<204800x64xf32, #tpu.memory_space<hbm>> -> memref<200x64xf32, #tpu.memory_space<hbm>>
      %dma_wait3A_704 = arith.constant 0 : i32
      %dma_wait3A_705 = tpu.memref_slice %arg5[%add3A_559, %dma_wait3A_704] : memref<204800x64xf32, #tpu.memory_space<hbm>> -> memref<200x64xf32, #tpu.memory_space<hbm>>
      %dma_wait3A_706 = arith.constant 0 : i32
      %dma_wait3A_707 = arith.constant 0 : i32
      %dma_wait3A_708 = tpu.memref_slice %arg8[%dma_wait3A_697, %dma_wait3A_706, %dma_wait3A_707] : memref<8x200x64xf32, #tpu.memory_space<vmem>> -> memref<1x200x64xf32, #tpu.memory_space<vmem>>
      %dma_wait3A_709 = tpu.memref_squeeze %dma_wait3A_708 : memref<1x200x64xf32, #tpu.memory_space<vmem>> -> memref<200x64xf32, #tpu.memory_space<vmem>>
      tpu.wait_dma2 semaphore(%arg17 : memref<!tpu.dma_semaphore, #tpu.memory_space<semaphore_mem>>) src(%dma_wait3A_709 : memref<200x64xf32, #tpu.memory_space<vmem>>) dst(%dma_wait3A_705 : memref<200x64xf32, #tpu.memory_space<hbm>>)
      %dma_wait3A_710 = arith.constant 7 : i32
      %dma_wait3A_711 = arith.constant 0 : i32
      %dma_wait3A_712 = arith.constant 0 : i32
      %dma_wait3A_713 = tpu.memref_slice %arg8[%dma_wait3A_710, %dma_wait3A_711, %dma_wait3A_712] : memref<8x200x64xf32, #tpu.memory_space<vmem>> -> memref<1x200x64xf32, #tpu.memory_space<vmem>>
      %dma_wait3A_714 = tpu.memref_squeeze %dma_wait3A_713 : memref<1x200x64xf32, #tpu.memory_space<vmem>> -> memref<200x64xf32, #tpu.memory_space<vmem>>
      %dma_wait3A_715 = arith.constant 0 : i32
      %dma_wait3A_716 = tpu.memref_slice %arg5[%add3A_605, %dma_wait3A_715] : memref<204800x64xf32, #tpu.memory_space<hbm>> -> memref<200x64xf32, #tpu.memory_space<hbm>>
      %dma_wait3A_717 = arith.constant 0 : i32
      %dma_wait3A_718 = tpu.memref_slice %arg5[%add3A_605, %dma_wait3A_717] : memref<204800x64xf32, #tpu.memory_space<hbm>> -> memref<200x64xf32, #tpu.memory_space<hbm>>
      %dma_wait3A_719 = arith.constant 0 : i32
      %dma_wait3A_720 = arith.constant 0 : i32
      %dma_wait3A_721 = tpu.memref_slice %arg8[%dma_wait3A_710, %dma_wait3A_719, %dma_wait3A_720] : memref<8x200x64xf32, #tpu.memory_space<vmem>> -> memref<1x200x64xf32, #tpu.memory_space<vmem>>
      %dma_wait3A_722 = tpu.memref_squeeze %dma_wait3A_721 : memref<1x200x64xf32, #tpu.memory_space<vmem>> -> memref<200x64xf32, #tpu.memory_space<vmem>>
      tpu.wait_dma2 semaphore(%arg17 : memref<!tpu.dma_semaphore, #tpu.memory_space<semaphore_mem>>) src(%dma_wait3A_722 : memref<200x64xf32, #tpu.memory_space<vmem>>) dst(%dma_wait3A_718 : memref<200x64xf32, #tpu.memory_space<hbm>>)
    }
    %scan3A_9 = arith.constant 4 : i32
    return
  }
}

</mosaic_0001>

<sc_bundles>
// kernel: kernel.3.cloned.1.call-start
scs
__scs_entry_jumppad:
0x0: {  	(pc) =	sbr.rel $0x88, $3  }
0x1: {  	(tag) =	ssettag $0x0;
	lr =	simm.s32 $0x1  }
0x2: {  	[smem:$0x3F9E] =	sst lr;
	_ =	strace $0xD0000000  }
0x3: {  	_ = 	snop  }
0x4: {  	_ = 	snop  }
0x5: {  	_ = 	snop  }
0x6: {  	_ = 	snop  }
0x7: {  	_ = 	snop  }
__scs_overlays_trampoline_lowered:
0x8: {  	[smem:$0x3FAD] =	sst s0  }
0x9: {  	[smem:$0x3FAE] =	sst s1  }
0xa: {  	[smem:$0x3FAF] =	sst s2  }
0xb: {  	[smem:$0x3FB0] =	sst s3  }
0xc: {  	[smem:$0x3FB1] =	sst s4  }
0xd: {  	[smem:$0x3FB2] =	sst s5  }
0xe: {  	[smem:$0x3FB3] =	sst s6  }
0xf: {  	[smem:$0x3FB4] =	sst s7  }
0x10: {  	[smem:$0x3FB5] =	sst s8  }
0x11: {  	[smem:$0x3FB6] =	sst s9;
	s0 =	simm.s32 @!p0 $0x0  }
0x12: {  	s1 =	sld [smem:$0x3F9C];
	s0 =	simm.s32 @p0 $0x1  }
0x13: {  	[smem:$0x3FB7] =	sst s0;
	s0 =	simm.s32 @!p1 $0x0  }
0x14: {  	s2 =	sld [smem:$0x3F9B];
	s0 =	simm.s32 @p1 $0x1  }
0x15: {  	[smem:$0x3FB8] =	sst s0;
	s0 =	simm.s32 @!p2 $0x0  }
0x16: {  	s3 =	sld [smem:$0x3FDB];
	s0 =	simm.s32 @p2 $0x1  }
0x17: {  	s4 =	simm.s32 $0x1BF5;
	[smem:$0x3FBA] =	sst s0  }
0x18: {  	s0 =	sld [smem:$0x3F9D];
	_ =	swait.ge [sflag:s4], $0x0  }
0x19: {  	s7 =	sld [smem:$0x3F9E]  }
0x1a: {  	s8 =	sadd.s32 $0xFFFFE003, lr  }
0x1b: {  	s9 =	sadd.s32 $0xFFFFFEF7, lr;
	s5 =	simm.s32 $0xFFFFFFFF;
	p2 =	slt.u32 s8, $0xFFFFF086  }
0x1c: {  	p1 =	slt.u32 s9, $0xF7A;
	s5 =	simm.s32 @!p2 $0x0  }
0x1d: {  	s5 =	simm.s32 @p1 $0x1;
	p0 =	seq.s32 s7, s2  }
0x1e: {  	s7 =	smul.u32 @!p0 $0xF7A, s2;
	p2 =	seq.s32 @!p0 s5, $0x0  }
0x1f: {  	s9 =	smul.u32 $0xF7A, s1;
	s8 =	simm.s32 @!p0 $0x1BF5;
	p2 =	por !p2, p0  }
0x20: {  	[sflag:s8] =	ssyncset.s32 @!p0 $0xFFFFF086;
	s6 =	sadd.s32 @!p0 s3, s7;
	s7 =	simm.s32 @!p0 $0x108  }
0x21: {  	s3 =	sadd.s32 s3, s9;
	s6 =	sadd.s32 @!p0 $0x88, s6;
	s7 =	simm.s32 @p2 $0x1082  }
0x22: {  	[simem:s7], [sflag:s8] =	dma.local @!p0 [hbm:s6], $0xF7A  }
0x23: {  	s9 =	sor.u32 $0xD0000000, s2;
	s6 =	simm.s32 $0x108;
	_ =	swait.ge @!p0 [sflag:s8], $0x0  }
0x24: {  	s3 =	sadd.s32 $0x88, s3;
	s6 =	simm.s32 @!p1 $0x1082;
	[sflag:s4] =	ssyncset.s32 $0xFFFFF086  }
0x25: {  	[simem:s6], [sflag:s4] =	dma.local [hbm:s3], $0xF7A  }
0x26: {  	[smem:$0x3F9E] =	sst s1;
	(tag) =	ssettag s2;
	_ =	strace s9  }
0x27: {  	s1 =	sld [smem:$0x3FAE]  }
0x28: {  	s2 =	sld [smem:$0x3FAF]  }
0x29: {  	s4 =	sld [smem:$0x3FB1]  }
0x2a: {  	p0 =	seq.s32 s5, $0x0;
	s5 =	sld [smem:$0x3FB2]  }
0x2b: {  	s6 =	sld [smem:$0x3FB3]  }
0x2c: {  	s7 =	sld [smem:$0x3FB4]  }
0x2d: {  	s3 =	simm.s32 $0x108;
	s8 =	sld [smem:$0x3FB5]  }
0x2e: {  	s3 =	simm.s32 @!p0 $0x1082;
	s9 =	sld [smem:$0x3FB6]  }
0x2f: {  	lr =	sadd.s32 s0, s3;
	s0 =	sld [smem:$0x3FAD]  }
0x30: {  	s3 =	sld [smem:$0x3FB0]  }
0x31: {  	[smem:$0x3FB9] =	sst s10  }
0x32: {  	s10 =	sld [smem:$0x3FB7];
	_ =	sdelay $0x3  }
0x33: {  	p0 =	seq.s32 s10, $0x1;
	s10 =	sld [smem:$0x3FB9];
	_ =	sdelay $0x3  }
0x34: {  	[smem:$0x3FB9] =	sst s10  }
0x35: {  	s10 =	sld [smem:$0x3FB8];
	_ =	sdelay $0x3  }
0x36: {  	p1 =	seq.s32 s10, $0x1;
	s10 =	sld [smem:$0x3FB9];
	_ =	sdelay $0x3  }
0x37: {  	[smem:$0x3FB9] =	sst s10  }
0x38: {  	s10 =	sld [smem:$0x3FBA]  }
0x39: {  	_ = 	snop;
	(pc) =	sbr.ind lr, $3  }
0x3a: {  	_ = 	snop  }
0x3b: {  	_ = 	snop  }
0x3c: {  	p2 =	seq.s32 s10, $0x1;
	s10 =	sld [smem:$0x3FB9]  }
0x3d: {  	_ =	shalt  }
0x3e: {  	_ =	shalt  }
0x3f: {  	_ =	shalt  }
0x40: {  	_ =	shalt  }
0x41: {  	_ =	shalt  }
0x42: {  	_ =	shalt  }
0x43: {  	_ =	shalt  }
0x44: {  	_ =	shalt  }
0x45: {  	_ =	shalt  }
0x46: {  	_ =	shalt  }
0x47: {  	_ =	shalt  }
0x48: {  	_ =	shalt  }
0x49: {  	_ =	shalt  }
0x4a: {  	_ =	shalt  }
0x4b: {  	_ =	shalt  }
0x4c: {  	_ =	shalt  }
0x4d: {  	_ =	shalt  }
0x4e: {  	_ =	shalt  }
0x4f: {  	_ =	shalt  }
0x50: {  	_ =	shalt  }
0x51: {  	_ =	shalt  }
0x52: {  	_ =	shalt  }
0x53: {  	_ =	shalt  }
0x54: {  	_ =	shalt  }
0x55: {  	_ =	shalt  }
0x56: {  	_ =	shalt  }
0x57: {  	_ =	shalt  }
0x58: {  	_ =	shalt  }
0x59: {  	_ =	shalt  }
0x5a: {  	_ =	shalt  }
0x5b: {  	_ =	shalt  }
0x5c: {  	_ =	shalt  }
0x5d: {  	_ =	shalt  }
0x5e: {  	_ =	shalt  }
0x5f: {  	_ =	shalt  }
0x60: {  	_ =	shalt  }
0x61: {  	_ =	shalt  }
0x62: {  	_ =	shalt  }
0x63: {  	_ =	shalt  }
0x64: {  	_ =	shalt  }
0x65: {  	_ =	shalt  }
0x66: {  	_ =	shalt  }
0x67: {  	_ =	shalt  }
0x68: {  	_ =	shalt  }
0x69: {  	_ =	shalt  }
0x6a: {  	_ =	shalt  }
0x6b: {  	_ =	shalt  }
0x6c: {  	_ =	shalt  }
0x6d: {  	_ =	shalt  }
0x6e: {  	_ =	shalt  }
0x6f: {  	_ =	shalt  }
0x70: {  	_ =	shalt  }
0x71: {  	_ =	shalt  }
0x72: {  	_ =	shalt  }
0x73: {  	_ =	shalt  }
0x74: {  	_ =	shalt  }
0x75: {  	_ =	shalt  }
0x76: {  	_ =	shalt  }
0x77: {  	_ =	shalt  }
0x78: {  	_ =	shalt  }
0x79: {  	_ =	shalt  }
0x7a: {  	_ =	shalt  }
0x7b: {  	_ =	shalt  }
0x7c: {  	_ =	shalt  }
0x7d: {  	_ =	shalt  }
0x7e: {  	_ =	shalt  }
0x7f: {  	_ =	shalt  }
0x80: {  	_ =	shalt  }
0x81: {  	_ =	shalt  }
0x82: {  	_ =	shalt  }
0x83: {  	_ =	shalt  }
0x84: {  	_ =	shalt  }
0x85: {  	_ =	shalt  }
0x86: {  	_ =	shalt  }
0x87: {  	_ =	shalt  }
.Lfunc_end0:
.L_simem_size_0:
called_computation.1_lowered:
.L_overlay_start_0:
0x88: {  	s2 =	sld [smem:$0x3FD9]  }
0x89: {  	s3 =	sld [smem:$0x3FFE];
	_ =	sdelay $0x1  }
0x8a: {  	s1 =	srdreg.scid  }
0x8b: {  	s0 =	sand.u32 $0x1, s1  }
0x8c: {  	s17 =	sshll.u32 s0, $0xA;
	s2 =	sadd.s32 s3, s2  }
0x8d: {  	s2 =	sadd.s32 s2, s17  }
0x8e: {  	[smem:$0x3FC5] =	sst s2  }
0x8f: {  	_ = 	snop  }
0x90: {  	s2 =	sld [smem:$0x3FD0];
	(tm) =	ssettm $0x1  }
0x91: {  	s18 =	sld [smem:$0x3FFB];
	_ =	sdelay $0x3  }
0x92: {  	_ =	strace s18  }
0x93: {  	s3 =	sld [smem:$0x3FFC];
	_ =	sdelay $0x3  }
0x94: {  	_ =	strace s3  }
0x95: {  	s3 =	sld [smem:$0x3FFD];
	_ =	sdelay $0x3  }
0x96: {  	_ =	strace s3  }
0x97: {  	_ =	strace $0x8FFFFFFF  }
0x98: {  	s19 =	sld [smem:$0x3FDB];
	_ =	sdelay $0x1  }
0x99: {  	s4 =	simm.s32 $_scs_section_size  }
0x9a: {  	s5 =	simm.s32 $_size__tile_overlayer_lowered;
	s6 =	simm.s32 $_tile_overlayer_lowered  }
0x9b: {  	s22 =	simm.s32 $0x1BFF;
	s21 =	sshll.u32 s6, $0x1;
	s3 =	sadd.s32 s4, s19  }
0x9c: {  	s7 =	simm.s32 $0x0;
	s20 =	sshll.u32 s5, $0x1;
	s5 =	sadd.s32 s21, s3  }
0x9d: {  	[timem:s7], [sflag:s22] =	dma.local [hbm:s5], s20  }
0x9e: {  	_ =	swait.ge [sflag:s22], s20  }
0x9f: {  	s4 =	ssub.s32 $0x0, s20;
	[sflag:s22] =	ssyncset.done $0x0  }
0xa0: {  	[sflag:s22] =	ssyncadd.s32 s4;
	_ =	sdelay $0x1  }
0xa1: {  	s23 =	simm.s32 $0x1B8B  }
0xa2: {  	_ =	swait.ge [sflag:s23], $0x1  }
0xa3: {  	[sflag:s23] =	ssyncset.done $0x0  }
0xa4: {  	s25 =	simm.s32 $0x1B8E;
	s24 =	sld [smem:$0x3FFE];
	[sflag:s23] =	ssyncadd.s32 $0xFFFFFFFF  }
0xa5: {  	s26 =	simm.s32 $execute0_lowered;
	[smem:$0x3FD2] =	sst s25  }
0xa6: {  	s5 =	sshll.u32 s26, $0x1;
	_ =	strace $0x80000046;
	[dreg:$0x1] =	wrdreg $0xFFFFFFFF  }
0xa7: {  	s28 =	simm.s32 $_size_execute0_lowered;
	s3 =	sadd.s32 s3, s5;
	[dreg:$0x0] =	wrdreg $0x0  }
0xa8: {  	s5 =	sshll.u32 s28, $0x1;
	[dreg:$0x2] =	wrdreg s3  }
0xa9: {  	[dreg:$0x3] =	wrdreg s5  }
0xaa: {  	[dreg:$0x4] =	wrdreg $0xC0  }
0xab: {  	_ =	task [dreg:s7], $0x5FFFF  }
0xac: {  	[dreg:$0x1] =	wrdreg $0xFFFFFFFF  }
0xad: {  	[dreg:$0x0] =	wrdreg $0x60  }
0xae: {  	[dreg:$0x2] =	wrdreg s24  }
0xaf: {  	[dreg:$0x3] =	wrdreg s2  }
0xb0: {  	[dreg:$0x4] =	wrdreg $0x9  }
0xb1: {  	_ =	task.clear_ibuf [dreg:s7], $0x5FFFF;
	_ =	strace $0x90000046  }
0xb2: {  	s29 =	simm.s32 $0x9;
	_ =	strace $0x80000048  }
0xb3: {  	_ =	swait.ge [sflag:s29], $0x1  }
0xb4: {  	[sflag:s29] =	ssyncadd.s32 $0xFFFFFFFF  }
0xb5: {  	_ =	strace $0x90000048  }
0xb6: {  	_ =	sfence  }
0xb7: {  	s30 =	sld [smem:$0x0];
	_ =	sdelay $0x2  }
0xb8: {  	s31 =	sshll.u32 s1, $0xD;
	s1 =	sshrl.u32 s1, $0x2  }
0xb9: {  	s3 =	sand.u32 $0x4000, s31;
	s1 =	sadd.s32 s1, s30  }
0xba: {  	s0 =	sor.u32 s3, s0;
	s1 =	sshll.u32 s1, $0x11  }
0xbb: {  	s0 =	sor.u32 s1, s0  }
0xbc: {  	s0 =	sadd.s32 $0x8F2B, s0  }
0xbd: {  	[sflag:s0] =	ssyncadd.remote.s32 $0x1  }
0xbe: {  	_ =	sfence.sel $0xFFFF  }
0xbf: {  	[dreg:$0x0] =	wrdreg $0xFFFFFFFF;
	(pc) =	sbr.abs _section_cstart, $3  }
0xc0: {  	[dreg:$0x1] =	wrdreg $0xFFFFFFFF  }
0xc1: {  	_ =	task.clear_ibuf [dreg:s7], $0x2FFFF;
	_ =	strace $0x9FFFFFFF  }
0xc2: {  	(tm) =	ssettm $0x7FFFFFFF  }
0xc3: {  	_ =	shalt  }
tec
execute0_lowered:
.L_overlay_start_1:
0x0: {  	(tag) =	ssettag $0x1  }
0x1: {  	s0 =	srdreg.scid;
	s2 =	stileid.u32  }
0x2: {  	s1 =	rddreg [dreg:$0x0];
	s5 =	simm.s32 $0x0;
	s11 =	simm.s32 $0x64  }
0x3: {  	s14 =	simm.s32 $0x7E00;
	s16 =	simm.s32 $0xB000;
	s18 =	simm.s32 $0xE200  }
0x4: {  	s20 =	simm.s32 $0x11400;
	s22 =	simm.s32 $0x14600;
	s24 =	simm.s32 $0x17800  }
0x5: {  	s29 =	simm.s32 $0x1;
	s30 =	simm.s32 $0x2;
	s31 =	simm.s32 $0x3  }
0x6: {  	s10 =	simm.s32 $0x6;
	s7 =	simm.s32 $0x8;
	s8 =	simm.s32 $0x9  }
0x7: {  	s9 =	simm.s32 $0x0;
	s0 =	sand.u32 $0x1, s0;
	s3 =	sshll.u32 s2, $0x1  }
0x8: {  	s2 =	rddreg [dreg:$0x1];
	s3 =	sor.u32 s0, s3;
	s0 =	ssub.s32 $0x2, s0  }
0x9: {  	[smem:$0x7FF] =	sst s5;
	s4 =	smul.u32 $0x340, s3;
	s26 =	sshrl.u32 s0, $0x1  }
0xa: {  	s5 =	simm.s32 $0x7;
	_ =	strace $0x80000047;
	s0 =	ssub.s32 s0, s26  }
0xb: {  	s25 =	sadd.s32 s4, s1;
	s4 =	sadd.s32 $0xF43000, s1;
	s1 =	sadd.s32 $0x7400, s1  }
0xc: {  	s6 =	smul.u32 $0x1900, s3;
	s0 =	smax.u32 s0, $0x1;
	[dreg:$0x3] =	wrdreg s1  }
0xd: {  	s26 =	simm.s32 $0x1AA00;
	s28 =	sadd.s32 $0xC00, s25;
	[dreg:$0x5] =	wrdreg s0  }
0xe: {  	s1 =	simm.s32 $0x4;
	s0 =	simm.s32 $0x5;
	[dreg:$0x4] =	wrdreg s28  }
.LBB2_1:
0xf: {  	[dreg:$0x6] =	wrdreg s9  }
0x10: {  	s3 =	simm.s32 $0x0;
	s25 =	rddreg [dreg:$0x4];
	s12 =	simm.s32 $0xA  }
0x11: {  	[tilespmem:s3], [sflag:$0xA] =	stream.linear.gather [hbm4b:s25+s3], $0x1A00, $0x38;
	[tilespmem:$0x1DC00] =	vst v63  }
0x12: {  	_ =	swait.ge [sflag:s12], $0x1A00  }
0x13: {  	[sflag:s12] =	ssyncset.done $0x0  }
0x14: {  	s13 =	simm.s32 $0x1A00;
	s28 =	rddreg [dreg:$0x3];
	[sflag:s12] =	ssyncadd.s32 $0xFFFFE600  }
0x15: {  	[tilespmem:s13], [sflag:$0xA] =	stream.linear.gather [hbm4b:s28+s3], $0x3200, $0x38;
	[tilespmem:$0x1DC00] =	vst v63  }
0x16: {  	_ =	swait.ge [sflag:s12], $0x3200  }
0x17: {  	[sflag:s12] =	ssyncset.done $0x0  }
0x18: {  	s9 =	simm.s32 $0x0;
	[sflag:s12] =	ssyncadd.s32 $0xFFFFCE00  }
.LBB2_2:
0x19: {  	s3 =	smul.u32 $0x1A00, s9  }
0x1a: {  	s12 =	sshll.u32 s9, $0x3  }
0x1b: {  	s13 =	simm.s32 $0x4C00;
	s25 =	sor.u32 $0x1, s12;
	s3 =	sshra.s32 s3, $0x2  }
0x1c: {  	[tilespmem:s13], [sflag:$0x1] =	stream.indirect.gather [hbm4b:s4+s11], $0x40, s3, s11, $0xb8;
	[tilespmem:$0x1DC00] =	vst v63  }
0x1d: {  	s15 =	simm.s32 $0x6500;
	s23 =	smul.u32 $0x340, s25;
	s3 =	sor.u32 $0x68, s3  }
0x1e: {  	[tilespmem:s15], [sflag:$0x1] =	stream.indirect.gather [hbm4b:s4+s11], $0x40, s3, s11, $0xb8;
	[tilespmem:$0x1DC00] =	vst v63  }
0x1f: {  	s17 =	sshra.s32 s23, $0x2;
	s23 =	sor.u32 $0x2, s12  }
0x20: {  	[tilespmem:s14], [sflag:$0x2] =	stream.indirect.gather [hbm4b:s4+s11], $0x40, s17, s11, $0xb8;
	[tilespmem:$0x1DC00] =	vst v63  }
0x21: {  	s21 =	simm.s32 $0x9700;
	s3 =	sadd.s32 $0x68, s17;
	s19 =	smul.u32 $0x340, s23  }
0x22: {  	[tilespmem:s21], [sflag:$0x2] =	stream.indirect.gather [hbm4b:s4+s11], $0x40, s3, s11, $0xb8;
	[tilespmem:$0x1DC00] =	vst v63  }
0x23: {  	s15 =	sshra.s32 s19, $0x2;
	s21 =	sor.u32 $0x3, s12  }
0x24: {  	[tilespmem:s16], [sflag:$0x3] =	stream.indirect.gather [hbm4b:s4+s11], $0x40, s15, s11, $0xb8;
	[tilespmem:$0x1DC00] =	vst v63  }
0x25: {  	s19 =	simm.s32 $0xC900;
	s3 =	sadd.s32 $0x68, s15;
	s17 =	smul.u32 $0x340, s21  }
0x26: {  	[tilespmem:s19], [sflag:$0x3] =	stream.indirect.gather [hbm4b:s4+s11], $0x40, s3, s11, $0xb8;
	[tilespmem:$0x1DC00] =	vst v63  }
0x27: {  	s15 =	sshra.s32 s17, $0x2;
	s19 =	sor.u32 $0x4, s12  }
0x28: {  	[tilespmem:s18], [sflag:$0x4] =	stream.indirect.gather [hbm4b:s4+s11], $0x40, s15, s11, $0xb8;
	[tilespmem:$0x1DC00] =	vst v63  }
0x29: {  	s17 =	simm.s32 $0xFB00;
	s3 =	sadd.s32 $0x68, s15;
	s13 =	smul.u32 $0x340, s19  }
0x2a: {  	[tilespmem:s17], [sflag:$0x4] =	stream.indirect.gather [hbm4b:s4+s11], $0x40, s3, s11, $0xb8;
	[tilespmem:$0x1DC00] =	vst v63  }
0x2b: {  	s15 =	sshra.s32 s13, $0x2;
	s17 =	sor.u32 $0x5, s12  }
0x2c: {  	[tilespmem:s20], [sflag:$0x5] =	stream.indirect.gather [hbm4b:s4+s11], $0x40, s15, s11, $0xb8;
	[tilespmem:$0x1DC00] =	vst v63  }
0x2d: {  	s3 =	sadd.s32 $0x68, s15;
	s13 =	smul.u32 $0x340, s17;
	s15 =	simm.s32 $0x12D00  }
0x2e: {  	[tilespmem:s15], [sflag:$0x5] =	stream.indirect.gather [hbm4b:s4+s11], $0x40, s3, s11, $0xb8;
	[tilespmem:$0x1DC00] =	vst v63  }
0x2f: {  	s13 =	sshra.s32 s13, $0x2;
	s15 =	sor.u32 $0x6, s12  }
0x30: {  	[tilespmem:s22], [sflag:$0x6] =	stream.indirect.gather [hbm4b:s4+s11], $0x40, s13, s11, $0xb8;
	[tilespmem:$0x1DC00] =	vst v63  }
0x31: {  	s3 =	sor.u32 $0x68, s13;
	s12 =	smul.u32 $0x340, s15;
	s13 =	simm.s32 $0x15F00  }
0x32: {  	[tilespmem:s13], [sflag:$0x6] =	stream.indirect.gather [hbm4b:s4+s11], $0x40, s3, s11, $0xb8;
	[tilespmem:$0x1DC00] =	vst v63  }
0x33: {  	s12 =	sshra.s32 s12, $0x2;
	s13 =	sshllo.u32 s9, $0x3  }
0x34: {  	[tilespmem:s24], [sflag:$0x7] =	stream.indirect.gather [hbm4b:s4+s11], $0x40, s12, s11, $0xb8;
	[tilespmem:$0x1DC00] =	vst v63  }
0x35: {  	s28 =	simm.s32 $0x19100;
	s3 =	sadd.s32 $0x68, s12;
	s12 =	smul.u32 $0x340, s13  }
0x36: {  	[tilespmem:s28], [sflag:$0x7] =	stream.indirect.gather [hbm4b:s4+s11], $0x40, s3, s11, $0xb8;
	[tilespmem:$0x1DC00] =	vst v63  }
0x37: {  	s12 =	sshra.s32 s12, $0x2  }
0x38: {  	[tilespmem:s26], [sflag:$0x8] =	stream.indirect.gather [hbm4b:s4+s11], $0x40, s12, s11, $0xb8;
	[tilespmem:$0x1DC00] =	vst v63  }
0x39: {  	s3 =	sadd.s32 $0x68, s12;
	s12 =	simm.s32 $0x1C300  }
0x3a: {  	[tilespmem:s12], [sflag:$0x8] =	stream.indirect.gather [hbm4b:s4+s11], $0x40, s3, s11, $0xb8;
	[tilespmem:$0x1DC00] =	vst v63  }
0x3b: {  	_ =	swait.ge [sflag:s29], $0x1900  }
0x3c: {  	[sflag:s29] =	ssyncset.done $0x0  }
0x3d: {  	[sflag:s29] =	ssyncadd.s32 $0xFFFFE700  }
0x3e: {  	_ =	swait.ge [sflag:s29], $0x1900  }
0x3f: {  	[sflag:s29] =	ssyncset.done $0x0  }
0x40: {  	s28 =	simm.s32 $0x0;
	[sflag:s29] =	ssyncadd.s32 $0xFFFFE700  }
0x41: {  	v0 =	vld [tilespmem:s28+$0x1A70]  }
0x42: {  	v1 =	vld [tilespmem:s28+$0x1A00]  }
0x43: {  	v2 =	vld [tilespmem:s28+$0x1A10]  }
0x44: {  	v3 =	vld [tilespmem:s28+$0x1A20]  }
0x45: {  	v4 =	vld [tilespmem:s28+$0x1A30]  }
0x46: {  	v5 =	vld [tilespmem:s28+$0x1A40]  }
0x47: {  	v6 =	vld [tilespmem:s28+$0x1A50]  }
0x48: {  	[tilespmem:s28+$0x4C70] =	vst.add.f32.msk $0xffff, v0  }
0x49: {  	v0 =	vld [tilespmem:s28+$0x1A60]  }
0x4a: {  	[tilespmem:s28+$0x4C00] =	vst.add.f32.msk $0xffff, v1  }
0x4b: {  	[tilespmem:s28+$0x4C10] =	vst.add.f32.msk $0xffff, v2  }
0x4c: {  	[tilespmem:s28+$0x4C20] =	vst.add.f32.msk $0xffff, v3  }
0x4d: {  	[tilespmem:s28+$0x4C30] =	vst.add.f32.msk $0xffff, v4  }
0x4e: {  	[tilespmem:s28+$0x4C40] =	vst.add.f32.msk $0xffff, v5  }
0x4f: {  	s3 =	simm.s32 $0x0;
	s12 =	simm.s32 $0x200;
	[tilespmem:s28+$0x4C50] =	vst.add.f32.msk $0xffff, v6  }
.LBB2_3:
0x50: {  	s3 =	sadd.s32 $0x2, s3;
	[tilespmem:s28+$0x4C60] =	vst.add.f32.msk $0xffff, v0;
	s28 =	sshra.s32 s12, $0x2  }
0x51: {  	v0 =	vld [tilespmem:s28+$0x1A70];
	p0 =	slt.u32 s3, $0xC6  }
0x52: {  	v1 =	vld [tilespmem:s28+$0x1A00]  }
0x53: {  	v2 =	vld [tilespmem:s28+$0x1A10]  }
0x54: {  	v3 =	vld [tilespmem:s28+$0x1A20]  }
0x55: {  	v4 =	vld [tilespmem:s28+$0x1A30]  }
0x56: {  	[tilespmem:s28+$0x4C70] =	vst.add.f32.msk $0xffff, v0  }
0x57: {  	v5 =	vld [tilespmem:s28+$0x1A40]  }
0x58: {  	v6 =	vld [tilespmem:s28+$0x1A50]  }
0x59: {  	v0 =	vld [tilespmem:s28+$0x1A60]  }
0x5a: {  	[tilespmem:s28+$0x4C00] =	vst.add.f32.msk $0xffff, v1  }
.Ltmp0:
0x5b: {  	[tilespmem:s28+$0x4C10] =	vst.add.f32.msk $0xffff, v2;
	(pc) =	sbr.rel @p0 .LBB2_3-.Ltmp0, $4  }
0x5c: {  	[tilespmem:s28+$0x4C20] =	vst.add.f32.msk $0xffff, v3  }
0x5d: {  	[tilespmem:s28+$0x4C30] =	vst.add.f32.msk $0xffff, v4  }
0x5e: {  	[tilespmem:s28+$0x4C40] =	vst.add.f32.msk $0xffff, v5  }
0x5f: {  	s12 =	sadd.s32 $0x200, s12;
	[tilespmem:s28+$0x4C50] =	vst.add.f32.msk $0xffff, v6  }
0x60: {  	s3 =	smul.u32 $0x640, s9;
	_ =	sdelay $0x1  }
0x61: {  	s3 =	sadd.s32 s6, s3  }
0x62: {  	s3 =	sshll.u32 s3, $0x3  }
0x63: {  	[tilespmem:s28+$0x4C60] =	vst.add.f32.msk $0xffff, v0;
	s12 =	simm.s32 $0x0;
	s28 =	simm.s32 $0x4C00;
	s3 =	sadd.s32 s2, s3  }
0x64: {  	[hbm4b:s3+s12] =	stream.linear.scatter [tilespmem:s28], [sflag:$0x9], $0x3200, $0x38;
	[tilespmem:$0x1DC00] =	vst v63  }
0x65: {  	_ =	swait.ge [sflag:s30], $0x1900  }
0x66: {  	[sflag:s30] =	ssyncset.done $0x0  }
0x67: {  	[sflag:s30] =	ssyncadd.s32 $0xFFFFE700  }
0x68: {  	_ =	swait.ge [sflag:s30], $0x1900  }
0x69: {  	[sflag:s30] =	ssyncset.done $0x0  }
0x6a: {  	s28 =	simm.s32 $0x0;
	[sflag:s30] =	ssyncadd.s32 $0xFFFFE700  }
0x6b: {  	v0 =	vld [tilespmem:s28+$0x1A70]  }
0x6c: {  	v1 =	vld [tilespmem:s28+$0x1A00]  }
0x6d: {  	v2 =	vld [tilespmem:s28+$0x1A10]  }
0x6e: {  	v3 =	vld [tilespmem:s28+$0x1A20]  }
0x6f: {  	v4 =	vld [tilespmem:s28+$0x1A30]  }
0x70: {  	v5 =	vld [tilespmem:s28+$0x1A40]  }
0x71: {  	v6 =	vld [tilespmem:s28+$0x1A50]  }
0x72: {  	[tilespmem:s28+$0x7E70] =	vst.add.f32.msk $0xffff, v0  }
0x73: {  	v0 =	vld [tilespmem:s28+$0x1A60]  }
0x74: {  	[tilespmem:s28+$0x7E00] =	vst.add.f32.msk $0xffff, v1  }
0x75: {  	[tilespmem:s28+$0x7E10] =	vst.add.f32.msk $0xffff, v2  }
0x76: {  	[tilespmem:s28+$0x7E20] =	vst.add.f32.msk $0xffff, v3  }
0x77: {  	[tilespmem:s28+$0x7E30] =	vst.add.f32.msk $0xffff, v4  }
0x78: {  	[tilespmem:s28+$0x7E40] =	vst.add.f32.msk $0xffff, v5  }
0x79: {  	s3 =	simm.s32 $0x0;
	s12 =	simm.s32 $0x200;
	[tilespmem:s28+$0x7E50] =	vst.add.f32.msk $0xffff, v6  }
.LBB2_5:
0x7a: {  	s3 =	sadd.s32 $0x2, s3;
	[tilespmem:s28+$0x7E60] =	vst.add.f32.msk $0xffff, v0;
	s28 =	sshra.s32 s12, $0x2  }
0x7b: {  	v0 =	vld [tilespmem:s28+$0x1A70];
	p0 =	slt.u32 s3, $0xC6  }
0x7c: {  	v1 =	vld [tilespmem:s28+$0x1A00]  }
0x7d: {  	v2 =	vld [tilespmem:s28+$0x1A10]  }
0x7e: {  	v3 =	vld [tilespmem:s28+$0x1A20]  }
0x7f: {  	v4 =	vld [tilespmem:s28+$0x1A30]  }
0x80: {  	[tilespmem:s28+$0x7E70] =	vst.add.f32.msk $0xffff, v0  }
0x81: {  	v5 =	vld [tilespmem:s28+$0x1A40]  }
0x82: {  	v6 =	vld [tilespmem:s28+$0x1A50]  }
0x83: {  	v0 =	vld [tilespmem:s28+$0x1A60]  }
0x84: {  	[tilespmem:s28+$0x7E00] =	vst.add.f32.msk $0xffff, v1  }
.Ltmp1:
0x85: {  	[tilespmem:s28+$0x7E10] =	vst.add.f32.msk $0xffff, v2;
	(pc) =	sbr.rel @p0 .LBB2_5-.Ltmp1, $4  }
0x86: {  	[tilespmem:s28+$0x7E20] =	vst.add.f32.msk $0xffff, v3  }
0x87: {  	[tilespmem:s28+$0x7E30] =	vst.add.f32.msk $0xffff, v4  }
0x88: {  	[tilespmem:s28+$0x7E40] =	vst.add.f32.msk $0xffff, v5  }
0x89: {  	s12 =	sadd.s32 $0x200, s12;
	[tilespmem:s28+$0x7E50] =	vst.add.f32.msk $0xffff, v6  }
0x8a: {  	s3 =	smul.u32 $0xC8, s25;
	_ =	sdelay $0x1  }
0x8b: {  	s3 =	sadd.s32 s6, s3  }
0x8c: {  	s3 =	sshll.u32 s3, $0x3  }
0x8d: {  	s3 =	sand.u32 $0x1FFFFE40, s3  }
0x8e: {  	[tilespmem:s28+$0x7E60] =	vst.add.f32.msk $0xffff, v0;
	s12 =	simm.s32 $0x0;
	s3 =	sadd.s32 s2, s3  }
0x8f: {  	[hbm4b:s3+s12] =	stream.linear.scatter [tilespmem:s14], [sflag:$0x9], $0x3200, $0x38;
	[tilespmem:$0x1DC00] =	vst v63  }
0x90: {  	_ =	swait.ge [sflag:s31], $0x1900  }
0x91: {  	[sflag:s31] =	ssyncset.done $0x0  }
0x92: {  	[sflag:s31] =	ssyncadd.s32 $0xFFFFE700  }
0x93: {  	_ =	swait.ge [sflag:s31], $0x1900  }
0x94: {  	[sflag:s31] =	ssyncset.done $0x0  }
0x95: {  	s25 =	simm.s32 $0x0;
	[sflag:s31] =	ssyncadd.s32 $0xFFFFE700  }
0x96: {  	v0 =	vld [tilespmem:s25+$0x1A70]  }
0x97: {  	v1 =	vld [tilespmem:s25+$0x1A00]  }
0x98: {  	v2 =	vld [tilespmem:s25+$0x1A10]  }
0x99: {  	v3 =	vld [tilespmem:s25+$0x1A20]  }
0x9a: {  	v4 =	vld [tilespmem:s25+$0x1A30]  }
0x9b: {  	v5 =	vld [tilespmem:s25+$0x1A40]  }
0x9c: {  	v6 =	vld [tilespmem:s25+$0x1A50]  }
0x9d: {  	[tilespmem:s25+$0xB070] =	vst.add.f32.msk $0xffff, v0  }
0x9e: {  	v0 =	vld [tilespmem:s25+$0x1A60]  }
0x9f: {  	[tilespmem:s25+$0xB000] =	vst.add.f32.msk $0xffff, v1  }
0xa0: {  	[tilespmem:s25+$0xB010] =	vst.add.f32.msk $0xffff, v2  }
0xa1: {  	[tilespmem:s25+$0xB020] =	vst.add.f32.msk $0xffff, v3  }
0xa2: {  	[tilespmem:s25+$0xB030] =	vst.add.f32.msk $0xffff, v4  }
0xa3: {  	[tilespmem:s25+$0xB040] =	vst.add.f32.msk $0xffff, v5  }
0xa4: {  	s3 =	simm.s32 $0x0;
	s12 =	simm.s32 $0x200;
	[tilespmem:s25+$0xB050] =	vst.add.f32.msk $0xffff, v6  }
.LBB2_7:
0xa5: {  	s3 =	sadd.s32 $0x2, s3;
	[tilespmem:s25+$0xB060] =	vst.add.f32.msk $0xffff, v0;
	s25 =	sshra.s32 s12, $0x2  }
0xa6: {  	v0 =	vld [tilespmem:s25+$0x1A70];
	p0 =	slt.u32 s3, $0xC6  }
0xa7: {  	v1 =	vld [tilespmem:s25+$0x1A00]  }
0xa8: {  	v2 =	vld [tilespmem:s25+$0x1A10]  }
0xa9: {  	v3 =	vld [tilespmem:s25+$0x1A20]  }
0xaa: {  	v4 =	vld [tilespmem:s25+$0x1A30]  }
0xab: {  	[tilespmem:s25+$0xB070] =	vst.add.f32.msk $0xffff, v0  }
0xac: {  	v5 =	vld [tilespmem:s25+$0x1A40]  }
0xad: {  	v6 =	vld [tilespmem:s25+$0x1A50]  }
0xae: {  	v0 =	vld [tilespmem:s25+$0x1A60]  }
0xaf: {  	[tilespmem:s25+$0xB000] =	vst.add.f32.msk $0xffff, v1  }
.Ltmp2:
0xb0: {  	[tilespmem:s25+$0xB010] =	vst.add.f32.msk $0xffff, v2;
	(pc) =	sbr.rel @p0 .LBB2_7-.Ltmp2, $4  }
0xb1: {  	[tilespmem:s25+$0xB020] =	vst.add.f32.msk $0xffff, v3  }
0xb2: {  	[tilespmem:s25+$0xB030] =	vst.add.f32.msk $0xffff, v4  }
0xb3: {  	[tilespmem:s25+$0xB040] =	vst.add.f32.msk $0xffff, v5  }
0xb4: {  	s12 =	sadd.s32 $0x200, s12;
	[tilespmem:s25+$0xB050] =	vst.add.f32.msk $0xffff, v6  }
0xb5: {  	s3 =	smul.u32 $0xC8, s23;
	_ =	sdelay $0x1  }
0xb6: {  	s3 =	sadd.s32 s6, s3  }
0xb7: {  	s3 =	sshll.u32 s3, $0x3  }
0xb8: {  	s3 =	sand.u32 $0x1FFFFE80, s3  }
0xb9: {  	[tilespmem:s25+$0xB060] =	vst.add.f32.msk $0xffff, v0;
	s12 =	simm.s32 $0x0;
	s3 =	sadd.s32 s2, s3  }
0xba: {  	[hbm4b:s3+s12] =	stream.linear.scatter [tilespmem:s16], [sflag:$0x9], $0x3200, $0x38;
	[tilespmem:$0x1DC00] =	vst v63  }
0xbb: {  	_ =	swait.ge [sflag:s1], $0x1900  }
0xbc: {  	[sflag:s1] =	ssyncset.done $0x0  }
0xbd: {  	[sflag:s1] =	ssyncadd.s32 $0xFFFFE700  }
0xbe: {  	_ =	swait.ge [sflag:s1], $0x1900  }
0xbf: {  	[sflag:s1] =	ssyncset.done $0x0  }
0xc0: {  	s23 =	simm.s32 $0x0;
	[sflag:s1] =	ssyncadd.s32 $0xFFFFE700  }
0xc1: {  	v0 =	vld [tilespmem:s23+$0x1A70]  }
0xc2: {  	v1 =	vld [tilespmem:s23+$0x1A00]  }
0xc3: {  	v2 =	vld [tilespmem:s23+$0x1A10]  }
0xc4: {  	v3 =	vld [tilespmem:s23+$0x1A20]  }
0xc5: {  	v4 =	vld [tilespmem:s23+$0x1A30]  }
0xc6: {  	v5 =	vld [tilespmem:s23+$0x1A40]  }
0xc7: {  	v6 =	vld [tilespmem:s23+$0x1A50]  }
0xc8: {  	[tilespmem:s23+$0xE270] =	vst.add.f32.msk $0xffff, v0  }
0xc9: {  	v0 =	vld [tilespmem:s23+$0x1A60]  }
0xca: {  	[tilespmem:s23+$0xE200] =	vst.add.f32.msk $0xffff, v1  }
0xcb: {  	[tilespmem:s23+$0xE210] =	vst.add.f32.msk $0xffff, v2  }
0xcc: {  	[tilespmem:s23+$0xE220] =	vst.add.f32.msk $0xffff, v3  }
0xcd: {  	[tilespmem:s23+$0xE230] =	vst.add.f32.msk $0xffff, v4  }
0xce: {  	[tilespmem:s23+$0xE240] =	vst.add.f32.msk $0xffff, v5  }
0xcf: {  	s3 =	simm.s32 $0x0;
	s12 =	simm.s32 $0x200;
	[tilespmem:s23+$0xE250] =	vst.add.f32.msk $0xffff, v6  }
.LBB2_9:
0xd0: {  	s3 =	sadd.s32 $0x2, s3;
	[tilespmem:s23+$0xE260] =	vst.add.f32.msk $0xffff, v0;
	s23 =	sshra.s32 s12, $0x2  }
0xd1: {  	v0 =	vld [tilespmem:s23+$0x1A70];
	p0 =	slt.u32 s3, $0xC6  }
0xd2: {  	v1 =	vld [tilespmem:s23+$0x1A00]  }
0xd3: {  	v2 =	vld [tilespmem:s23+$0x1A10]  }
0xd4: {  	v3 =	vld [tilespmem:s23+$0x1A20]  }
0xd5: {  	v4 =	vld [tilespmem:s23+$0x1A30]  }
0xd6: {  	[tilespmem:s23+$0xE270] =	vst.add.f32.msk $0xffff, v0  }
0xd7: {  	v5 =	vld [tilespmem:s23+$0x1A40]  }
0xd8: {  	v6 =	vld [tilespmem:s23+$0x1A50]  }
0xd9: {  	v0 =	vld [tilespmem:s23+$0x1A60]  }
0xda: {  	[tilespmem:s23+$0xE200] =	vst.add.f32.msk $0xffff, v1  }
.Ltmp3:
0xdb: {  	[tilespmem:s23+$0xE210] =	vst.add.f32.msk $0xffff, v2;
	(pc) =	sbr.rel @p0 .LBB2_9-.Ltmp3, $4  }
0xdc: {  	[tilespmem:s23+$0xE220] =	vst.add.f32.msk $0xffff, v3  }
0xdd: {  	[tilespmem:s23+$0xE230] =	vst.add.f32.msk $0xffff, v4  }
0xde: {  	[tilespmem:s23+$0xE240] =	vst.add.f32.msk $0xffff, v5  }
0xdf: {  	s12 =	sadd.s32 $0x200, s12;
	[tilespmem:s23+$0xE250] =	vst.add.f32.msk $0xffff, v6  }
0xe0: {  	s3 =	smul.u32 $0xC8, s21;
	_ =	sdelay $0x1  }
0xe1: {  	s3 =	sadd.s32 s6, s3  }
0xe2: {  	s3 =	sshll.u32 s3, $0x3  }
0xe3: {  	s3 =	sand.u32 $0x1FFFFEC0, s3  }
0xe4: {  	[tilespmem:s23+$0xE260] =	vst.add.f32.msk $0xffff, v0;
	s12 =	simm.s32 $0x0;
	s3 =	sadd.s32 s2, s3  }
0xe5: {  	[hbm4b:s3+s12] =	stream.linear.scatter [tilespmem:s18], [sflag:$0x9], $0x3200, $0x38;
	[tilespmem:$0x1DC00] =	vst v63  }
0xe6: {  	_ =	swait.ge [sflag:s0], $0x1900  }
0xe7: {  	[sflag:s0] =	ssyncset.done $0x0  }
0xe8: {  	[sflag:s0] =	ssyncadd.s32 $0xFFFFE700  }
0xe9: {  	_ =	swait.ge [sflag:s0], $0x1900  }
0xea: {  	[sflag:s0] =	ssyncset.done $0x0  }
0xeb: {  	s21 =	simm.s32 $0x0;
	[sflag:s0] =	ssyncadd.s32 $0xFFFFE700  }
0xec: {  	v0 =	vld [tilespmem:s21+$0x1A70]  }
0xed: {  	v1 =	vld [tilespmem:s21+$0x1A00]  }
0xee: {  	v2 =	vld [tilespmem:s21+$0x1A10]  }
0xef: {  	v3 =	vld [tilespmem:s21+$0x1A20]  }
0xf0: {  	v4 =	vld [tilespmem:s21+$0x1A30]  }
0xf1: {  	v5 =	vld [tilespmem:s21+$0x1A40]  }
0xf2: {  	v6 =	vld [tilespmem:s21+$0x1A50]  }
0xf3: {  	[tilespmem:s21+$0x11470] =	vst.add.f32.msk $0xffff, v0  }
0xf4: {  	v0 =	vld [tilespmem:s21+$0x1A60]  }
0xf5: {  	[tilespmem:s21+$0x11400] =	vst.add.f32.msk $0xffff, v1  }
0xf6: {  	[tilespmem:s21+$0x11410] =	vst.add.f32.msk $0xffff, v2  }
0xf7: {  	[tilespmem:s21+$0x11420] =	vst.add.f32.msk $0xffff, v3  }
0xf8: {  	[tilespmem:s21+$0x11430] =	vst.add.f32.msk $0xffff, v4  }
0xf9: {  	[tilespmem:s21+$0x11440] =	vst.add.f32.msk $0xffff, v5  }
0xfa: {  	s3 =	simm.s32 $0x0;
	s12 =	simm.s32 $0x200;
	[tilespmem:s21+$0x11450] =	vst.add.f32.msk $0xffff, v6  }
.LBB2_11:
0xfb: {  	s3 =	sadd.s32 $0x2, s3;
	[tilespmem:s21+$0x11460] =	vst.add.f32.msk $0xffff, v0;
	s21 =	sshra.s32 s12, $0x2  }
0xfc: {  	v0 =	vld [tilespmem:s21+$0x1A70];
	p0 =	slt.u32 s3, $0xC6  }
0xfd: {  	v1 =	vld [tilespmem:s21+$0x1A00]  }
0xfe: {  	v2 =	vld [tilespmem:s21+$0x1A10]  }
0xff: {  	v3 =	vld [tilespmem:s21+$0x1A20]  }
0x100: {  	v4 =	vld [tilespmem:s21+$0x1A30]  }
0x101: {  	[tilespmem:s21+$0x11470] =	vst.add.f32.msk $0xffff, v0  }
0x102: {  	v5 =	vld [tilespmem:s21+$0x1A40]  }
0x103: {  	v6 =	vld [tilespmem:s21+$0x1A50]  }
0x104: {  	v0 =	vld [tilespmem:s21+$0x1A60]  }
0x105: {  	[tilespmem:s21+$0x11400] =	vst.add.f32.msk $0xffff, v1  }
.Ltmp4:
0x106: {  	[tilespmem:s21+$0x11410] =	vst.add.f32.msk $0xffff, v2;
	(pc) =	sbr.rel @p0 .LBB2_11-.Ltmp4, $4  }
0x107: {  	[tilespmem:s21+$0x11420] =	vst.add.f32.msk $0xffff, v3  }
0x108: {  	[tilespmem:s21+$0x11430] =	vst.add.f32.msk $0xffff, v4  }
0x109: {  	[tilespmem:s21+$0x11440] =	vst.add.f32.msk $0xffff, v5  }
0x10a: {  	s12 =	sadd.s32 $0x200, s12;
	[tilespmem:s21+$0x11450] =	vst.add.f32.msk $0xffff, v6  }
0x10b: {  	s3 =	smul.u32 $0xC8, s19;
	_ =	sdelay $0x1  }
0x10c: {  	s3 =	sadd.s32 s6, s3  }
0x10d: {  	s3 =	sshll.u32 s3, $0x3  }
0x10e: {  	s3 =	sand.u32 $0x1FFFFF00, s3  }
0x10f: {  	[tilespmem:s21+$0x11460] =	vst.add.f32.msk $0xffff, v0;
	s12 =	simm.s32 $0x0;
	s3 =	sadd.s32 s2, s3  }
0x110: {  	[hbm4b:s3+s12] =	stream.linear.scatter [tilespmem:s20], [sflag:$0x9], $0x3200, $0x38;
	[tilespmem:$0x1DC00] =	vst v63  }
0x111: {  	_ =	swait.ge [sflag:s10], $0x1900  }
0x112: {  	[sflag:s10] =	ssyncset.done $0x0  }
0x113: {  	[sflag:s10] =	ssyncadd.s32 $0xFFFFE700  }
0x114: {  	_ =	swait.ge [sflag:s10], $0x1900  }
0x115: {  	[sflag:s10] =	ssyncset.done $0x0  }
0x116: {  	s19 =	simm.s32 $0x0;
	[sflag:s10] =	ssyncadd.s32 $0xFFFFE700  }
0x117: {  	v0 =	vld [tilespmem:s19+$0x1A70]  }
0x118: {  	v1 =	vld [tilespmem:s19+$0x1A00]  }
0x119: {  	v2 =	vld [tilespmem:s19+$0x1A10]  }
0x11a: {  	v3 =	vld [tilespmem:s19+$0x1A20]  }
0x11b: {  	v4 =	vld [tilespmem:s19+$0x1A30]  }
0x11c: {  	v5 =	vld [tilespmem:s19+$0x1A40]  }
0x11d: {  	v6 =	vld [tilespmem:s19+$0x1A50]  }
0x11e: {  	[tilespmem:s19+$0x14670] =	vst.add.f32.msk $0xffff, v0  }
0x11f: {  	v0 =	vld [tilespmem:s19+$0x1A60]  }
0x120: {  	[tilespmem:s19+$0x14600] =	vst.add.f32.msk $0xffff, v1  }
0x121: {  	[tilespmem:s19+$0x14610] =	vst.add.f32.msk $0xffff, v2  }
0x122: {  	[tilespmem:s19+$0x14620] =	vst.add.f32.msk $0xffff, v3  }
0x123: {  	[tilespmem:s19+$0x14630] =	vst.add.f32.msk $0xffff, v4  }
0x124: {  	[tilespmem:s19+$0x14640] =	vst.add.f32.msk $0xffff, v5  }
0x125: {  	s3 =	simm.s32 $0x0;
	s12 =	simm.s32 $0x200;
	[tilespmem:s19+$0x14650] =	vst.add.f32.msk $0xffff, v6  }
.LBB2_13:
0x126: {  	s3 =	sadd.s32 $0x2, s3;
	[tilespmem:s19+$0x14660] =	vst.add.f32.msk $0xffff, v0;
	s19 =	sshra.s32 s12, $0x2  }
0x127: {  	v0 =	vld [tilespmem:s19+$0x1A70];
	p0 =	slt.u32 s3, $0xC6  }
0x128: {  	v1 =	vld [tilespmem:s19+$0x1A00]  }
0x129: {  	v2 =	vld [tilespmem:s19+$0x1A10]  }
0x12a: {  	v3 =	vld [tilespmem:s19+$0x1A20]  }
0x12b: {  	v4 =	vld [tilespmem:s19+$0x1A30]  }
0x12c: {  	[tilespmem:s19+$0x14670] =	vst.add.f32.msk $0xffff, v0  }
0x12d: {  	v5 =	vld [tilespmem:s19+$0x1A40]  }
0x12e: {  	v6 =	vld [tilespmem:s19+$0x1A50]  }
0x12f: {  	v0 =	vld [tilespmem:s19+$0x1A60]  }
0x130: {  	[tilespmem:s19+$0x14600] =	vst.add.f32.msk $0xffff, v1  }
.Ltmp5:
0x131: {  	[tilespmem:s19+$0x14610] =	vst.add.f32.msk $0xffff, v2;
	(pc) =	sbr.rel @p0 .LBB2_13-.Ltmp5, $4  }
0x132: {  	[tilespmem:s19+$0x14620] =	vst.add.f32.msk $0xffff, v3  }
0x133: {  	[tilespmem:s19+$0x14630] =	vst.add.f32.msk $0xffff, v4  }
0x134: {  	[tilespmem:s19+$0x14640] =	vst.add.f32.msk $0xffff, v5  }
0x135: {  	s12 =	sadd.s32 $0x200, s12;
	[tilespmem:s19+$0x14650] =	vst.add.f32.msk $0xffff, v6  }
0x136: {  	s3 =	smul.u32 $0xC8, s17;
	_ =	sdelay $0x1  }
0x137: {  	s3 =	sadd.s32 s6, s3  }
0x138: {  	s3 =	sshll.u32 s3, $0x3  }
0x139: {  	s3 =	sand.u32 $0x1FFFFF40, s3  }
0x13a: {  	[tilespmem:s19+$0x14660] =	vst.add.f32.msk $0xffff, v0;
	s12 =	simm.s32 $0x0;
	s3 =	sadd.s32 s2, s3  }
0x13b: {  	[hbm4b:s3+s12] =	stream.linear.scatter [tilespmem:s22], [sflag:$0x9], $0x3200, $0x38;
	[tilespmem:$0x1DC00] =	vst v63  }
0x13c: {  	_ =	swait.ge [sflag:s5], $0x1900  }
0x13d: {  	[sflag:s5] =	ssyncset.done $0x0  }
0x13e: {  	[sflag:s5] =	ssyncadd.s32 $0xFFFFE700  }
0x13f: {  	_ =	swait.ge [sflag:s5], $0x1900  }
0x140: {  	[sflag:s5] =	ssyncset.done $0x0  }
0x141: {  	s17 =	simm.s32 $0x0;
	[sflag:s5] =	ssyncadd.s32 $0xFFFFE700  }
0x142: {  	v0 =	vld [tilespmem:s17+$0x1A70]  }
0x143: {  	v1 =	vld [tilespmem:s17+$0x1A00]  }
0x144: {  	v2 =	vld [tilespmem:s17+$0x1A10]  }
0x145: {  	v3 =	vld [tilespmem:s17+$0x1A20]  }
0x146: {  	v4 =	vld [tilespmem:s17+$0x1A30]  }
0x147: {  	v5 =	vld [tilespmem:s17+$0x1A40]  }
0x148: {  	v6 =	vld [tilespmem:s17+$0x1A50]  }
0x149: {  	[tilespmem:s17+$0x17870] =	vst.add.f32.msk $0xffff, v0  }
0x14a: {  	v0 =	vld [tilespmem:s17+$0x1A60]  }
0x14b: {  	[tilespmem:s17+$0x17800] =	vst.add.f32.msk $0xffff, v1  }
0x14c: {  	[tilespmem:s17+$0x17810] =	vst.add.f32.msk $0xffff, v2  }
0x14d: {  	[tilespmem:s17+$0x17820] =	vst.add.f32.msk $0xffff, v3  }
0x14e: {  	[tilespmem:s17+$0x17830] =	vst.add.f32.msk $0xffff, v4  }
0x14f: {  	[tilespmem:s17+$0x17840] =	vst.add.f32.msk $0xffff, v5  }
0x150: {  	s3 =	simm.s32 $0x0;
	s12 =	simm.s32 $0x200;
	[tilespmem:s17+$0x17850] =	vst.add.f32.msk $0xffff, v6  }
.LBB2_15:
0x151: {  	s3 =	sadd.s32 $0x2, s3;
	[tilespmem:s17+$0x17860] =	vst.add.f32.msk $0xffff, v0;
	s17 =	sshra.s32 s12, $0x2  }
0x152: {  	v0 =	vld [tilespmem:s17+$0x1A70];
	p0 =	slt.u32 s3, $0xC6  }
0x153: {  	v1 =	vld [tilespmem:s17+$0x1A00]  }
0x154: {  	v2 =	vld [tilespmem:s17+$0x1A10]  }
0x155: {  	v3 =	vld [tilespmem:s17+$0x1A20]  }
0x156: {  	v4 =	vld [tilespmem:s17+$0x1A30]  }
0x157: {  	[tilespmem:s17+$0x17870] =	vst.add.f32.msk $0xffff, v0  }
0x158: {  	v5 =	vld [tilespmem:s17+$0x1A40]  }
0x159: {  	v6 =	vld [tilespmem:s17+$0x1A50]  }
0x15a: {  	v0 =	vld [tilespmem:s17+$0x1A60]  }
0x15b: {  	[tilespmem:s17+$0x17800] =	vst.add.f32.msk $0xffff, v1  }
.Ltmp6:
0x15c: {  	[tilespmem:s17+$0x17810] =	vst.add.f32.msk $0xffff, v2;
	(pc) =	sbr.rel @p0 .LBB2_15-.Ltmp6, $4  }
0x15d: {  	[tilespmem:s17+$0x17820] =	vst.add.f32.msk $0xffff, v3  }
0x15e: {  	[tilespmem:s17+$0x17830] =	vst.add.f32.msk $0xffff, v4  }
0x15f: {  	[tilespmem:s17+$0x17840] =	vst.add.f32.msk $0xffff, v5  }
0x160: {  	s12 =	sadd.s32 $0x200, s12;
	[tilespmem:s17+$0x17850] =	vst.add.f32.msk $0xffff, v6  }
0x161: {  	s3 =	smul.u32 $0xC8, s15;
	_ =	sdelay $0x1  }
0x162: {  	s3 =	sadd.s32 s6, s3  }
0x163: {  	s3 =	sshll.u32 s3, $0x3  }
0x164: {  	s3 =	sand.u32 $0x1FFFFF80, s3  }
0x165: {  	[tilespmem:s17+$0x17860] =	vst.add.f32.msk $0xffff, v0;
	s12 =	simm.s32 $0x0;
	s3 =	sadd.s32 s2, s3  }
0x166: {  	[hbm4b:s3+s12] =	stream.linear.scatter [tilespmem:s24], [sflag:$0x9], $0x3200, $0x38;
	[tilespmem:$0x1DC00] =	vst v63  }
0x167: {  	_ =	swait.ge [sflag:s7], $0x1900  }
0x168: {  	[sflag:s7] =	ssyncset.done $0x0  }
0x169: {  	[sflag:s7] =	ssyncadd.s32 $0xFFFFE700  }
0x16a: {  	_ =	swait.ge [sflag:s7], $0x1900  }
0x16b: {  	[sflag:s7] =	ssyncset.done $0x0  }
0x16c: {  	s15 =	simm.s32 $0x0;
	[sflag:s7] =	ssyncadd.s32 $0xFFFFE700  }
0x16d: {  	v0 =	vld [tilespmem:s15+$0x1A70]  }
0x16e: {  	v1 =	vld [tilespmem:s15+$0x1A00]  }
0x16f: {  	v2 =	vld [tilespmem:s15+$0x1A10]  }
0x170: {  	v3 =	vld [tilespmem:s15+$0x1A20]  }
0x171: {  	v4 =	vld [tilespmem:s15+$0x1A30]  }
0x172: {  	v5 =	vld [tilespmem:s15+$0x1A40]  }
0x173: {  	v6 =	vld [tilespmem:s15+$0x1A50]  }
0x174: {  	[tilespmem:s15+$0x1AA70] =	vst.add.f32.msk $0xffff, v0  }
0x175: {  	v0 =	vld [tilespmem:s15+$0x1A60]  }
0x176: {  	[tilespmem:s15+$0x1AA00] =	vst.add.f32.msk $0xffff, v1  }
0x177: {  	[tilespmem:s15+$0x1AA10] =	vst.add.f32.msk $0xffff, v2  }
0x178: {  	[tilespmem:s15+$0x1AA20] =	vst.add.f32.msk $0xffff, v3  }
0x179: {  	[tilespmem:s15+$0x1AA30] =	vst.add.f32.msk $0xffff, v4  }
0x17a: {  	[tilespmem:s15+$0x1AA40] =	vst.add.f32.msk $0xffff, v5  }
0x17b: {  	s3 =	simm.s32 $0x0;
	s12 =	simm.s32 $0x200;
	[tilespmem:s15+$0x1AA50] =	vst.add.f32.msk $0xffff, v6  }
.LBB2_17:
0x17c: {  	s3 =	sadd.s32 $0x2, s3;
	[tilespmem:s15+$0x1AA60] =	vst.add.f32.msk $0xffff, v0;
	s15 =	sshra.s32 s12, $0x2  }
0x17d: {  	v0 =	vld [tilespmem:s15+$0x1A70];
	p0 =	slt.u32 s3, $0xC6  }
0x17e: {  	v1 =	vld [tilespmem:s15+$0x1A00]  }
0x17f: {  	v2 =	vld [tilespmem:s15+$0x1A10]  }
0x180: {  	v3 =	vld [tilespmem:s15+$0x1A20]  }
0x181: {  	v4 =	vld [tilespmem:s15+$0x1A30]  }
0x182: {  	[tilespmem:s15+$0x1AA70] =	vst.add.f32.msk $0xffff, v0  }
0x183: {  	v5 =	vld [tilespmem:s15+$0x1A40]  }
0x184: {  	v6 =	vld [tilespmem:s15+$0x1A50]  }
0x185: {  	v0 =	vld [tilespmem:s15+$0x1A60]  }
0x186: {  	[tilespmem:s15+$0x1AA00] =	vst.add.f32.msk $0xffff, v1  }
.Ltmp7:
0x187: {  	[tilespmem:s15+$0x1AA10] =	vst.add.f32.msk $0xffff, v2;
	(pc) =	sbr.rel @p0 .LBB2_17-.Ltmp7, $4  }
0x188: {  	[tilespmem:s15+$0x1AA20] =	vst.add.f32.msk $0xffff, v3  }
0x189: {  	[tilespmem:s15+$0x1AA30] =	vst.add.f32.msk $0xffff, v4  }
0x18a: {  	[tilespmem:s15+$0x1AA40] =	vst.add.f32.msk $0xffff, v5  }
0x18b: {  	s12 =	sadd.s32 $0x200, s12;
	[tilespmem:s15+$0x1AA50] =	vst.add.f32.msk $0xffff, v6  }
0x18c: {  	s3 =	smul.u32 $0xC8, s13;
	_ =	sdelay $0x1  }
0x18d: {  	s3 =	sadd.s32 s6, s3  }
0x18e: {  	s3 =	sshll.u32 s3, $0x3  }
0x18f: {  	s3 =	sand.u32 $0x1FFFFFC0, s3  }
0x190: {  	[tilespmem:s15+$0x1AA60] =	vst.add.f32.msk $0xffff, v0;
	s12 =	simm.s32 $0x0;
	s3 =	sadd.s32 s2, s3  }
0x191: {  	[hbm4b:s3+s12] =	stream.linear.scatter [tilespmem:s26], [sflag:$0x9], $0x3200, $0x38;
	[tilespmem:$0x1DC00] =	vst v63  }
0x192: {  	_ =	swait.ge [sflag:s8], $0x3200  }
0x193: {  	[sflag:s8] =	ssyncset.done $0x0  }
0x194: {  	[sflag:s8] =	ssyncadd.s32 $0xFFFFCE00  }
0x195: {  	_ =	swait.ge [sflag:s8], $0x3200  }
0x196: {  	[sflag:s8] =	ssyncset.done $0x0  }
0x197: {  	[sflag:s8] =	ssyncadd.s32 $0xFFFFCE00  }
0x198: {  	_ =	swait.ge [sflag:s8], $0x3200  }
0x199: {  	[sflag:s8] =	ssyncset.done $0x0  }
0x19a: {  	[sflag:s8] =	ssyncadd.s32 $0xFFFFCE00  }
0x19b: {  	_ =	swait.ge [sflag:s8], $0x3200  }
0x19c: {  	[sflag:s8] =	ssyncset.done $0x0  }
0x19d: {  	[sflag:s8] =	ssyncadd.s32 $0xFFFFCE00  }
0x19e: {  	_ =	swait.ge [sflag:s8], $0x3200  }
0x19f: {  	[sflag:s8] =	ssyncset.done $0x0  }
0x1a0: {  	[sflag:s8] =	ssyncadd.s32 $0xFFFFCE00  }
0x1a1: {  	_ =	swait.ge [sflag:s8], $0x3200  }
0x1a2: {  	[sflag:s8] =	ssyncset.done $0x0  }
0x1a3: {  	s9 =	sadd.s32 $0x1, s9;
	[sflag:s8] =	ssyncadd.s32 $0xFFFFCE00  }
0x1a4: {  	p0 =	sne.s32 s9, $0x4;
	_ =	swait.ge [sflag:s8], $0x3200  }
.Ltmp8:
0x1a5: {  	[sflag:s8] =	ssyncset.done $0x0;
	(pc) =	sbr.rel @p0 .LBB2_2-.Ltmp8, $4  }
0x1a6: {  	[sflag:s8] =	ssyncadd.s32 $0xFFFFCE00  }
0x1a7: {  	_ =	swait.ge [sflag:s8], $0x3200  }
0x1a8: {  	[sflag:s8] =	ssyncset.done $0x0  }
0x1a9: {  	[sflag:s8] =	ssyncadd.s32 $0xFFFFCE00  }
0x1aa: {  	s9 =	rddreg [dreg:$0x6]  }
0x1ab: {  	s3 =	rddreg [dreg:$0x5];
	s9 =	sadd.s32 $0x1, s9  }
0x1ac: {  	p0 =	sne.s32 s9, s3  }
.Ltmp9:
0x1ad: {  	_ = 	snop;
	(pc) =	sbr.rel @p0 .LBB2_1-.Ltmp9, $1  }
0x1ae: {  	_ =	sdelay $0x3  }
0x1af: {  	_ =	sfence.sel $0x180000  }
0x1b0: {  	[bflag:$0x0] =	sbarrier.arrive $0xFFFF  }
0x1b1: {  	_ =	strace $0x90000047  }
0x1b2: {  	s0 =	stileid.u32;
	[bflag:$0x2] =	sbarrier.arrive $0xFFFF  }
0x1b3: {  	p0 =	sne.s32 s0, $0x0;
	s0 =	rddreg [dreg:$0x2]  }
0x1b4: {  	s0 =	sadd.s32 @!p0 $0x100000, s0  }
0x1b5: {  	[sflag:s0] =	ssyncadd.tile.s32 @!p0 $0x1;
	_ =	shalt  }
.Lfunc_end2:
_tile_overlayer_lowered:
.L_overlay_start_2:
0x1b6: {  	(tag) =	ssettag $0x2  }
0x1b7: {  	s0 =	rddreg [dreg:$0x0];
	s2 =	stileid.u32  }
0x1b8: {  	s1 =	rddreg [dreg:$0x1];
	p0 =	sne.s32 s2, $0x0  }
0x1b9: {  	s3 =	rddreg [dreg:$0x2];
	[bflag:$0x3] =	sbarrier.arrive $0xFFFF;
	s2 =	simm.s32 @!p0 $0x1C0A  }
0x1ba: {  	[timem:s3], [sflag:s2] =	dma.local @!p0 [hbm:s0], s1  }
0x1bb: {  	s0 =	simm.s32 @!p0 $0xA  }
0x1bc: {  	_ =	swait.ge @!p0 [sflag:s0], s1  }
0x1bd: {  	s1 =	ssub.s32 @!p0 $0x0, s1;
	[sflag:s0] =	ssyncset.done @!p0 $0x0  }
0x1be: {  	[sflag:s0] =	ssyncadd.s32 @!p0 s1  }
0x1bf: {  	[bflag:$0x3] =	sbarrier.arrive $0xFFFF  }
0x1c0: {  	_ =	shalt  }

// kernel: sparse-core-data-format-call.cloned.1.call-start
scs
called_computation_lowered:
.L_overlay_start_0:
0x0: {  	s2 =	sld [smem:$0x3FD9]  }
0x1: {  	s3 =	sld [smem:$0x3FFE];
	_ =	sdelay $0x1  }
0x2: {  	s1 =	srdreg.scid  }
0x3: {  	s0 =	sand.u32 $0x1, s1  }
0x4: {  	s18 =	sshll.u32 s0, $0xA;
	s2 =	sadd.s32 s3, s2  }
0x5: {  	s2 =	sadd.s32 s2, s18  }
0x6: {  	[smem:$0x3FC5] =	sst s2  }
0x7: {  	_ = 	snop  }
0x8: {  	s2 =	sld [smem:$0x3FD0];
	(tm) =	ssettm $0x1  }
0x9: {  	s19 =	sld [smem:$0x3FFB];
	_ =	sdelay $0x3  }
0xa: {  	_ =	strace s19  }
0xb: {  	s3 =	sld [smem:$0x3FFC];
	_ =	sdelay $0x3  }
0xc: {  	_ =	strace s3  }
0xd: {  	s3 =	sld [smem:$0x3FFD];
	_ =	sdelay $0x3  }
0xe: {  	_ =	strace s3  }
0xf: {  	_ =	strace $0x8FFFFFFF  }
0x10: {  	s20 =	sld [smem:$0x3FDB];
	_ =	sdelay $0x1  }
0x11: {  	s4 =	simm.s32 $_scs_section_size  }
0x12: {  	s5 =	simm.s32 $_size__tile_overlayer_lowered;
	s6 =	simm.s32 $_tile_overlayer_lowered  }
0x13: {  	s23 =	simm.s32 $0x1BFF;
	s22 =	sshll.u32 s6, $0x1;
	s3 =	sadd.s32 s4, s20  }
0x14: {  	s7 =	simm.s32 $0x0;
	s21 =	sshll.u32 s5, $0x1;
	s5 =	sadd.s32 s22, s3  }
0x15: {  	[timem:s7], [sflag:s23] =	dma.local [hbm:s5], s21  }
0x16: {  	_ =	swait.ge [sflag:s23], s21  }
0x17: {  	s4 =	ssub.s32 $0x0, s21;
	[sflag:s23] =	ssyncset.done $0x0  }
0x18: {  	[sflag:s23] =	ssyncadd.s32 s4;
	_ =	sdelay $0x1  }
0x19: {  	s24 =	simm.s32 $0x1B8B  }
0x1a: {  	_ =	swait.ge [sflag:s24], $0x1  }
0x1b: {  	[sflag:s24] =	ssyncset.done $0x0  }
0x1c: {  	s26 =	simm.s32 $0x1B8E;
	s25 =	sld [smem:$0x3FFE];
	[sflag:s24] =	ssyncadd.s32 $0xFFFFFFFF  }
0x1d: {  	s27 =	simm.s32 $execute0_lowered;
	[smem:$0x3FD2] =	sst s26  }
0x1e: {  	s5 =	sshll.u32 s27, $0x1;
	_ =	strace $0x80000049;
	[dreg:$0x1] =	wrdreg $0xFFFFFFFF  }
0x1f: {  	s28 =	simm.s32 $_size_execute0_lowered;
	s3 =	sadd.s32 s3, s5;
	[dreg:$0x0] =	wrdreg $0x0  }
0x20: {  	s5 =	sshll.u32 s28, $0x1;
	[dreg:$0x2] =	wrdreg s3  }
0x21: {  	[dreg:$0x3] =	wrdreg s5  }
0x22: {  	[dreg:$0x4] =	wrdreg $0xC0  }
0x23: {  	_ =	task [dreg:s7], $0x5FFFF  }
0x24: {  	[dreg:$0x1] =	wrdreg $0xFFFFFFFF  }
0x25: {  	[dreg:$0x0] =	wrdreg $0x60  }
0x26: {  	[dreg:$0x2] =	wrdreg s25  }
0x27: {  	[dreg:$0x3] =	wrdreg s2  }
0x28: {  	[dreg:$0x4] =	wrdreg $0x9  }
0x29: {  	_ =	task.clear_ibuf [dreg:s7], $0x5FFFF;
	_ =	strace $0x90000049  }
0x2a: {  	s29 =	simm.s32 $0x9;
	_ =	strace $0x8000004B  }
0x2b: {  	_ =	swait.ge [sflag:s29], $0x1  }
0x2c: {  	[sflag:s29] =	ssyncadd.s32 $0xFFFFFFFF  }
0x2d: {  	_ =	strace $0x9000004B  }
0x2e: {  	_ =	sfence  }
0x2f: {  	s30 =	sld [smem:$0x0];
	_ =	sdelay $0x2  }
0x30: {  	s31 =	sshll.u32 s1, $0xD;
	s1 =	sshrl.u32 s1, $0x2  }
0x31: {  	s3 =	sand.u32 $0x4000, s31;
	s1 =	sadd.s32 s1, s30  }
0x32: {  	s0 =	sor.u32 s3, s0;
	s1 =	sshll.u32 s1, $0x11  }
0x33: {  	s0 =	sor.u32 s1, s0  }
0x34: {  	s0 =	sadd.s32 $0x8F2B, s0  }
0x35: {  	[sflag:s0] =	ssyncadd.remote.s32 $0x1  }
0x36: {  	_ =	sfence.sel $0xFFFF  }
0x37: {  	[dreg:$0x0] =	wrdreg $0xFFFFFFFF;
	(pc) =	sbr.abs _section_cstart, $3  }
0x38: {  	[dreg:$0x1] =	wrdreg $0xFFFFFFFF  }
0x39: {  	_ =	task.clear_ibuf [dreg:s7], $0x2FFFF;
	_ =	strace $0x9FFFFFFF  }
0x3a: {  	(tm) =	ssettm $0x7FFFFFFF  }
0x3b: {  	_ =	shalt  }
tec
execute0_lowered:
.L_overlay_start_1:
0x0: {  	(tag) =	ssettag $0x1  }
0x1: {  	s0 =	stileid.u32;
	s6 =	rddreg [dreg:$0x0]  }
0x2: {  	s2 =	rddreg [dreg:$0x1];
	s5 =	srdreg.scid  }
0x3: {  	s31 =	simm.s32 $0x2;
	s13 =	simm.s32 $0x0;
	s1 =	sshll.u32 s0, $0x7  }
0x4: {  	s14 =	simm.s32 $0x0;
	s12 =	simm.s32 $0x0;
	s3 =	sand.u32 $0x380, s1  }
0x5: {  	s5 =	sshll.u32 s5, $0x4;
	s6 =	sadd.s32 $0xC00, s6;
	s4 =	ssub.s32 $0x400, s3  }
0x6: {  	s1 =	rddreg [dreg:$0x2];
	_ =	strace $0x8000004A;
	s7 =	sand.u32 $0x380, s4  }
0x7: {  	s5 =	sand.u32 $0x10, s5;
	p0 =	sne.s32 s7, $0x0;
	s7 =	simm.s32 $0x1  }
.Ltmp0:
0x8: {  	s8 =	sshrl.u32 s4, $0xA;
	s7 =	simm.s32 @!p0 $0x0;
	(pc) =	sbr.rel .LBB1_1-.Ltmp0, $4  }
0x9: {  	s9 =	sor.u32 s0, s5;
	s4 =	simm.s32 $0x1;
	s30 =	sadd.s32 s7, s8  }
0xa: {  	s11 =	smov.u32 s3;
	[sflag:s4] =	ssyncpa.u1 $0x0;
	s5 =	smul.u32 $0x32, s30  }
0xb: {  	[sflag:s31] =	ssyncpa.u1 $0x0;
	p0 =	por $0x0, $0x0;
	s7 =	sshrl.u32 s9, $0x3  }
0xc: {  	s9 =	simm.s32 $0x2000;
	s10 =	smov.u32 s7;
	s8 =	sor.u32 $0x1, s5  }
.LBB1_4:
0xd: {  	s17 =	sand.u32 $0x1F80, s14;
	s13 =	sshll.u32 s13, $0xD  }
0xe: {  	[tilespmem:s16+$0x810 ss:$0x81] =	vst.msk $0xffff, v2;
	s18 =	sshrl.u32 s14, $0x3;
	s31 =	sand.u32 $0x7, s14;
	s17 =	sadd.s32 s2, s17  }
0xf: {  	[tilespmem:s16+$0x1020 ss:$0x81] =	vst.msk $0xffff, v0;
	s18 =	sand.u32 $0xF, s18;
	s14 =	sshll.u32 s31, $0x12;
	s13 =	sadd.s32 s13, s17  }
0x10: {  	[tilespmem:s16+$0x0 ss:$0x81] =	vst.msk $0xffff, v1;
	s14 =	sor.u32 $0x400, s14;
	s13 =	sadd.s32 s18, s13  }
0x11: {  	[hbm4b:s13+s14] =	stream.strided.scatter [tilespmem:s15], [sflag:$0x2], $0x2000, s9, s14, $0x20;
	[tilespmem:$0x8080] =	vst v63  }
.LBB1_5:
0x12: {  	s15 =	sadd.s32 $0x4, s10  }
0x13: {  	s13 =	sadd.s32 $0x400, s11;
	s17 =	smov.u32 s11;
	p2 =	sgt.s32 s15, $0xC7  }
0x14: {  	s17 =	smov.u32 @p2 s13  }
0x15: {  	s15 =	smov.u32 @p2 s7;
	p2 =	sgt.s32 s17, $0x3FF  }
0x16: {  	s17 =	smov.u32 @p2 s3;
	p2 =	sne.s32 s12, s8  }
.Ltmp1:
0x17: {  	p1 =	slt.u32 s12, $0x2;
	(pc) =	sbr.rel @!p2 .LBB1_6-.Ltmp1, $4  }
0x18: {  	s16 =	simm.s32 @!p1 $0x2  }
0x19: {  	s14 =	smov.u32 s11;
	p0 =	por !p0, !p0;
	_ =	swait.ge @!p1 [sflag:s16], $0x2000  }
0x1a: {  	s13 =	smov.u32 s10;
	[sflag:s16] =	ssyncset.done @!p1 $0x0;
	s10 =	smov.u32 s15  }
0x1b: {  	s12 =	sadd.s32 $0x1, s12;
	[sflag:s16] =	ssyncadd.s32 @!p1 $0xFFFFE000;
	s11 =	smov.u32 s17  }
.LBB1_1:
0x1c: {  	p1 =	sge.u32 s12, s5  }
0x1d: {  	s15 =	sand.u32 @!p1 $0x1FFFFFF, s10  }
0x1e: {  	s16 =	smulhi.u32 @!p1 $0x147AE15, s15;
	_ =	sdelay $0x1  }
0x1f: {  	s16 =	smul.u32 @!p1 $0xC8, s16  }
0x20: {  	s17 =	sxor.u32 @!p1 $0xFFFFFFFF, s12;
	s18 =	smul.u32 @!p1 $0xC80, s11  }
0x21: {  	s31 =	sadd.s32 $0xFFFFFFFF, s12;
	s17 =	sshll.u32 @!p1 s17, $0xD;
	s15 =	ssub.s32 @!p1 s15, s16  }
0x22: {  	s16 =	sand.u32 @!p1 $0x2000, s17;
	s17 =	sadd.s32 @!p1 s6, s18;
	s15 =	sshll.u32 @!p1 s15, $0x4  }
0x23: {  	s18 =	simm.s32 @!p1 $0x6400;
	s15 =	sadd.s32 @!p1 s15, s17;
	s17 =	simm.s32 @!p1 $0x40  }
0x24: {  	[tilespmem:s16], [sflag:$0x1] =	stream.strided.gather @!p1 [hbm4b:s15+s17], $0x2000, s18, s17, $0x38;
	[tilespmem:$0x8080] =	vst v63  }
0x25: {  	p1 =	sge.u32 s31, s5  }
.Ltmp2:
0x26: {  	_ = 	snop;
	(pc) =	sbr.rel @p1 .LBB1_5-.Ltmp2, $1  }
0x27: {  	_ =	sdelay $0x3  }
0x28: {  	s15 =	simm.s32 $0x1  }
0x29: {  	_ =	swait.ge [sflag:s4], $0x2000;
	s15 =	simm.s32 @!p0 $0x0  }
0x2a: {  	[sflag:s4] =	ssyncset.done $0x0;
	s16 =	sshll.u32 s15, $0xD  }
0x2b: {  	[sflag:s4] =	ssyncadd.s32 $0xFFFFE000;
	s19 =	sor.u32 $0x20, s16  }
0x2c: {  	s15 =	smul.u32 $0x8100, s15;
	v3 =	vld [tilespmem:s19+$0x10]  }
0x2d: {  	s30 =	sand.u32 $0x1, s12;
	v2 =	vld [tilespmem:s19+$0xFFFFFFF0]  }
0x2e: {  	s16 =	smul.u32 $0x8100, s30;
	s15 =	sshrl.u32 s15, $0x2;
	v0 =	vld [tilespmem:s19+$0x0]  }
0x2f: {  	v1 =	vld [tilespmem:s19+$0xFFFFFFE0];
	s17 =	sor.u32 $0x4000, s15  }
0x30: {  	s31 =	sshrl.u32 s16, $0x2;
	s16 =	sadd.s32 $0x0, s17  }
0x31: {  	s18 =	simm.s32 $0x4;
	s19 =	sadd.s32 $0x40, s19;
	s15 =	sor.u32 $0x4000, s31;
	[tilespmem:s16+$0x1830 ss:$0x81] =	vst.msk $0xffff, v3  }
.LBB1_3:
0x32: {  	v3 =	vld [tilespmem:s19+$0x10];
	p1 =	sne.s32 s18, $0x1FC;
	[tilespmem:s16+$0x810 ss:$0x81] =	vst.msk $0xffff, v2;
	s20 =	smov.u32 s18;
	s18 =	sadd.s32 $0x4, s18  }
.Ltmp3:
0x33: {  	v2 =	vld [tilespmem:s19+$0xFFFFFFF0];
	[tilespmem:s16+$0x1020 ss:$0x81] =	vst.msk $0xffff, v0;
	(pc) =	sbr.rel @p1 .LBB1_3-.Ltmp3, $4  }
0x34: {  	v0 =	vld [tilespmem:s19+$0x0];
	[tilespmem:s16+$0x0 ss:$0x81] =	vst.msk $0xffff, v1  }
0x35: {  	s16 =	sshra.s32 s20, $0x2;
	v1 =	vld [tilespmem:s19+$0xFFFFFFE0]  }
0x36: {  	s16 =	sadd.s32 s16, s17  }
0x37: {  	s19 =	sadd.s32 $0x40, s19;
	[tilespmem:s16+$0x1830 ss:$0x81] =	vst.msk $0xffff, v3  }
.Ltmp4:
0x38: {  	_ = 	snop;
	(pc) =	sbr.rel .LBB1_4-.Ltmp4, $1  }
0x39: {  	_ =	sdelay $0x3  }
.LBB1_6:
0x3a: {  	_ =	sfence.sel $0x180000  }
0x3b: {  	s2 =	simm.s32 $0x1;
	[bflag:$0x0] =	sbarrier.arrive $0xFFFF  }
0x3c: {  	s31 =	simm.s32 $0x2;
	[sflag:s2] =	ssyncpa.u1 $0x1  }
0x3d: {  	[sflag:s31] =	ssyncpa.u1 $0x1  }
0x3e: {  	p0 =	sne.s32 s0, $0x0;
	_ =	strace $0x9000004A  }
0x3f: {  	s0 =	sadd.s32 @!p0 $0x100000, s1;
	[bflag:$0x2] =	sbarrier.arrive $0xFFFF  }
0x40: {  	[sflag:s0] =	ssyncadd.tile.s32 @!p0 $0x1;
	_ =	shalt  }
.Lfunc_end1:
_tile_overlayer_lowered:
.L_overlay_start_2:
0x41: {  	(tag) =	ssettag $0x2  }
0x42: {  	s0 =	rddreg [dreg:$0x0];
	s2 =	stileid.u32  }
0x43: {  	s1 =	rddreg [dreg:$0x1];
	p0 =	sne.s32 s2, $0x0  }
0x44: {  	s3 =	rddreg [dreg:$0x2];
	[bflag:$0x3] =	sbarrier.arrive $0xFFFF;
	s2 =	simm.s32 @!p0 $0x1C01  }
0x45: {  	[timem:s3], [sflag:s2] =	dma.local @!p0 [hbm:s0], s1  }
0x46: {  	s0 =	simm.s32 @!p0 $0x1  }
0x47: {  	_ =	swait.ge @!p0 [sflag:s0], s1  }
0x48: {  	s1 =	ssub.s32 @!p0 $0x0, s1;
	[sflag:s0] =	ssyncset.done @!p0 $0x0  }
0x49: {  	[sflag:s0] =	ssyncadd.s32 @!p0 s1  }
0x4a: {  	[bflag:$0x3] =	sbarrier.arrive $0xFFFF  }
0x4b: {  	_ =	shalt  }

</sc_bundles>
